<compile_context>
chip_gen: v7x
topology: tpu7x:2x2x1
jax: 0.10.2.dev20260603
libtpu: 0.0.44.dev20260713+nightly
codegen_flags: <defaults>
</compile_context>

<pallas_src>
import functools

import jax
import jax.numpy as jnp
from jax import lax
from jax.experimental import pallas as pl
from jax.experimental.pallas import tpu as pltpu
from jax.experimental.pallas import tpu_sc as plsc

_K = 512
_R = 256
_NW = 32
_CH = 16


def _keys_block(x_ref, gw_ref, k_ref):
    gate = lax.dot_general(x_ref[...], gw_ref[...], (((1,), (1,)), ((), ())),
                           preferred_element_type=jnp.float32)
    bits = lax.bitcast_convert_type(gate, jnp.int32)
    keys = jnp.where(bits < 0, bits ^ jnp.int32(0x7FFFFFFF), bits)
    k_ref[...] = keys ^ jnp.int32(-2**31)


def _apply_block(x_ref, gw_ref, uw_ref, dw_ref, thr_ref, o_ref):
    x = x_ref[...]
    gate = lax.dot_general(x, gw_ref[...], (((1,), (1,)), ((), ())),
                           preferred_element_type=jnp.float32)
    v = lax.dot_general(x.astype(jnp.bfloat16),
                        uw_ref[...].astype(jnp.bfloat16),
                        (((1,), (1,)), ((), ())),
                        preferred_element_type=jnp.float32)
    bits = lax.bitcast_convert_type(gate, jnp.int32)
    keys = jnp.where(bits < 0, bits ^ jnp.int32(0x7FFFFFFF), bits)
    act = gate * jax.nn.sigmoid(gate) * v
    act = jnp.where(keys >= thr_ref[...], act, 0.0)
    o_ref[...] = lax.dot_general(act.astype(jnp.bfloat16),
                                 dw_ref[...].astype(jnp.bfloat16),
                                 (((1,), (1,)), ((), ())),
                                 preferred_element_type=jnp.float32)


def _sc_thresholds(keys_hbm, thr_hbm, buf, obuf, hist, sem0, sem1, *, k,
                   rows_per, nch):
    cidx = lax.axis_index("c")
    sidx = lax.axis_index("s")
    wid = sidx * 2 + cidx
    base = wid * rows_per

    iota = lax.iota(jnp.int32, 16)
    ones = jnp.ones((16,), jnp.int32)
    zeros = jnp.zeros((16,), jnp.int32)

    def start(ci, slot, sem):
        pltpu.async_copy(keys_hbm.at[pl.ds(base + ci * _CH, _CH)],
                         buf.at[slot], sem)

    def wait(slot, sem):
        pltpu.make_async_copy(keys_hbm.at[pl.ds(base, _CH)], buf.at[slot],
                              sem).wait()

    gd = lax.GatherDimensionNumbers(offset_dims=(), collapsed_slice_dims=(0,),
                                    start_index_map=(0,))

    def bcast(vec, idx_v):
        return lax.gather(vec, idx_v[:, None], gd, (1,),
                          mode=lax.GatherScatterMode.PROMISE_IN_BOUNDS)

    def select_row(slot, r):
        krem = jnp.full((16,), k, jnp.int32)
        prefix = zeros
        hbase = 0
        for p in range(3):
            shift = 24 - 8 * p
            for j in range(16):
                hist[pl.ds(hbase + 16 * j, 16)] = zeros
            pmask = jnp.int32((1 << (8 * p)) - 1)
            pref_v = prefix

            @plsc.parallel_loop(0, 2048, step=16, unroll=8)
            def _(c):
                kv = buf[slot, r, pl.ds(c, 16)]
                digit = (kv >> shift) & 255
                dsw = hbase + (((digit & 15) << 4) | (digit >> 4))
                if p == 0:
                    plsc.addupdate_scatter(hist, [dsw], ones)
                else:
                    match = ((kv >> (shift + 8)) & pmask) == pref_v
                    plsc.addupdate_scatter(hist, [dsw], ones, mask=match)

            h_hi = hist[pl.ds(hbase, 16)]
            for j in range(1, 16):
                h_hi = h_hi + hist[pl.ds(hbase + 16 * j, 16)]
            s_hi = lax.rev(jnp.cumsum(lax.rev(h_hi, (0,))), (0,))
            sel_hi = s_hi >= krem
            d_hi = plsc.all_reduce_population_count(sel_hi) - 1
            s_at = bcast(s_hi, d_hi)
            h_at = bcast(h_hi, d_hi)
            a_gt = s_at - h_at

            h_lo = plsc.load_gather(hist, [hbase + iota * 16 + d_hi])
            s_lo = lax.rev(jnp.cumsum(lax.rev(h_lo, (0,))), (0,)) + a_gt
            sel_lo = s_lo >= krem
            d_lo = plsc.all_reduce_population_count(sel_lo) - 1
            sl_at = bcast(s_lo, d_lo)
            hl_at = bcast(h_lo, d_lo)

            krem = krem - (sl_at - hl_at)
            prefix = prefix * 256 + d_hi * 16 + d_lo
        return (prefix * 256) ^ jnp.int32(-2**31)

    def process(ci, slot):
        def row_body(r, thr_vec):
            thr = select_row(slot, r)
            r_v = jnp.full((16,), r, jnp.int32)
            return jnp.where(iota == r_v, thr, thr_vec)
        thr_vec = lax.fori_loop(0, _CH, row_body, zeros)
        obuf[pl.ds(ci * _CH, _CH)] = thr_vec

    start(0, 0, sem0)
    start(1, 1, sem1)

    def outer(ci2, carry):
        ci_a = ci2 * 2
        ci_b = ci2 * 2 + 1
        wait(0, sem0)
        process(ci_a, 0)

        @pl.when(ci_a + 2 < nch)
        def _():
            start(ci_a + 2, 0, sem0)

        wait(1, sem1)
        process(ci_b, 1)

        @pl.when(ci_b + 2 < nch)
        def _():
            start(ci_b + 2, 1, sem1)

        return carry

    lax.fori_loop(0, nch // 2, outer, jnp.int32(0))
    pltpu.sync_copy(obuf, thr_hbm.at[pl.ds(base, rows_per)])


@jax.jit
def kernel(x, gate_w, up_w, down_w):
    B, S, H = x.shape
    I = gate_w.shape[0]
    rows = B * S
    x2 = x.reshape(rows, H)

    nsplit = 1
    rows_c = rows // nsplit
    rows_per = rows_c // _NW
    nch = rows_per // _CH
    mesh = plsc.VectorSubcoreMesh(core_axis_name="c", subcore_axis_name="s")
    sc = functools.partial(
        pl.kernel,
        mesh=mesh,
        compiler_params=pltpu.CompilerParams(needs_layout_passes=False),
        out_type=jax.ShapeDtypeStruct((rows_c,), jnp.int32),
        scratch_types=[
            pltpu.VMEM((2, _CH, I), jnp.int32),
            pltpu.VMEM((rows_per,), jnp.int32),
            pltpu.VMEM((_CH * 256,), jnp.int32),
            pltpu.SemaphoreType.DMA,
            pltpu.SemaphoreType.DMA,
        ],
    )(functools.partial(_sc_thresholds, k=min(_K, I), rows_per=rows_per,
                        nch=nch))

    def tc1(xc):
        return pl.pallas_call(
            _keys_block,
            grid=(rows_c // _R,),
            in_specs=[
                pl.BlockSpec((_R, H), lambda i: (i, 0)),
                pl.BlockSpec((I, H), lambda i: (0, 0)),
            ],
            out_specs=pl.BlockSpec((_R, I), lambda i: (i, 0)),
            out_shape=jax.ShapeDtypeStruct((rows_c, I), jnp.int32),
        )(xc, gate_w)

    def tc2(xc, thr_c):
        return pl.pallas_call(
            _apply_block,
            grid=(rows_c // _R,),
            in_specs=[
                pl.BlockSpec((_R, H), lambda i: (i, 0)),
                pl.BlockSpec((I, H), lambda i: (0, 0)),
                pl.BlockSpec((I, H), lambda i: (0, 0)),
                pl.BlockSpec((H, I), lambda i: (0, 0)),
                pl.BlockSpec((_R, 1), lambda i: (i, 0)),
            ],
            out_specs=pl.BlockSpec((_R, H), lambda i: (i, 0)),
            out_shape=jax.ShapeDtypeStruct((rows_c, H), jnp.float32),
        )(xc, gate_w, up_w, down_w, thr_c.reshape(rows_c, 1))

    xs = [x2[i * rows_c:(i + 1) * rows_c] for i in range(nsplit)]
    keys = [tc1(xc) for xc in xs]
    thrs = [sc(kc) for kc in keys]
    outs = [tc2(xc, tc) for xc, tc in zip(xs, thrs)]
    out = jnp.concatenate(outs, axis=0)
    return out.reshape(B, S, H)

# --- scband reference (transcript-rebuilt; emitter-appended) ---
"""Pipeline reference for scband-llama-mo-c-mixed-6579889898129 (READ-ONLY COPY).

The authoritative reference and input builder live on the scoring server;
editing this copy changes nothing except your own understanding.
"""

import jax, jax.numpy as jnp
import numpy as np

HIDDEN = 768
INTER = 2048
ACT_CHANNELS = 512


def setup_inputs(seed: int = 0) -> dict:
    key = jax.random.key(seed)
    k1, k2, k3, k4 = jax.random.split(key, 4)
    x = jax.random.normal(k1, (2, 4096, HIDDEN), dtype=jnp.float32)
    gate_w = jax.random.normal(k2, (INTER, HIDDEN), dtype=jnp.float32) * 0.02
    up_w = jax.random.normal(k3, (INTER, HIDDEN), dtype=jnp.float32) * 0.02
    down_w = jax.random.normal(k4, (HIDDEN, INTER), dtype=jnp.float32) * 0.02
    return {"x": x, "gate_w": gate_w, "up_w": up_w, "down_w": down_w}


def reference(x, gate_w, up_w, down_w):
    B, S, H = x.shape
    I = gate_w.shape[0]
    # gate_proj and up_proj (nn.Linear, bias=False): y = x @ W.T
    gate = jnp.einsum('bsh,ih->bsi', x, gate_w)
    v = jnp.einsum('bsh,ih->bsi', x, up_w)
    g2 = gate.reshape(-1, I)
    v2 = v.reshape(-1, I)
    # top-k over intermediate channels
    gate_c, idx = jax.lax.top_k(g2, ACT_CHANNELS)
    # silu on selected gate channels
    act_c = gate_c * jax.nn.sigmoid(gate_c)
    # gather corresponding up-proj channels
    v_c = jnp.take_along_axis(v2, idx, axis=-1)
    scaled_v_c = act_c * v_c
    # scatter back into dense intermediate vector
    rows = jnp.arange(g2.shape[0])[:, None]
    scaled_v = jnp.zeros_like(g2).at[rows, idx].set(scaled_v_c)
    # down_proj: scaled_v @ down_w.T
    out = scaled_v @ down_w.T
    return out.reshape(B, S, H)

if __name__ == "__main__":
    import jax
    _d = setup_inputs()
    print(jax.jit(kernel)(*tuple(_d.values())))

</pallas_src>

<mosaic_0001>
#map = affine_map<(d0, d1) -> (0, 0)>
#map1 = affine_map<(d0, d1) -> (0)>
module attributes {stable_mosaic.version = 14 : i64} {
  func.func @_sc_thresholds(%arg0: i32, %arg1: i32, %arg2: memref<8192x2048xi32, #tpu.memory_space<hbm>>, %arg3: memref<8192xi32, #tpu.memory_space<hbm>>, %arg4: memref<2x16x2048xi32, #tpu.memory_space<vmem>>, %arg5: memref<256xi32, #tpu.memory_space<vmem>>, %arg6: memref<4096xi32, #tpu.memory_space<vmem>>, %arg7: memref<!tpu.dma_semaphore, #tpu.memory_space<semaphore_mem>>, %arg8: memref<!tpu.dma_semaphore, #tpu.memory_space<semaphore_mem>>) attributes {dimension_semantics = [#tpu.dimension_semantics<core_parallel>, #tpu.dimension_semantics<subcore_parallel>], iteration_bounds = array<i64: 2, 16>, scalar_prefetch = 0 : i64, scratch_operands = 5 : i64, tpu.core_type = #tpu.core_type<sc_vector_subcore>, window_params = [{transform_indices = #map}, {transform_indices = #map1}]} {
    %mul3A = arith.constant 2 : i32
    %mul3A_0 = arith.muli %arg1, %mul3A : i32
    %add3A = arith.addi %mul3A_0, %arg0 : i32
    %mul3A_1 = arith.constant 256 : i32
    %mul3A_2 = arith.muli %add3A, %mul3A_1 : i32
    %iota3A = tpu.iota {dimensions = array<i32: 0>} : vector<16xi32>
    %broadcast_in_dim3A = arith.constant 1 : i32
    %broadcast_in_dim3A_3 = vector.broadcast %broadcast_in_dim3A : i32 to vector<16xi32>
    %broadcast_in_dim3A_4 = arith.constant 0 : i32
    %broadcast_in_dim3A_5 = vector.broadcast %broadcast_in_dim3A_4 : i32 to vector<16xi32>
    %add3A_6 = arith.constant 0 : i32
    %add3A_7 = arith.addi %mul3A_2, %add3A_6 : i32
    %dma_start3A = arith.constant 0 : i32
    %dma_start3A_8 = arith.constant 0 : i32
    %dma_start3A_9 = arith.constant 0 : i32
    %dma_start3A_10 = tpu.memref_slice %arg4[%dma_start3A, %dma_start3A_8, %dma_start3A_9] : memref<2x16x2048xi32, #tpu.memory_space<vmem>> -> memref<1x16x2048xi32, #tpu.memory_space<vmem>>
    %dma_start3A_11 = tpu.memref_squeeze %dma_start3A_10 : memref<1x16x2048xi32, #tpu.memory_space<vmem>> -> memref<16x2048xi32, #tpu.memory_space<vmem>>
    %dma_start3A_12 = arith.constant 0 : i32
    %dma_start3A_13 = tpu.memref_slice %arg2[%add3A_7, %dma_start3A_12] : memref<8192x2048xi32, #tpu.memory_space<hbm>> -> memref<16x2048xi32, #tpu.memory_space<hbm>>
    %dma_start3A_14 = arith.constant 0 : i32
    %dma_start3A_15 = arith.constant 0 : i32
    %dma_start3A_16 = tpu.memref_slice %arg4[%dma_start3A, %dma_start3A_14, %dma_start3A_15] : memref<2x16x2048xi32, #tpu.memory_space<vmem>> -> memref<1x16x2048xi32, #tpu.memory_space<vmem>>
    %dma_start3A_17 = tpu.memref_squeeze %dma_start3A_16 : memref<1x16x2048xi32, #tpu.memory_space<vmem>> -> memref<16x2048xi32, #tpu.memory_space<vmem>>
    %dma_start3A_18 = arith.constant 0 : i32
    %dma_start3A_19 = tpu.memref_slice %arg2[%add3A_7, %dma_start3A_18] : memref<8192x2048xi32, #tpu.memory_space<hbm>> -> memref<16x2048xi32, #tpu.memory_space<hbm>>
    tpu.enqueue_dma source(%dma_start3A_19 : memref<16x2048xi32, #tpu.memory_space<hbm>>) target(%dma_start3A_17 : memref<16x2048xi32, #tpu.memory_space<vmem>>) target_semaphore(%arg7 : memref<!tpu.dma_semaphore, #tpu.memory_space<semaphore_mem>>)
    %add3A_20 = arith.constant 16 : i32
    %add3A_21 = arith.addi %mul3A_2, %add3A_20 : i32
    %dma_start3A_22 = arith.constant 1 : i32
    %dma_start3A_23 = arith.constant 0 : i32
    %dma_start3A_24 = arith.constant 0 : i32
    %dma_start3A_25 = tpu.memref_slice %arg4[%dma_start3A_22, %dma_start3A_23, %dma_start3A_24] : memref<2x16x2048xi32, #tpu.memory_space<vmem>> -> memref<1x16x2048xi32, #tpu.memory_space<vmem>>
    %dma_start3A_26 = tpu.memref_squeeze %dma_start3A_25 : memref<1x16x2048xi32, #tpu.memory_space<vmem>> -> memref<16x2048xi32, #tpu.memory_space<vmem>>
    %dma_start3A_27 = arith.constant 0 : i32
    %dma_start3A_28 = tpu.memref_slice %arg2[%add3A_21, %dma_start3A_27] : memref<8192x2048xi32, #tpu.memory_space<hbm>> -> memref<16x2048xi32, #tpu.memory_space<hbm>>
    %dma_start3A_29 = arith.constant 0 : i32
    %dma_start3A_30 = arith.constant 0 : i32
    %dma_start3A_31 = tpu.memref_slice %arg4[%dma_start3A_22, %dma_start3A_29, %dma_start3A_30] : memref<2x16x2048xi32, #tpu.memory_space<vmem>> -> memref<1x16x2048xi32, #tpu.memory_space<vmem>>
    %dma_start3A_32 = tpu.memref_squeeze %dma_start3A_31 : memref<1x16x2048xi32, #tpu.memory_space<vmem>> -> memref<16x2048xi32, #tpu.memory_space<vmem>>
    %dma_start3A_33 = arith.constant 0 : i32
    %dma_start3A_34 = tpu.memref_slice %arg2[%add3A_21, %dma_start3A_33] : memref<8192x2048xi32, #tpu.memory_space<hbm>> -> memref<16x2048xi32, #tpu.memory_space<hbm>>
    tpu.enqueue_dma source(%dma_start3A_34 : memref<16x2048xi32, #tpu.memory_space<hbm>>) target(%dma_start3A_32 : memref<16x2048xi32, #tpu.memory_space<vmem>>) target_semaphore(%arg8 : memref<!tpu.dma_semaphore, #tpu.memory_space<semaphore_mem>>)
    %scan3A = arith.constant 0 : i32
    %scan3A_35 = arith.constant 0 : i32
    %scan3A_36 = arith.constant 8 : i32
    %scan3A_37 = arith.addi %scan3A_35, %scan3A_36 : i32
    %scan3A_38 = arith.constant 1 : i32
    scf.for %scan3A_40 = %scan3A_35 to %scan3A_37 step %scan3A_38  : i32 {
      %mul3A_41 = arith.constant 2 : i32
      %mul3A_42 = arith.muli %scan3A_40, %mul3A_41 : i32
      %mul3A_43 = arith.constant 2 : i32
      %mul3A_44 = arith.muli %scan3A_40, %mul3A_43 : i32
      %add3A_45 = arith.constant 1 : i32
      %add3A_46 = arith.addi %mul3A_44, %add3A_45 : i32
      %dma_wait3A = arith.constant 0 : i32
      %dma_wait3A_47 = arith.constant 0 : i32
      %dma_wait3A_48 = arith.constant 0 : i32
      %dma_wait3A_49 = tpu.memref_slice %arg4[%dma_wait3A, %dma_wait3A_47, %dma_wait3A_48] : memref<2x16x2048xi32, #tpu.memory_space<vmem>> -> memref<1x16x2048xi32, #tpu.memory_space<vmem>>
      %dma_wait3A_50 = tpu.memref_squeeze %dma_wait3A_49 : memref<1x16x2048xi32, #tpu.memory_space<vmem>> -> memref<16x2048xi32, #tpu.memory_space<vmem>>
      %dma_wait3A_51 = arith.constant 0 : i32
      %dma_wait3A_52 = tpu.memref_slice %arg2[%mul3A_2, %dma_wait3A_51] : memref<8192x2048xi32, #tpu.memory_space<hbm>> -> memref<16x2048xi32, #tpu.memory_space<hbm>>
      %dma_wait3A_53 = arith.constant 0 : i32
      %dma_wait3A_54 = arith.constant 0 : i32
      %dma_wait3A_55 = tpu.memref_slice %arg4[%dma_wait3A, %dma_wait3A_53, %dma_wait3A_54] : memref<2x16x2048xi32, #tpu.memory_space<vmem>> -> memref<1x16x2048xi32, #tpu.memory_space<vmem>>
      %dma_wait3A_56 = tpu.memref_squeeze %dma_wait3A_55 : memref<1x16x2048xi32, #tpu.memory_space<vmem>> -> memref<16x2048xi32, #tpu.memory_space<vmem>>
      %dma_wait3A_57 = arith.constant 0 : i32
      %dma_wait3A_58 = tpu.memref_slice %arg2[%mul3A_2, %dma_wait3A_57] : memref<8192x2048xi32, #tpu.memory_space<hbm>> -> memref<16x2048xi32, #tpu.memory_space<hbm>>
      tpu.wait_dma2 semaphore(%arg7 : memref<!tpu.dma_semaphore, #tpu.memory_space<semaphore_mem>>) src(%dma_wait3A_58 : memref<16x2048xi32, #tpu.memory_space<hbm>>) dst(%dma_wait3A_56 : memref<16x2048xi32, #tpu.memory_space<vmem>>)
      %scan3A_59 = arith.constant 0 : i32
      %scan3A_60 = arith.constant 16 : i32
      %scan3A_61 = arith.addi %scan3A_59, %scan3A_60 : i32
      %scan3A_62 = arith.constant 1 : i32
      %scan3A_63 = scf.for %scan3A_102 = %scan3A_59 to %scan3A_61 step %scan3A_62 iter_args(%scan3A_103 = %broadcast_in_dim3A_5) -> (vector<16xi32>)  : i32 {
        %broadcast_in_dim3A_104 = arith.constant 512 : i32
        %broadcast_in_dim3A_105 = vector.broadcast %broadcast_in_dim3A_104 : i32 to vector<16xi32>
        %swap3A_106 = arith.constant 0 : index
        %swap3A_107 = tpu.vector_load %arg6[%swap3A_106] {strides = array<i32>} : memref<4096xi32, #tpu.memory_space<vmem>>, vector<16xi32>,
        tpu.vector_store %arg6[%swap3A_106], %broadcast_in_dim3A_5 {strides = array<i32>} : memref<4096xi32, #tpu.memory_space<vmem>>, vector<16xi32>,
        %swap3A_108 = arith.constant 16 : index
        %swap3A_109 = tpu.vector_load %arg6[%swap3A_108] {strides = array<i32>} : memref<4096xi32, #tpu.memory_space<vmem>>, vector<16xi32>,
        tpu.vector_store %arg6[%swap3A_108], %broadcast_in_dim3A_5 {strides = array<i32>} : memref<4096xi32, #tpu.memory_space<vmem>>, vector<16xi32>,
        %swap3A_110 = arith.constant 32 : index
        %swap3A_111 = tpu.vector_load %arg6[%swap3A_110] {strides = array<i32>} : memref<4096xi32, #tpu.memory_space<vmem>>, vector<16xi32>,
        tpu.vector_store %arg6[%swap3A_110], %broadcast_in_dim3A_5 {strides = array<i32>} : memref<4096xi32, #tpu.memory_space<vmem>>, vector<16xi32>,
        %swap3A_112 = arith.constant 48 : index
        %swap3A_113 = tpu.vector_load %arg6[%swap3A_112] {strides = array<i32>} : memref<4096xi32, #tpu.memory_space<vmem>>, vector<16xi32>,
        tpu.vector_store %arg6[%swap3A_112], %broadcast_in_dim3A_5 {strides = array<i32>} : memref<4096xi32, #tpu.memory_space<vmem>>, vector<16xi32>,
        %swap3A_114 = arith.constant 64 : index
        %swap3A_115 = tpu.vector_load %arg6[%swap3A_114] {strides = array<i32>} : memref<4096xi32, #tpu.memory_space<vmem>>, vector<16xi32>,
        tpu.vector_store %arg6[%swap3A_114], %broadcast_in_dim3A_5 {strides = array<i32>} : memref<4096xi32, #tpu.memory_space<vmem>>, vector<16xi32>,
        %swap3A_116 = arith.constant 80 : index
        %swap3A_117 = tpu.vector_load %arg6[%swap3A_116] {strides = array<i32>} : memref<4096xi32, #tpu.memory_space<vmem>>, vector<16xi32>,
        tpu.vector_store %arg6[%swap3A_116], %broadcast_in_dim3A_5 {strides = array<i32>} : memref<4096xi32, #tpu.memory_space<vmem>>, vector<16xi32>,
        %swap3A_118 = arith.constant 96 : index
        %swap3A_119 = tpu.vector_load %arg6[%swap3A_118] {strides = array<i32>} : memref<4096xi32, #tpu.memory_space<vmem>>, vector<16xi32>,
        tpu.vector_store %arg6[%swap3A_118], %broadcast_in_dim3A_5 {strides = array<i32>} : memref<4096xi32, #tpu.memory_space<vmem>>, vector<16xi32>,
        %swap3A_120 = arith.constant 112 : index
        %swap3A_121 = tpu.vector_load %arg6[%swap3A_120] {strides = array<i32>} : memref<4096xi32, #tpu.memory_space<vmem>>, vector<16xi32>,
        tpu.vector_store %arg6[%swap3A_120], %broadcast_in_dim3A_5 {strides = array<i32>} : memref<4096xi32, #tpu.memory_space<vmem>>, vector<16xi32>,
        %swap3A_122 = arith.constant 128 : index
        %swap3A_123 = tpu.vector_load %arg6[%swap3A_122] {strides = array<i32>} : memref<4096xi32, #tpu.memory_space<vmem>>, vector<16xi32>,
        tpu.vector_store %arg6[%swap3A_122], %broadcast_in_dim3A_5 {strides = array<i32>} : memref<4096xi32, #tpu.memory_space<vmem>>, vector<16xi32>,
        %swap3A_124 = arith.constant 144 : index
        %swap3A_125 = tpu.vector_load %arg6[%swap3A_124] {strides = array<i32>} : memref<4096xi32, #tpu.memory_space<vmem>>, vector<16xi32>,
        tpu.vector_store %arg6[%swap3A_124], %broadcast_in_dim3A_5 {strides = array<i32>} : memref<4096xi32, #tpu.memory_space<vmem>>, vector<16xi32>,
        %swap3A_126 = arith.constant 160 : index
        %swap3A_127 = tpu.vector_load %arg6[%swap3A_126] {strides = array<i32>} : memref<4096xi32, #tpu.memory_space<vmem>>, vector<16xi32>,
        tpu.vector_store %arg6[%swap3A_126], %broadcast_in_dim3A_5 {strides = array<i32>} : memref<4096xi32, #tpu.memory_space<vmem>>, vector<16xi32>,
        %swap3A_128 = arith.constant 176 : index
        %swap3A_129 = tpu.vector_load %arg6[%swap3A_128] {strides = array<i32>} : memref<4096xi32, #tpu.memory_space<vmem>>, vector<16xi32>,
        tpu.vector_store %arg6[%swap3A_128], %broadcast_in_dim3A_5 {strides = array<i32>} : memref<4096xi32, #tpu.memory_space<vmem>>, vector<16xi32>,
        %swap3A_130 = arith.constant 192 : index
        %swap3A_131 = tpu.vector_load %arg6[%swap3A_130] {strides = array<i32>} : memref<4096xi32, #tpu.memory_space<vmem>>, vector<16xi32>,
        tpu.vector_store %arg6[%swap3A_130], %broadcast_in_dim3A_5 {strides = array<i32>} : memref<4096xi32, #tpu.memory_space<vmem>>, vector<16xi32>,
        %swap3A_132 = arith.constant 208 : index
        %swap3A_133 = tpu.vector_load %arg6[%swap3A_132] {strides = array<i32>} : memref<4096xi32, #tpu.memory_space<vmem>>, vector<16xi32>,
        tpu.vector_store %arg6[%swap3A_132], %broadcast_in_dim3A_5 {strides = array<i32>} : memref<4096xi32, #tpu.memory_space<vmem>>, vector<16xi32>,
        %swap3A_134 = arith.constant 224 : index
        %swap3A_135 = tpu.vector_load %arg6[%swap3A_134] {strides = array<i32>} : memref<4096xi32, #tpu.memory_space<vmem>>, vector<16xi32>,
        tpu.vector_store %arg6[%swap3A_134], %broadcast_in_dim3A_5 {strides = array<i32>} : memref<4096xi32, #tpu.memory_space<vmem>>, vector<16xi32>,
        %swap3A_136 = arith.constant 240 : index
        %swap3A_137 = tpu.vector_load %arg6[%swap3A_136] {strides = array<i32>} : memref<4096xi32, #tpu.memory_space<vmem>>, vector<16xi32>,
        tpu.vector_store %arg6[%swap3A_136], %broadcast_in_dim3A_5 {strides = array<i32>} : memref<4096xi32, #tpu.memory_space<vmem>>, vector<16xi32>,
        %parallel_loop3A = arith.constant 0 : i32
        %parallel_loop3A_138 = arith.constant 2048 : i32
        %parallel_loop3A_139 = arith.constant 16 : i32
        scf.for %parallel_loop3A_556 = %parallel_loop3A to %parallel_loop3A_138 step %parallel_loop3A_139  : i32 {
          %parallel_loop3A_557 = arith.constant 0 : i32
          %parallel_loop3A_558 = arith.index_cast %parallel_loop3A_557 : i32 to index
          %parallel_loop3A_559 = arith.index_cast %scan3A_102 : i32 to index
          %parallel_loop3A_560 = arith.index_cast %parallel_loop3A_556 : i32 to index
          %parallel_loop3A_561 = tpu.vector_load %arg4[%parallel_loop3A_558, %parallel_loop3A_559, %parallel_loop3A_560] {strides = array<i32>} : memref<2x16x2048xi32, #tpu.memory_space<vmem>>, vector<16xi32>,
          %parallel_loop3A_562 = arith.constant 24 : i32
          %parallel_loop3A_563 = vector.broadcast %parallel_loop3A_562 : i32 to vector<16xi32>
          %parallel_loop3A_564 = arith.shrsi %parallel_loop3A_561, %parallel_loop3A_563 : vector<16xi32>
          %parallel_loop3A_565 = arith.constant 255 : i32
          %parallel_loop3A_566 = vector.broadcast %parallel_loop3A_565 : i32 to vector<16xi32>
          %parallel_loop3A_567 = arith.andi %parallel_loop3A_564, %parallel_loop3A_566 : vector<16xi32>
          %parallel_loop3A_568 = arith.constant 15 : i32
          %parallel_loop3A_569 = vector.broadcast %parallel_loop3A_568 : i32 to vector<16xi32>
          %parallel_loop3A_570 = arith.andi %parallel_loop3A_567, %parallel_loop3A_569 : vector<16xi32>
          %parallel_loop3A_571 = arith.constant 4 : i32
          %parallel_loop3A_572 = vector.broadcast %parallel_loop3A_571 : i32 to vector<16xi32>
          %parallel_loop3A_573 = arith.shli %parallel_loop3A_570, %parallel_loop3A_572 : vector<16xi32>
          %parallel_loop3A_574 = arith.constant 4 : i32
          %parallel_loop3A_575 = vector.broadcast %parallel_loop3A_574 : i32 to vector<16xi32>
          %parallel_loop3A_576 = arith.shrsi %parallel_loop3A_567, %parallel_loop3A_575 : vector<16xi32>
          %parallel_loop3A_577 = arith.ori %parallel_loop3A_573, %parallel_loop3A_576 : vector<16xi32>
          %parallel_loop3A_578 = arith.constant 0 : i32
          %parallel_loop3A_579 = vector.broadcast %parallel_loop3A_578 : i32 to vector<16xi32>
          %parallel_loop3A_580 = arith.addi %parallel_loop3A_579, %parallel_loop3A_577 : vector<16xi32>
          tpu.vector_store_idx %arg6[%parallel_loop3A_580], %broadcast_in_dim3A_3 {add = true} : memref<4096xi32, #tpu.memory_space<vmem>>[vector<16xi32>], vector<16xi32>,
        } {sc.loop_unroll_factor = 8 : i64, sc.parallel_access}
        %get3A = arith.constant 0 : index
        %get3A_140 = tpu.vector_load %arg6[%get3A] {strides = array<i32>} : memref<4096xi32, #tpu.memory_space<vmem>>, vector<16xi32>,
        %get3A_141 = arith.constant 16 : index
        %get3A_142 = tpu.vector_load %arg6[%get3A_141] {strides = array<i32>} : memref<4096xi32, #tpu.memory_space<vmem>>, vector<16xi32>,
        %add3A_143 = arith.addi %get3A_140, %get3A_142 : vector<16xi32>
        %get3A_144 = arith.constant 32 : index
        %get3A_145 = tpu.vector_load %arg6[%get3A_144] {strides = array<i32>} : memref<4096xi32, #tpu.memory_space<vmem>>, vector<16xi32>,
        %add3A_146 = arith.addi %add3A_143, %get3A_145 : vector<16xi32>
        %get3A_147 = arith.constant 48 : index
        %get3A_148 = tpu.vector_load %arg6[%get3A_147] {strides = array<i32>} : memref<4096xi32, #tpu.memory_space<vmem>>, vector<16xi32>,
        %add3A_149 = arith.addi %add3A_146, %get3A_148 : vector<16xi32>
        %get3A_150 = arith.constant 64 : index
        %get3A_151 = tpu.vector_load %arg6[%get3A_150] {strides = array<i32>} : memref<4096xi32, #tpu.memory_space<vmem>>, vector<16xi32>,
        %add3A_152 = arith.addi %add3A_149, %get3A_151 : vector<16xi32>
        %get3A_153 = arith.constant 80 : index
        %get3A_154 = tpu.vector_load %arg6[%get3A_153] {strides = array<i32>} : memref<4096xi32, #tpu.memory_space<vmem>>, vector<16xi32>,
        %add3A_155 = arith.addi %add3A_152, %get3A_154 : vector<16xi32>
        %get3A_156 = arith.constant 96 : index
        %get3A_157 = tpu.vector_load %arg6[%get3A_156] {strides = array<i32>} : memref<4096xi32, #tpu.memory_space<vmem>>, vector<16xi32>,
        %add3A_158 = arith.addi %add3A_155, %get3A_157 : vector<16xi32>
        %get3A_159 = arith.constant 112 : index
        %get3A_160 = tpu.vector_load %arg6[%get3A_159] {strides = array<i32>} : memref<4096xi32, #tpu.memory_space<vmem>>, vector<16xi32>,
        %add3A_161 = arith.addi %add3A_158, %get3A_160 : vector<16xi32>
        %get3A_162 = arith.constant 128 : index
        %get3A_163 = tpu.vector_load %arg6[%get3A_162] {strides = array<i32>} : memref<4096xi32, #tpu.memory_space<vmem>>, vector<16xi32>,
        %add3A_164 = arith.addi %add3A_161, %get3A_163 : vector<16xi32>
        %get3A_165 = arith.constant 144 : index
        %get3A_166 = tpu.vector_load %arg6[%get3A_165] {strides = array<i32>} : memref<4096xi32, #tpu.memory_space<vmem>>, vector<16xi32>,
        %add3A_167 = arith.addi %add3A_164, %get3A_166 : vector<16xi32>
        %get3A_168 = arith.constant 160 : index
        %get3A_169 = tpu.vector_load %arg6[%get3A_168] {strides = array<i32>} : memref<4096xi32, #tpu.memory_space<vmem>>, vector<16xi32>,
        %add3A_170 = arith.addi %add3A_167, %get3A_169 : vector<16xi32>
        %get3A_171 = arith.constant 176 : index
        %get3A_172 = tpu.vector_load %arg6[%get3A_171] {strides = array<i32>} : memref<4096xi32, #tpu.memory_space<vmem>>, vector<16xi32>,
        %add3A_173 = arith.addi %add3A_170, %get3A_172 : vector<16xi32>
        %get3A_174 = arith.constant 192 : index
        %get3A_175 = tpu.vector_load %arg6[%get3A_174] {strides = array<i32>} : memref<4096xi32, #tpu.memory_space<vmem>>, vector<16xi32>,
        %add3A_176 = arith.addi %add3A_173, %get3A_175 : vector<16xi32>
        %get3A_177 = arith.constant 208 : index
        %get3A_178 = tpu.vector_load %arg6[%get3A_177] {strides = array<i32>} : memref<4096xi32, #tpu.memory_space<vmem>>, vector<16xi32>,
        %add3A_179 = arith.addi %add3A_176, %get3A_178 : vector<16xi32>
        %get3A_180 = arith.constant 224 : index
        %get3A_181 = tpu.vector_load %arg6[%get3A_180] {strides = array<i32>} : memref<4096xi32, #tpu.memory_space<vmem>>, vector<16xi32>,
        %add3A_182 = arith.addi %add3A_179, %get3A_181 : vector<16xi32>
        %get3A_183 = arith.constant 240 : index
        %get3A_184 = tpu.vector_load %arg6[%get3A_183] {strides = array<i32>} : memref<4096xi32, #tpu.memory_space<vmem>>, vector<16xi32>,
        %add3A_185 = arith.addi %add3A_182, %get3A_184 : vector<16xi32>
        %rev3A = arith.constant 15 : i32
        %rev3A_186 = vector.broadcast %rev3A : i32 to vector<16xi32>
        %rev3A_187 = tpu.iota {dimensions = array<i32: 0>} : vector<16xi32>
        %rev3A_188 = arith.subi %rev3A_186, %rev3A_187 : vector<16xi32>
        %rev3A_189 = tpu.dynamic_gather %add3A_185[%rev3A_188] in [0] : vector<16xi32>, vector<16xi32> -> vector<16xi32>
        %cumsum3A = arith.constant true
        %cumsum3A_190 = vector.broadcast %cumsum3A : i1 to vector<16xi1>
        %cumsum3A_191 = tpu.scan <sum>, %rev3A_189 masked %cumsum3A_190 : vector<16xi32>, vector<16xi1> -> vector<16xi32>
        %rev3A_192 = arith.constant 15 : i32
        %rev3A_193 = vector.broadcast %rev3A_192 : i32 to vector<16xi32>
        %rev3A_194 = tpu.iota {dimensions = array<i32: 0>} : vector<16xi32>
        %rev3A_195 = arith.subi %rev3A_193, %rev3A_194 : vector<16xi32>
        %rev3A_196 = tpu.dynamic_gather %cumsum3A_191[%rev3A_195] in [0] : vector<16xi32>, vector<16xi32> -> vector<16xi32>
        %ge3A = arith.cmpi sge, %rev3A_196, %broadcast_in_dim3A_105 : vector<16xi32>
        %all_reduce_population_count3A = tpu.all_reduce %ge3A {dim = 0 : i64, kind = #tpu.reduction_kind<sum>} : vector<16xi1> -> vector<16xi32>
        %sub3A = arith.constant 1 : i32
        %sub3A_197 = vector.broadcast %sub3A : i32 to vector<16xi32>
        %sub3A_198 = arith.subi %all_reduce_population_count3A, %sub3A_197 : vector<16xi32>
        %broadcast_in_dim3A_199 = vector.shape_cast %sub3A_198 : vector<16xi32> to vector<16x1xi32>
        %gather3A = vector.shape_cast %broadcast_in_dim3A_199 : vector<16x1xi32> to vector<16xi32>
        %gather3A_200 = tpu.dynamic_gather %rev3A_196[%gather3A] in [0] : vector<16xi32>, vector<16xi32> -> vector<16xi32>
        %broadcast_in_dim3A_201 = vector.shape_cast %sub3A_198 : vector<16xi32> to vector<16x1xi32>
        %gather3A_202 = vector.shape_cast %broadcast_in_dim3A_201 : vector<16x1xi32> to vector<16xi32>
        %gather3A_203 = tpu.dynamic_gather %add3A_185[%gather3A_202] in [0] : vector<16xi32>, vector<16xi32> -> vector<16xi32>
        %sub3A_204 = arith.subi %gather3A_200, %gather3A_203 : vector<16xi32>
        %mul3A_205 = arith.constant 16 : i32
        %mul3A_206 = vector.broadcast %mul3A_205 : i32 to vector<16xi32>
        %mul3A_207 = arith.muli %iota3A, %mul3A_206 : vector<16xi32>
        %add3A_208 = arith.constant 0 : i32
        %add3A_209 = vector.broadcast %add3A_208 : i32 to vector<16xi32>
        %add3A_210 = arith.addi %add3A_209, %mul3A_207 : vector<16xi32>
        %add3A_211 = arith.addi %add3A_210, %sub3A_198 : vector<16xi32>
        %gather3A_212 = tpu.vector_load_idx %arg6[%add3A_211] : memref<4096xi32, #tpu.memory_space<vmem>>[vector<16xi32>], vector<16xi32>,
        %rev3A_213 = arith.constant 15 : i32
        %rev3A_214 = vector.broadcast %rev3A_213 : i32 to vector<16xi32>
        %rev3A_215 = tpu.iota {dimensions = array<i32: 0>} : vector<16xi32>
        %rev3A_216 = arith.subi %rev3A_214, %rev3A_215 : vector<16xi32>
        %rev3A_217 = tpu.dynamic_gather %gather3A_212[%rev3A_216] in [0] : vector<16xi32>, vector<16xi32> -> vector<16xi32>
        %cumsum3A_218 = arith.constant true
        %cumsum3A_219 = vector.broadcast %cumsum3A_218 : i1 to vector<16xi1>
        %cumsum3A_220 = tpu.scan <sum>, %rev3A_217 masked %cumsum3A_219 : vector<16xi32>, vector<16xi1> -> vector<16xi32>
        %rev3A_221 = arith.constant 15 : i32
        %rev3A_222 = vector.broadcast %rev3A_221 : i32 to vector<16xi32>
        %rev3A_223 = tpu.iota {dimensions = array<i32: 0>} : vector<16xi32>
        %rev3A_224 = arith.subi %rev3A_222, %rev3A_223 : vector<16xi32>
        %rev3A_225 = tpu.dynamic_gather %cumsum3A_220[%rev3A_224] in [0] : vector<16xi32>, vector<16xi32> -> vector<16xi32>
        %add3A_226 = arith.addi %rev3A_225, %sub3A_204 : vector<16xi32>
        %ge3A_227 = arith.cmpi sge, %add3A_226, %broadcast_in_dim3A_105 : vector<16xi32>
        %all_reduce_population_count3A_228 = tpu.all_reduce %ge3A_227 {dim = 0 : i64, kind = #tpu.reduction_kind<sum>} : vector<16xi1> -> vector<16xi32>
        %sub3A_229 = arith.constant 1 : i32
        %sub3A_230 = vector.broadcast %sub3A_229 : i32 to vector<16xi32>
        %sub3A_231 = arith.subi %all_reduce_population_count3A_228, %sub3A_230 : vector<16xi32>
        %broadcast_in_dim3A_232 = vector.shape_cast %sub3A_231 : vector<16xi32> to vector<16x1xi32>
        %gather3A_233 = vector.shape_cast %broadcast_in_dim3A_232 : vector<16x1xi32> to vector<16xi32>
        %gather3A_234 = tpu.dynamic_gather %add3A_226[%gather3A_233] in [0] : vector<16xi32>, vector<16xi32> -> vector<16xi32>
        %broadcast_in_dim3A_235 = vector.shape_cast %sub3A_231 : vector<16xi32> to vector<16x1xi32>
        %gather3A_236 = vector.shape_cast %broadcast_in_dim3A_235 : vector<16x1xi32> to vector<16xi32>
        %gather3A_237 = tpu.dynamic_gather %gather3A_212[%gather3A_236] in [0] : vector<16xi32>, vector<16xi32> -> vector<16xi32>
        %sub3A_238 = arith.subi %gather3A_234, %gather3A_237 : vector<16xi32>
        %sub3A_239 = arith.subi %broadcast_in_dim3A_105, %sub3A_238 : vector<16xi32>
        %mul3A_240 = arith.constant 256 : i32
        %mul3A_241 = vector.broadcast %mul3A_240 : i32 to vector<16xi32>
        %mul3A_242 = arith.muli %broadcast_in_dim3A_5, %mul3A_241 : vector<16xi32>
        %mul3A_243 = arith.constant 16 : i32
        %mul3A_244 = vector.broadcast %mul3A_243 : i32 to vector<16xi32>
        %mul3A_245 = arith.muli %sub3A_198, %mul3A_244 : vector<16xi32>
        %add3A_246 = arith.addi %mul3A_242, %mul3A_245 : vector<16xi32>
        %add3A_247 = arith.addi %add3A_246, %sub3A_231 : vector<16xi32>
        %swap3A_248 = arith.constant 0 : index
        %swap3A_249 = tpu.vector_load %arg6[%swap3A_248] {strides = array<i32>} : memref<4096xi32, #tpu.memory_space<vmem>>, vector<16xi32>,
        tpu.vector_store %arg6[%swap3A_248], %broadcast_in_dim3A_5 {strides = array<i32>} : memref<4096xi32, #tpu.memory_space<vmem>>, vector<16xi32>,
        %swap3A_250 = arith.constant 16 : index
        %swap3A_251 = tpu.vector_load %arg6[%swap3A_250] {strides = array<i32>} : memref<4096xi32, #tpu.memory_space<vmem>>, vector<16xi32>,
        tpu.vector_store %arg6[%swap3A_250], %broadcast_in_dim3A_5 {strides = array<i32>} : memref<4096xi32, #tpu.memory_space<vmem>>, vector<16xi32>,
        %swap3A_252 = arith.constant 32 : index
        %swap3A_253 = tpu.vector_load %arg6[%swap3A_252] {strides = array<i32>} : memref<4096xi32, #tpu.memory_space<vmem>>, vector<16xi32>,
        tpu.vector_store %arg6[%swap3A_252], %broadcast_in_dim3A_5 {strides = array<i32>} : memref<4096xi32, #tpu.memory_space<vmem>>, vector<16xi32>,
        %swap3A_254 = arith.constant 48 : index
        %swap3A_255 = tpu.vector_load %arg6[%swap3A_254] {strides = array<i32>} : memref<4096xi32, #tpu.memory_space<vmem>>, vector<16xi32>,
        tpu.vector_store %arg6[%swap3A_254], %broadcast_in_dim3A_5 {strides = array<i32>} : memref<4096xi32, #tpu.memory_space<vmem>>, vector<16xi32>,
        %swap3A_256 = arith.constant 64 : index
        %swap3A_257 = tpu.vector_load %arg6[%swap3A_256] {strides = array<i32>} : memref<4096xi32, #tpu.memory_space<vmem>>, vector<16xi32>,
        tpu.vector_store %arg6[%swap3A_256], %broadcast_in_dim3A_5 {strides = array<i32>} : memref<4096xi32, #tpu.memory_space<vmem>>, vector<16xi32>,
        %swap3A_258 = arith.constant 80 : index
        %swap3A_259 = tpu.vector_load %arg6[%swap3A_258] {strides = array<i32>} : memref<4096xi32, #tpu.memory_space<vmem>>, vector<16xi32>,
        tpu.vector_store %arg6[%swap3A_258], %broadcast_in_dim3A_5 {strides = array<i32>} : memref<4096xi32, #tpu.memory_space<vmem>>, vector<16xi32>,
        %swap3A_260 = arith.constant 96 : index
        %swap3A_261 = tpu.vector_load %arg6[%swap3A_260] {strides = array<i32>} : memref<4096xi32, #tpu.memory_space<vmem>>, vector<16xi32>,
        tpu.vector_store %arg6[%swap3A_260], %broadcast_in_dim3A_5 {strides = array<i32>} : memref<4096xi32, #tpu.memory_space<vmem>>, vector<16xi32>,
        %swap3A_262 = arith.constant 112 : index
        %swap3A_263 = tpu.vector_load %arg6[%swap3A_262] {strides = array<i32>} : memref<4096xi32, #tpu.memory_space<vmem>>, vector<16xi32>,
        tpu.vector_store %arg6[%swap3A_262], %broadcast_in_dim3A_5 {strides = array<i32>} : memref<4096xi32, #tpu.memory_space<vmem>>, vector<16xi32>,
        %swap3A_264 = arith.constant 128 : index
        %swap3A_265 = tpu.vector_load %arg6[%swap3A_264] {strides = array<i32>} : memref<4096xi32, #tpu.memory_space<vmem>>, vector<16xi32>,
        tpu.vector_store %arg6[%swap3A_264], %broadcast_in_dim3A_5 {strides = array<i32>} : memref<4096xi32, #tpu.memory_space<vmem>>, vector<16xi32>,
        %swap3A_266 = arith.constant 144 : index
        %swap3A_267 = tpu.vector_load %arg6[%swap3A_266] {strides = array<i32>} : memref<4096xi32, #tpu.memory_space<vmem>>, vector<16xi32>,
        tpu.vector_store %arg6[%swap3A_266], %broadcast_in_dim3A_5 {strides = array<i32>} : memref<4096xi32, #tpu.memory_space<vmem>>, vector<16xi32>,
        %swap3A_268 = arith.constant 160 : index
        %swap3A_269 = tpu.vector_load %arg6[%swap3A_268] {strides = array<i32>} : memref<4096xi32, #tpu.memory_space<vmem>>, vector<16xi32>,
        tpu.vector_store %arg6[%swap3A_268], %broadcast_in_dim3A_5 {strides = array<i32>} : memref<4096xi32, #tpu.memory_space<vmem>>, vector<16xi32>,
        %swap3A_270 = arith.constant 176 : index
        %swap3A_271 = tpu.vector_load %arg6[%swap3A_270] {strides = array<i32>} : memref<4096xi32, #tpu.memory_space<vmem>>, vector<16xi32>,
        tpu.vector_store %arg6[%swap3A_270], %broadcast_in_dim3A_5 {strides = array<i32>} : memref<4096xi32, #tpu.memory_space<vmem>>, vector<16xi32>,
        %swap3A_272 = arith.constant 192 : index
        %swap3A_273 = tpu.vector_load %arg6[%swap3A_272] {strides = array<i32>} : memref<4096xi32, #tpu.memory_space<vmem>>, vector<16xi32>,
        tpu.vector_store %arg6[%swap3A_272], %broadcast_in_dim3A_5 {strides = array<i32>} : memref<4096xi32, #tpu.memory_space<vmem>>, vector<16xi32>,
        %swap3A_274 = arith.constant 208 : index
        %swap3A_275 = tpu.vector_load %arg6[%swap3A_274] {strides = array<i32>} : memref<4096xi32, #tpu.memory_space<vmem>>, vector<16xi32>,
        tpu.vector_store %arg6[%swap3A_274], %broadcast_in_dim3A_5 {strides = array<i32>} : memref<4096xi32, #tpu.memory_space<vmem>>, vector<16xi32>,
        %swap3A_276 = arith.constant 224 : index
        %swap3A_277 = tpu.vector_load %arg6[%swap3A_276] {strides = array<i32>} : memref<4096xi32, #tpu.memory_space<vmem>>, vector<16xi32>,
        tpu.vector_store %arg6[%swap3A_276], %broadcast_in_dim3A_5 {strides = array<i32>} : memref<4096xi32, #tpu.memory_space<vmem>>, vector<16xi32>,
        %swap3A_278 = arith.constant 240 : index
        %swap3A_279 = tpu.vector_load %arg6[%swap3A_278] {strides = array<i32>} : memref<4096xi32, #tpu.memory_space<vmem>>, vector<16xi32>,
        tpu.vector_store %arg6[%swap3A_278], %broadcast_in_dim3A_5 {strides = array<i32>} : memref<4096xi32, #tpu.memory_space<vmem>>, vector<16xi32>,
        %parallel_loop3A_280 = arith.constant 0 : i32
        %parallel_loop3A_281 = arith.constant 2048 : i32
        %parallel_loop3A_282 = arith.constant 16 : i32
        %parallel_loop3A_283 = arith.constant 255 : i32
        scf.for %parallel_loop3A_556 = %parallel_loop3A_280 to %parallel_loop3A_281 step %parallel_loop3A_282  : i32 {
          %parallel_loop3A_557 = arith.constant 0 : i32
          %parallel_loop3A_558 = arith.index_cast %parallel_loop3A_557 : i32 to index
          %parallel_loop3A_559 = arith.index_cast %scan3A_102 : i32 to index
          %parallel_loop3A_560 = arith.index_cast %parallel_loop3A_556 : i32 to index
          %parallel_loop3A_561 = tpu.vector_load %arg4[%parallel_loop3A_558, %parallel_loop3A_559, %parallel_loop3A_560] {strides = array<i32>} : memref<2x16x2048xi32, #tpu.memory_space<vmem>>, vector<16xi32>,
          %parallel_loop3A_562 = arith.constant 16 : i32
          %parallel_loop3A_563 = vector.broadcast %parallel_loop3A_562 : i32 to vector<16xi32>
          %parallel_loop3A_564 = arith.shrsi %parallel_loop3A_561, %parallel_loop3A_563 : vector<16xi32>
          %parallel_loop3A_565 = arith.constant 255 : i32
          %parallel_loop3A_566 = vector.broadcast %parallel_loop3A_565 : i32 to vector<16xi32>
          %parallel_loop3A_567 = arith.andi %parallel_loop3A_564, %parallel_loop3A_566 : vector<16xi32>
          %parallel_loop3A_568 = arith.constant 15 : i32
          %parallel_loop3A_569 = vector.broadcast %parallel_loop3A_568 : i32 to vector<16xi32>
          %parallel_loop3A_570 = arith.andi %parallel_loop3A_567, %parallel_loop3A_569 : vector<16xi32>
          %parallel_loop3A_571 = arith.constant 4 : i32
          %parallel_loop3A_572 = vector.broadcast %parallel_loop3A_571 : i32 to vector<16xi32>
          %parallel_loop3A_573 = arith.shli %parallel_loop3A_570, %parallel_loop3A_572 : vector<16xi32>
          %parallel_loop3A_574 = arith.constant 4 : i32
          %parallel_loop3A_575 = vector.broadcast %parallel_loop3A_574 : i32 to vector<16xi32>
          %parallel_loop3A_576 = arith.shrsi %parallel_loop3A_567, %parallel_loop3A_575 : vector<16xi32>
          %parallel_loop3A_577 = arith.ori %parallel_loop3A_573, %parallel_loop3A_576 : vector<16xi32>
          %parallel_loop3A_578 = arith.constant 0 : i32
          %parallel_loop3A_579 = vector.broadcast %parallel_loop3A_578 : i32 to vector<16xi32>
          %parallel_loop3A_580 = arith.addi %parallel_loop3A_579, %parallel_loop3A_577 : vector<16xi32>
          %parallel_loop3A_581 = arith.constant 24 : i32
          %parallel_loop3A_582 = vector.broadcast %parallel_loop3A_581 : i32 to vector<16xi32>
          %parallel_loop3A_583 = arith.shrsi %parallel_loop3A_561, %parallel_loop3A_582 : vector<16xi32>
          %parallel_loop3A_584 = vector.broadcast %parallel_loop3A_283 : i32 to vector<16xi32>
          %parallel_loop3A_585 = arith.andi %parallel_loop3A_583, %parallel_loop3A_584 : vector<16xi32>
          %parallel_loop3A_586 = arith.cmpi eq, %parallel_loop3A_585, %add3A_247 : vector<16xi32>
          tpu.vector_store_idx %arg6[%parallel_loop3A_580], %broadcast_in_dim3A_3 masked %parallel_loop3A_586 {add = true} : memref<4096xi32, #tpu.memory_space<vmem>>[vector<16xi32>], vector<16xi32>, vector<16xi1>
        } {sc.loop_unroll_factor = 8 : i64, sc.parallel_access}
        %get3A_284 = arith.constant 0 : index
        %get3A_285 = tpu.vector_load %arg6[%get3A_284] {strides = array<i32>} : memref<4096xi32, #tpu.memory_space<vmem>>, vector<16xi32>,
        %get3A_286 = arith.constant 16 : index
        %get3A_287 = tpu.vector_load %arg6[%get3A_286] {strides = array<i32>} : memref<4096xi32, #tpu.memory_space<vmem>>, vector<16xi32>,
        %add3A_288 = arith.addi %get3A_285, %get3A_287 : vector<16xi32>
        %get3A_289 = arith.constant 32 : index
        %get3A_290 = tpu.vector_load %arg6[%get3A_289] {strides = array<i32>} : memref<4096xi32, #tpu.memory_space<vmem>>, vector<16xi32>,
        %add3A_291 = arith.addi %add3A_288, %get3A_290 : vector<16xi32>
        %get3A_292 = arith.constant 48 : index
        %get3A_293 = tpu.vector_load %arg6[%get3A_292] {strides = array<i32>} : memref<4096xi32, #tpu.memory_space<vmem>>, vector<16xi32>,
        %add3A_294 = arith.addi %add3A_291, %get3A_293 : vector<16xi32>
        %get3A_295 = arith.constant 64 : index
        %get3A_296 = tpu.vector_load %arg6[%get3A_295] {strides = array<i32>} : memref<4096xi32, #tpu.memory_space<vmem>>, vector<16xi32>,
        %add3A_297 = arith.addi %add3A_294, %get3A_296 : vector<16xi32>
        %get3A_298 = arith.constant 80 : index
        %get3A_299 = tpu.vector_load %arg6[%get3A_298] {strides = array<i32>} : memref<4096xi32, #tpu.memory_space<vmem>>, vector<16xi32>,
        %add3A_300 = arith.addi %add3A_297, %get3A_299 : vector<16xi32>
        %get3A_301 = arith.constant 96 : index
        %get3A_302 = tpu.vector_load %arg6[%get3A_301] {strides = array<i32>} : memref<4096xi32, #tpu.memory_space<vmem>>, vector<16xi32>,
        %add3A_303 = arith.addi %add3A_300, %get3A_302 : vector<16xi32>
        %get3A_304 = arith.constant 112 : index
        %get3A_305 = tpu.vector_load %arg6[%get3A_304] {strides = array<i32>} : memref<4096xi32, #tpu.memory_space<vmem>>, vector<16xi32>,
        %add3A_306 = arith.addi %add3A_303, %get3A_305 : vector<16xi32>
        %get3A_307 = arith.constant 128 : index
        %get3A_308 = tpu.vector_load %arg6[%get3A_307] {strides = array<i32>} : memref<4096xi32, #tpu.memory_space<vmem>>, vector<16xi32>,
        %add3A_309 = arith.addi %add3A_306, %get3A_308 : vector<16xi32>
        %get3A_310 = arith.constant 144 : index
        %get3A_311 = tpu.vector_load %arg6[%get3A_310] {strides = array<i32>} : memref<4096xi32, #tpu.memory_space<vmem>>, vector<16xi32>,
        %add3A_312 = arith.addi %add3A_309, %get3A_311 : vector<16xi32>
        %get3A_313 = arith.constant 160 : index
        %get3A_314 = tpu.vector_load %arg6[%get3A_313] {strides = array<i32>} : memref<4096xi32, #tpu.memory_space<vmem>>, vector<16xi32>,
        %add3A_315 = arith.addi %add3A_312, %get3A_314 : vector<16xi32>
        %get3A_316 = arith.constant 176 : index
        %get3A_317 = tpu.vector_load %arg6[%get3A_316] {strides = array<i32>} : memref<4096xi32, #tpu.memory_space<vmem>>, vector<16xi32>,
        %add3A_318 = arith.addi %add3A_315, %get3A_317 : vector<16xi32>
        %get3A_319 = arith.constant 192 : index
        %get3A_320 = tpu.vector_load %arg6[%get3A_319] {strides = array<i32>} : memref<4096xi32, #tpu.memory_space<vmem>>, vector<16xi32>,
        %add3A_321 = arith.addi %add3A_318, %get3A_320 : vector<16xi32>
        %get3A_322 = arith.constant 208 : index
        %get3A_323 = tpu.vector_load %arg6[%get3A_322] {strides = array<i32>} : memref<4096xi32, #tpu.memory_space<vmem>>, vector<16xi32>,
        %add3A_324 = arith.addi %add3A_321, %get3A_323 : vector<16xi32>
        %get3A_325 = arith.constant 224 : index
        %get3A_326 = tpu.vector_load %arg6[%get3A_325] {strides = array<i32>} : memref<4096xi32, #tpu.memory_space<vmem>>, vector<16xi32>,
        %add3A_327 = arith.addi %add3A_324, %get3A_326 : vector<16xi32>
        %get3A_328 = arith.constant 240 : index
        %get3A_329 = tpu.vector_load %arg6[%get3A_328] {strides = array<i32>} : memref<4096xi32, #tpu.memory_space<vmem>>, vector<16xi32>,
        %add3A_330 = arith.addi %add3A_327, %get3A_329 : vector<16xi32>
        %rev3A_331 = arith.constant 15 : i32
        %rev3A_332 = vector.broadcast %rev3A_331 : i32 to vector<16xi32>
        %rev3A_333 = tpu.iota {dimensions = array<i32: 0>} : vector<16xi32>
        %rev3A_334 = arith.subi %rev3A_332, %rev3A_333 : vector<16xi32>
        %rev3A_335 = tpu.dynamic_gather %add3A_330[%rev3A_334] in [0] : vector<16xi32>, vector<16xi32> -> vector<16xi32>
        %cumsum3A_336 = arith.constant true
        %cumsum3A_337 = vector.broadcast %cumsum3A_336 : i1 to vector<16xi1>
        %cumsum3A_338 = tpu.scan <sum>, %rev3A_335 masked %cumsum3A_337 : vector<16xi32>, vector<16xi1> -> vector<16xi32>
        %rev3A_339 = arith.constant 15 : i32
        %rev3A_340 = vector.broadcast %rev3A_339 : i32 to vector<16xi32>
        %rev3A_341 = tpu.iota {dimensions = array<i32: 0>} : vector<16xi32>
        %rev3A_342 = arith.subi %rev3A_340, %rev3A_341 : vector<16xi32>
        %rev3A_343 = tpu.dynamic_gather %cumsum3A_338[%rev3A_342] in [0] : vector<16xi32>, vector<16xi32> -> vector<16xi32>
        %ge3A_344 = arith.cmpi sge, %rev3A_343, %sub3A_239 : vector<16xi32>
        %all_reduce_population_count3A_345 = tpu.all_reduce %ge3A_344 {dim = 0 : i64, kind = #tpu.reduction_kind<sum>} : vector<16xi1> -> vector<16xi32>
        %sub3A_346 = arith.constant 1 : i32
        %sub3A_347 = vector.broadcast %sub3A_346 : i32 to vector<16xi32>
        %sub3A_348 = arith.subi %all_reduce_population_count3A_345, %sub3A_347 : vector<16xi32>
        %broadcast_in_dim3A_349 = vector.shape_cast %sub3A_348 : vector<16xi32> to vector<16x1xi32>
        %gather3A_350 = vector.shape_cast %broadcast_in_dim3A_349 : vector<16x1xi32> to vector<16xi32>
        %gather3A_351 = tpu.dynamic_gather %rev3A_343[%gather3A_350] in [0] : vector<16xi32>, vector<16xi32> -> vector<16xi32>
        %broadcast_in_dim3A_352 = vector.shape_cast %sub3A_348 : vector<16xi32> to vector<16x1xi32>
        %gather3A_353 = vector.shape_cast %broadcast_in_dim3A_352 : vector<16x1xi32> to vector<16xi32>
        %gather3A_354 = tpu.dynamic_gather %add3A_330[%gather3A_353] in [0] : vector<16xi32>, vector<16xi32> -> vector<16xi32>
        %sub3A_355 = arith.subi %gather3A_351, %gather3A_354 : vector<16xi32>
        %mul3A_356 = arith.constant 16 : i32
        %mul3A_357 = vector.broadcast %mul3A_356 : i32 to vector<16xi32>
        %mul3A_358 = arith.muli %iota3A, %mul3A_357 : vector<16xi32>
        %add3A_359 = arith.constant 0 : i32
        %add3A_360 = vector.broadcast %add3A_359 : i32 to vector<16xi32>
        %add3A_361 = arith.addi %add3A_360, %mul3A_358 : vector<16xi32>
        %add3A_362 = arith.addi %add3A_361, %sub3A_348 : vector<16xi32>
        %gather3A_363 = tpu.vector_load_idx %arg6[%add3A_362] : memref<4096xi32, #tpu.memory_space<vmem>>[vector<16xi32>], vector<16xi32>,
        %rev3A_364 = arith.constant 15 : i32
        %rev3A_365 = vector.broadcast %rev3A_364 : i32 to vector<16xi32>
        %rev3A_366 = tpu.iota {dimensions = array<i32: 0>} : vector<16xi32>
        %rev3A_367 = arith.subi %rev3A_365, %rev3A_366 : vector<16xi32>
        %rev3A_368 = tpu.dynamic_gather %gather3A_363[%rev3A_367] in [0] : vector<16xi32>, vector<16xi32> -> vector<16xi32>
        %cumsum3A_369 = arith.constant true
        %cumsum3A_370 = vector.broadcast %cumsum3A_369 : i1 to vector<16xi1>
        %cumsum3A_371 = tpu.scan <sum>, %rev3A_368 masked %cumsum3A_370 : vector<16xi32>, vector<16xi1> -> vector<16xi32>
        %rev3A_372 = arith.constant 15 : i32
        %rev3A_373 = vector.broadcast %rev3A_372 : i32 to vector<16xi32>
        %rev3A_374 = tpu.iota {dimensions = array<i32: 0>} : vector<16xi32>
        %rev3A_375 = arith.subi %rev3A_373, %rev3A_374 : vector<16xi32>
        %rev3A_376 = tpu.dynamic_gather %cumsum3A_371[%rev3A_375] in [0] : vector<16xi32>, vector<16xi32> -> vector<16xi32>
        %add3A_377 = arith.addi %rev3A_376, %sub3A_355 : vector<16xi32>
        %ge3A_378 = arith.cmpi sge, %add3A_377, %sub3A_239 : vector<16xi32>
        %all_reduce_population_count3A_379 = tpu.all_reduce %ge3A_378 {dim = 0 : i64, kind = #tpu.reduction_kind<sum>} : vector<16xi1> -> vector<16xi32>
        %sub3A_380 = arith.constant 1 : i32
        %sub3A_381 = vector.broadcast %sub3A_380 : i32 to vector<16xi32>
        %sub3A_382 = arith.subi %all_reduce_population_count3A_379, %sub3A_381 : vector<16xi32>
        %broadcast_in_dim3A_383 = vector.shape_cast %sub3A_382 : vector<16xi32> to vector<16x1xi32>
        %gather3A_384 = vector.shape_cast %broadcast_in_dim3A_383 : vector<16x1xi32> to vector<16xi32>
        %gather3A_385 = tpu.dynamic_gather %add3A_377[%gather3A_384] in [0] : vector<16xi32>, vector<16xi32> -> vector<16xi32>
        %broadcast_in_dim3A_386 = vector.shape_cast %sub3A_382 : vector<16xi32> to vector<16x1xi32>
        %gather3A_387 = vector.shape_cast %broadcast_in_dim3A_386 : vector<16x1xi32> to vector<16xi32>
        %gather3A_388 = tpu.dynamic_gather %gather3A_363[%gather3A_387] in [0] : vector<16xi32>, vector<16xi32> -> vector<16xi32>
        %sub3A_389 = arith.subi %gather3A_385, %gather3A_388 : vector<16xi32>
        %sub3A_390 = arith.subi %sub3A_239, %sub3A_389 : vector<16xi32>
        %mul3A_391 = arith.constant 256 : i32
        %mul3A_392 = vector.broadcast %mul3A_391 : i32 to vector<16xi32>
        %mul3A_393 = arith.muli %add3A_247, %mul3A_392 : vector<16xi32>
        %mul3A_394 = arith.constant 16 : i32
        %mul3A_395 = vector.broadcast %mul3A_394 : i32 to vector<16xi32>
        %mul3A_396 = arith.muli %sub3A_348, %mul3A_395 : vector<16xi32>
        %add3A_397 = arith.addi %mul3A_393, %mul3A_396 : vector<16xi32>
        %add3A_398 = arith.addi %add3A_397, %sub3A_382 : vector<16xi32>
        %swap3A_399 = arith.constant 0 : index
        %swap3A_400 = tpu.vector_load %arg6[%swap3A_399] {strides = array<i32>} : memref<4096xi32, #tpu.memory_space<vmem>>, vector<16xi32>,
        tpu.vector_store %arg6[%swap3A_399], %broadcast_in_dim3A_5 {strides = array<i32>} : memref<4096xi32, #tpu.memory_space<vmem>>, vector<16xi32>,
        %swap3A_401 = arith.constant 16 : index
        %swap3A_402 = tpu.vector_load %arg6[%swap3A_401] {strides = array<i32>} : memref<4096xi32, #tpu.memory_space<vmem>>, vector<16xi32>,
        tpu.vector_store %arg6[%swap3A_401], %broadcast_in_dim3A_5 {strides = array<i32>} : memref<4096xi32, #tpu.memory_space<vmem>>, vector<16xi32>,
        %swap3A_403 = arith.constant 32 : index
        %swap3A_404 = tpu.vector_load %arg6[%swap3A_403] {strides = array<i32>} : memref<4096xi32, #tpu.memory_space<vmem>>, vector<16xi32>,
        tpu.vector_store %arg6[%swap3A_403], %broadcast_in_dim3A_5 {strides = array<i32>} : memref<4096xi32, #tpu.memory_space<vmem>>, vector<16xi32>,
        %swap3A_405 = arith.constant 48 : index
        %swap3A_406 = tpu.vector_load %arg6[%swap3A_405] {strides = array<i32>} : memref<4096xi32, #tpu.memory_space<vmem>>, vector<16xi32>,
        tpu.vector_store %arg6[%swap3A_405], %broadcast_in_dim3A_5 {strides = array<i32>} : memref<4096xi32, #tpu.memory_space<vmem>>, vector<16xi32>,
        %swap3A_407 = arith.constant 64 : index
        %swap3A_408 = tpu.vector_load %arg6[%swap3A_407] {strides = array<i32>} : memref<4096xi32, #tpu.memory_space<vmem>>, vector<16xi32>,
        tpu.vector_store %arg6[%swap3A_407], %broadcast_in_dim3A_5 {strides = array<i32>} : memref<4096xi32, #tpu.memory_space<vmem>>, vector<16xi32>,
        %swap3A_409 = arith.constant 80 : index
        %swap3A_410 = tpu.vector_load %arg6[%swap3A_409] {strides = array<i32>} : memref<4096xi32, #tpu.memory_space<vmem>>, vector<16xi32>,
        tpu.vector_store %arg6[%swap3A_409], %broadcast_in_dim3A_5 {strides = array<i32>} : memref<4096xi32, #tpu.memory_space<vmem>>, vector<16xi32>,
        %swap3A_411 = arith.constant 96 : index
        %swap3A_412 = tpu.vector_load %arg6[%swap3A_411] {strides = array<i32>} : memref<4096xi32, #tpu.memory_space<vmem>>, vector<16xi32>,
        tpu.vector_store %arg6[%swap3A_411], %broadcast_in_dim3A_5 {strides = array<i32>} : memref<4096xi32, #tpu.memory_space<vmem>>, vector<16xi32>,
        %swap3A_413 = arith.constant 112 : index
        %swap3A_414 = tpu.vector_load %arg6[%swap3A_413] {strides = array<i32>} : memref<4096xi32, #tpu.memory_space<vmem>>, vector<16xi32>,
        tpu.vector_store %arg6[%swap3A_413], %broadcast_in_dim3A_5 {strides = array<i32>} : memref<4096xi32, #tpu.memory_space<vmem>>, vector<16xi32>,
        %swap3A_415 = arith.constant 128 : index
        %swap3A_416 = tpu.vector_load %arg6[%swap3A_415] {strides = array<i32>} : memref<4096xi32, #tpu.memory_space<vmem>>, vector<16xi32>,
        tpu.vector_store %arg6[%swap3A_415], %broadcast_in_dim3A_5 {strides = array<i32>} : memref<4096xi32, #tpu.memory_space<vmem>>, vector<16xi32>,
        %swap3A_417 = arith.constant 144 : index
        %swap3A_418 = tpu.vector_load %arg6[%swap3A_417] {strides = array<i32>} : memref<4096xi32, #tpu.memory_space<vmem>>, vector<16xi32>,
        tpu.vector_store %arg6[%swap3A_417], %broadcast_in_dim3A_5 {strides = array<i32>} : memref<4096xi32, #tpu.memory_space<vmem>>, vector<16xi32>,
        %swap3A_419 = arith.constant 160 : index
        %swap3A_420 = tpu.vector_load %arg6[%swap3A_419] {strides = array<i32>} : memref<4096xi32, #tpu.memory_space<vmem>>, vector<16xi32>,
        tpu.vector_store %arg6[%swap3A_419], %broadcast_in_dim3A_5 {strides = array<i32>} : memref<4096xi32, #tpu.memory_space<vmem>>, vector<16xi32>,
        %swap3A_421 = arith.constant 176 : index
        %swap3A_422 = tpu.vector_load %arg6[%swap3A_421] {strides = array<i32>} : memref<4096xi32, #tpu.memory_space<vmem>>, vector<16xi32>,
        tpu.vector_store %arg6[%swap3A_421], %broadcast_in_dim3A_5 {strides = array<i32>} : memref<4096xi32, #tpu.memory_space<vmem>>, vector<16xi32>,
        %swap3A_423 = arith.constant 192 : index
        %swap3A_424 = tpu.vector_load %arg6[%swap3A_423] {strides = array<i32>} : memref<4096xi32, #tpu.memory_space<vmem>>, vector<16xi32>,
        tpu.vector_store %arg6[%swap3A_423], %broadcast_in_dim3A_5 {strides = array<i32>} : memref<4096xi32, #tpu.memory_space<vmem>>, vector<16xi32>,
        %swap3A_425 = arith.constant 208 : index
        %swap3A_426 = tpu.vector_load %arg6[%swap3A_425] {strides = array<i32>} : memref<4096xi32, #tpu.memory_space<vmem>>, vector<16xi32>,
        tpu.vector_store %arg6[%swap3A_425], %broadcast_in_dim3A_5 {strides = array<i32>} : memref<4096xi32, #tpu.memory_space<vmem>>, vector<16xi32>,
        %swap3A_427 = arith.constant 224 : index
        %swap3A_428 = tpu.vector_load %arg6[%swap3A_427] {strides = array<i32>} : memref<4096xi32, #tpu.memory_space<vmem>>, vector<16xi32>,
        tpu.vector_store %arg6[%swap3A_427], %broadcast_in_dim3A_5 {strides = array<i32>} : memref<4096xi32, #tpu.memory_space<vmem>>, vector<16xi32>,
        %swap3A_429 = arith.constant 240 : index
        %swap3A_430 = tpu.vector_load %arg6[%swap3A_429] {strides = array<i32>} : memref<4096xi32, #tpu.memory_space<vmem>>, vector<16xi32>,
        tpu.vector_store %arg6[%swap3A_429], %broadcast_in_dim3A_5 {strides = array<i32>} : memref<4096xi32, #tpu.memory_space<vmem>>, vector<16xi32>,
        %parallel_loop3A_431 = arith.constant 0 : i32
        %parallel_loop3A_432 = arith.constant 2048 : i32
        %parallel_loop3A_433 = arith.constant 16 : i32
        %parallel_loop3A_434 = arith.constant 65535 : i32
        scf.for %parallel_loop3A_556 = %parallel_loop3A_431 to %parallel_loop3A_432 step %parallel_loop3A_433  : i32 {
          %parallel_loop3A_557 = arith.constant 0 : i32
          %parallel_loop3A_558 = arith.index_cast %parallel_loop3A_557 : i32 to index
          %parallel_loop3A_559 = arith.index_cast %scan3A_102 : i32 to index
          %parallel_loop3A_560 = arith.index_cast %parallel_loop3A_556 : i32 to index
          %parallel_loop3A_561 = tpu.vector_load %arg4[%parallel_loop3A_558, %parallel_loop3A_559, %parallel_loop3A_560] {strides = array<i32>} : memref<2x16x2048xi32, #tpu.memory_space<vmem>>, vector<16xi32>,
          %parallel_loop3A_562 = arith.constant 8 : i32
          %parallel_loop3A_563 = vector.broadcast %parallel_loop3A_562 : i32 to vector<16xi32>
          %parallel_loop3A_564 = arith.shrsi %parallel_loop3A_561, %parallel_loop3A_563 : vector<16xi32>
          %parallel_loop3A_565 = arith.constant 255 : i32
          %parallel_loop3A_566 = vector.broadcast %parallel_loop3A_565 : i32 to vector<16xi32>
          %parallel_loop3A_567 = arith.andi %parallel_loop3A_564, %parallel_loop3A_566 : vector<16xi32>
          %parallel_loop3A_568 = arith.constant 15 : i32
          %parallel_loop3A_569 = vector.broadcast %parallel_loop3A_568 : i32 to vector<16xi32>
          %parallel_loop3A_570 = arith.andi %parallel_loop3A_567, %parallel_loop3A_569 : vector<16xi32>
          %parallel_loop3A_571 = arith.constant 4 : i32
          %parallel_loop3A_572 = vector.broadcast %parallel_loop3A_571 : i32 to vector<16xi32>
          %parallel_loop3A_573 = arith.shli %parallel_loop3A_570, %parallel_loop3A_572 : vector<16xi32>
          %parallel_loop3A_574 = arith.constant 4 : i32
          %parallel_loop3A_575 = vector.broadcast %parallel_loop3A_574 : i32 to vector<16xi32>
          %parallel_loop3A_576 = arith.shrsi %parallel_loop3A_567, %parallel_loop3A_575 : vector<16xi32>
          %parallel_loop3A_577 = arith.ori %parallel_loop3A_573, %parallel_loop3A_576 : vector<16xi32>
          %parallel_loop3A_578 = arith.constant 0 : i32
          %parallel_loop3A_579 = vector.broadcast %parallel_loop3A_578 : i32 to vector<16xi32>
          %parallel_loop3A_580 = arith.addi %parallel_loop3A_579, %parallel_loop3A_577 : vector<16xi32>
          %parallel_loop3A_581 = arith.constant 16 : i32
          %parallel_loop3A_582 = vector.broadcast %parallel_loop3A_581 : i32 to vector<16xi32>
          %parallel_loop3A_583 = arith.shrsi %parallel_loop3A_561, %parallel_loop3A_582 : vector<16xi32>
          %parallel_loop3A_584 = vector.broadcast %parallel_loop3A_434 : i32 to vector<16xi32>
          %parallel_loop3A_585 = arith.andi %parallel_loop3A_583, %parallel_loop3A_584 : vector<16xi32>
          %parallel_loop3A_586 = arith.cmpi eq, %parallel_loop3A_585, %add3A_398 : vector<16xi32>
          tpu.vector_store_idx %arg6[%parallel_loop3A_580], %broadcast_in_dim3A_3 masked %parallel_loop3A_586 {add = true} : memref<4096xi32, #tpu.memory_space<vmem>>[vector<16xi32>], vector<16xi32>, vector<16xi1>
        } {sc.loop_unroll_factor = 8 : i64, sc.parallel_access}
        %get3A_435 = arith.constant 0 : index
        %get3A_436 = tpu.vector_load %arg6[%get3A_435] {strides = array<i32>} : memref<4096xi32, #tpu.memory_space<vmem>>, vector<16xi32>,
        %get3A_437 = arith.constant 16 : index
        %get3A_438 = tpu.vector_load %arg6[%get3A_437] {strides = array<i32>} : memref<4096xi32, #tpu.memory_space<vmem>>, vector<16xi32>,
        %add3A_439 = arith.addi %get3A_436, %get3A_438 : vector<16xi32>
        %get3A_440 = arith.constant 32 : index
        %get3A_441 = tpu.vector_load %arg6[%get3A_440] {strides = array<i32>} : memref<4096xi32, #tpu.memory_space<vmem>>, vector<16xi32>,
        %add3A_442 = arith.addi %add3A_439, %get3A_441 : vector<16xi32>
        %get3A_443 = arith.constant 48 : index
        %get3A_444 = tpu.vector_load %arg6[%get3A_443] {strides = array<i32>} : memref<4096xi32, #tpu.memory_space<vmem>>, vector<16xi32>,
        %add3A_445 = arith.addi %add3A_442, %get3A_444 : vector<16xi32>
        %get3A_446 = arith.constant 64 : index
        %get3A_447 = tpu.vector_load %arg6[%get3A_446] {strides = array<i32>} : memref<4096xi32, #tpu.memory_space<vmem>>, vector<16xi32>,
        %add3A_448 = arith.addi %add3A_445, %get3A_447 : vector<16xi32>
        %get3A_449 = arith.constant 80 : index
        %get3A_450 = tpu.vector_load %arg6[%get3A_449] {strides = array<i32>} : memref<4096xi32, #tpu.memory_space<vmem>>, vector<16xi32>,
        %add3A_451 = arith.addi %add3A_448, %get3A_450 : vector<16xi32>
        %get3A_452 = arith.constant 96 : index
        %get3A_453 = tpu.vector_load %arg6[%get3A_452] {strides = array<i32>} : memref<4096xi32, #tpu.memory_space<vmem>>, vector<16xi32>,
        %add3A_454 = arith.addi %add3A_451, %get3A_453 : vector<16xi32>
        %get3A_455 = arith.constant 112 : index
        %get3A_456 = tpu.vector_load %arg6[%get3A_455] {strides = array<i32>} : memref<4096xi32, #tpu.memory_space<vmem>>, vector<16xi32>,
        %add3A_457 = arith.addi %add3A_454, %get3A_456 : vector<16xi32>
        %get3A_458 = arith.constant 128 : index
        %get3A_459 = tpu.vector_load %arg6[%get3A_458] {strides = array<i32>} : memref<4096xi32, #tpu.memory_space<vmem>>, vector<16xi32>,
        %add3A_460 = arith.addi %add3A_457, %get3A_459 : vector<16xi32>
        %get3A_461 = arith.constant 144 : index
        %get3A_462 = tpu.vector_load %arg6[%get3A_461] {strides = array<i32>} : memref<4096xi32, #tpu.memory_space<vmem>>, vector<16xi32>,
        %add3A_463 = arith.addi %add3A_460, %get3A_462 : vector<16xi32>
        %get3A_464 = arith.constant 160 : index
        %get3A_465 = tpu.vector_load %arg6[%get3A_464] {strides = array<i32>} : memref<4096xi32, #tpu.memory_space<vmem>>, vector<16xi32>,
        %add3A_466 = arith.addi %add3A_463, %get3A_465 : vector<16xi32>
        %get3A_467 = arith.constant 176 : index
        %get3A_468 = tpu.vector_load %arg6[%get3A_467] {strides = array<i32>} : memref<4096xi32, #tpu.memory_space<vmem>>, vector<16xi32>,
        %add3A_469 = arith.addi %add3A_466, %get3A_468 : vector<16xi32>
        %get3A_470 = arith.constant 192 : index
        %get3A_471 = tpu.vector_load %arg6[%get3A_470] {strides = array<i32>} : memref<4096xi32, #tpu.memory_space<vmem>>, vector<16xi32>,
        %add3A_472 = arith.addi %add3A_469, %get3A_471 : vector<16xi32>
        %get3A_473 = arith.constant 208 : index
        %get3A_474 = tpu.vector_load %arg6[%get3A_473] {strides = array<i32>} : memref<4096xi32, #tpu.memory_space<vmem>>, vector<16xi32>,
        %add3A_475 = arith.addi %add3A_472, %get3A_474 : vector<16xi32>
        %get3A_476 = arith.constant 224 : index
        %get3A_477 = tpu.vector_load %arg6[%get3A_476] {strides = array<i32>} : memref<4096xi32, #tpu.memory_space<vmem>>, vector<16xi32>,
        %add3A_478 = arith.addi %add3A_475, %get3A_477 : vector<16xi32>
        %get3A_479 = arith.constant 240 : index
        %get3A_480 = tpu.vector_load %arg6[%get3A_479] {strides = array<i32>} : memref<4096xi32, #tpu.memory_space<vmem>>, vector<16xi32>,
        %add3A_481 = arith.addi %add3A_478, %get3A_480 : vector<16xi32>
        %rev3A_482 = arith.constant 15 : i32
        %rev3A_483 = vector.broadcast %rev3A_482 : i32 to vector<16xi32>
        %rev3A_484 = tpu.iota {dimensions = array<i32: 0>} : vector<16xi32>
        %rev3A_485 = arith.subi %rev3A_483, %rev3A_484 : vector<16xi32>
        %rev3A_486 = tpu.dynamic_gather %add3A_481[%rev3A_485] in [0] : vector<16xi32>, vector<16xi32> -> vector<16xi32>
        %cumsum3A_487 = arith.constant true
        %cumsum3A_488 = vector.broadcast %cumsum3A_487 : i1 to vector<16xi1>
        %cumsum3A_489 = tpu.scan <sum>, %rev3A_486 masked %cumsum3A_488 : vector<16xi32>, vector<16xi1> -> vector<16xi32>
        %rev3A_490 = arith.constant 15 : i32
        %rev3A_491 = vector.broadcast %rev3A_490 : i32 to vector<16xi32>
        %rev3A_492 = tpu.iota {dimensions = array<i32: 0>} : vector<16xi32>
        %rev3A_493 = arith.subi %rev3A_491, %rev3A_492 : vector<16xi32>
        %rev3A_494 = tpu.dynamic_gather %cumsum3A_489[%rev3A_493] in [0] : vector<16xi32>, vector<16xi32> -> vector<16xi32>
        %ge3A_495 = arith.cmpi sge, %rev3A_494, %sub3A_390 : vector<16xi32>
        %all_reduce_population_count3A_496 = tpu.all_reduce %ge3A_495 {dim = 0 : i64, kind = #tpu.reduction_kind<sum>} : vector<16xi1> -> vector<16xi32>
        %sub3A_497 = arith.constant 1 : i32
        %sub3A_498 = vector.broadcast %sub3A_497 : i32 to vector<16xi32>
        %sub3A_499 = arith.subi %all_reduce_population_count3A_496, %sub3A_498 : vector<16xi32>
        %broadcast_in_dim3A_500 = vector.shape_cast %sub3A_499 : vector<16xi32> to vector<16x1xi32>
        %gather3A_501 = vector.shape_cast %broadcast_in_dim3A_500 : vector<16x1xi32> to vector<16xi32>
        %gather3A_502 = tpu.dynamic_gather %rev3A_494[%gather3A_501] in [0] : vector<16xi32>, vector<16xi32> -> vector<16xi32>
        %broadcast_in_dim3A_503 = vector.shape_cast %sub3A_499 : vector<16xi32> to vector<16x1xi32>
        %gather3A_504 = vector.shape_cast %broadcast_in_dim3A_503 : vector<16x1xi32> to vector<16xi32>
        %gather3A_505 = tpu.dynamic_gather %add3A_481[%gather3A_504] in [0] : vector<16xi32>, vector<16xi32> -> vector<16xi32>
        %sub3A_506 = arith.subi %gather3A_502, %gather3A_505 : vector<16xi32>
        %mul3A_507 = arith.constant 16 : i32
        %mul3A_508 = vector.broadcast %mul3A_507 : i32 to vector<16xi32>
        %mul3A_509 = arith.muli %iota3A, %mul3A_508 : vector<16xi32>
        %add3A_510 = arith.constant 0 : i32
        %add3A_511 = vector.broadcast %add3A_510 : i32 to vector<16xi32>
        %add3A_512 = arith.addi %add3A_511, %mul3A_509 : vector<16xi32>
        %add3A_513 = arith.addi %add3A_512, %sub3A_499 : vector<16xi32>
        %gather3A_514 = tpu.vector_load_idx %arg6[%add3A_513] : memref<4096xi32, #tpu.memory_space<vmem>>[vector<16xi32>], vector<16xi32>,
        %rev3A_515 = arith.constant 15 : i32
        %rev3A_516 = vector.broadcast %rev3A_515 : i32 to vector<16xi32>
        %rev3A_517 = tpu.iota {dimensions = array<i32: 0>} : vector<16xi32>
        %rev3A_518 = arith.subi %rev3A_516, %rev3A_517 : vector<16xi32>
        %rev3A_519 = tpu.dynamic_gather %gather3A_514[%rev3A_518] in [0] : vector<16xi32>, vector<16xi32> -> vector<16xi32>
        %cumsum3A_520 = arith.constant true
        %cumsum3A_521 = vector.broadcast %cumsum3A_520 : i1 to vector<16xi1>
        %cumsum3A_522 = tpu.scan <sum>, %rev3A_519 masked %cumsum3A_521 : vector<16xi32>, vector<16xi1> -> vector<16xi32>
        %rev3A_523 = arith.constant 15 : i32
        %rev3A_524 = vector.broadcast %rev3A_523 : i32 to vector<16xi32>
        %rev3A_525 = tpu.iota {dimensions = array<i32: 0>} : vector<16xi32>
        %rev3A_526 = arith.subi %rev3A_524, %rev3A_525 : vector<16xi32>
        %rev3A_527 = tpu.dynamic_gather %cumsum3A_522[%rev3A_526] in [0] : vector<16xi32>, vector<16xi32> -> vector<16xi32>
        %add3A_528 = arith.addi %rev3A_527, %sub3A_506 : vector<16xi32>
        %ge3A_529 = arith.cmpi sge, %add3A_528, %sub3A_390 : vector<16xi32>
        %all_reduce_population_count3A_530 = tpu.all_reduce %ge3A_529 {dim = 0 : i64, kind = #tpu.reduction_kind<sum>} : vector<16xi1> -> vector<16xi32>
        %sub3A_531 = arith.constant 1 : i32
        %sub3A_532 = vector.broadcast %sub3A_531 : i32 to vector<16xi32>
        %sub3A_533 = arith.subi %all_reduce_population_count3A_530, %sub3A_532 : vector<16xi32>
        %broadcast_in_dim3A_534 = vector.shape_cast %sub3A_533 : vector<16xi32> to vector<16x1xi32>
        %gather3A_535 = vector.shape_cast %broadcast_in_dim3A_534 : vector<16x1xi32> to vector<16xi32>
        %gather3A_536 = tpu.dynamic_gather %add3A_528[%gather3A_535] in [0] : vector<16xi32>, vector<16xi32> -> vector<16xi32>
        %broadcast_in_dim3A_537 = vector.shape_cast %sub3A_533 : vector<16xi32> to vector<16x1xi32>
        %gather3A_538 = vector.shape_cast %broadcast_in_dim3A_537 : vector<16x1xi32> to vector<16xi32>
        %gather3A_539 = tpu.dynamic_gather %gather3A_514[%gather3A_538] in [0] : vector<16xi32>, vector<16xi32> -> vector<16xi32>
        %sub3A_540 = arith.subi %gather3A_536, %gather3A_539 : vector<16xi32>
        %sub3A_541 = arith.subi %sub3A_390, %sub3A_540 : vector<16xi32>
        %mul3A_542 = arith.constant 256 : i32
        %mul3A_543 = vector.broadcast %mul3A_542 : i32 to vector<16xi32>
        %mul3A_544 = arith.muli %add3A_398, %mul3A_543 : vector<16xi32>
        %mul3A_545 = arith.constant 16 : i32
        %mul3A_546 = vector.broadcast %mul3A_545 : i32 to vector<16xi32>
        %mul3A_547 = arith.muli %sub3A_499, %mul3A_546 : vector<16xi32>
        %add3A_548 = arith.addi %mul3A_544, %mul3A_547 : vector<16xi32>
        %add3A_549 = arith.addi %add3A_548, %sub3A_533 : vector<16xi32>
        %mul3A_550 = arith.constant 256 : i32
        %mul3A_551 = vector.broadcast %mul3A_550 : i32 to vector<16xi32>
        %mul3A_552 = arith.muli %add3A_549, %mul3A_551 : vector<16xi32>
        %xor3A = arith.constant -2147483648 : i32
        %xor3A_553 = vector.broadcast %xor3A : i32 to vector<16xi32>
        %xor3A_554 = arith.xori %mul3A_552, %xor3A_553 : vector<16xi32>
        %broadcast_in_dim3A_555 = vector.broadcast %scan3A_102 : i32 to vector<16xi32>
        %eq3A = arith.cmpi eq, %iota3A, %broadcast_in_dim3A_555 : vector<16xi32>
        %select_n3A = arith.select %eq3A, %xor3A_554, %scan3A_103 : vector<16xi1>, vector<16xi32>
        scf.yield %select_n3A : vector<16xi32>
      }
      %scan3A_64 = arith.constant 16 : i32
      %mul3A_65 = arith.constant 16 : i32
      %mul3A_66 = arith.muli %mul3A_42, %mul3A_65 : i32
      %swap3A = arith.index_cast %mul3A_66 : i32 to index
      %swap3A_67 = tpu.vector_load %arg5[%swap3A] {strides = array<i32>} : memref<256xi32, #tpu.memory_space<vmem>>, vector<16xi32>,
      tpu.vector_store %arg5[%swap3A], %scan3A_63 {strides = array<i32>} : memref<256xi32, #tpu.memory_space<vmem>>, vector<16xi32>,
      %add3A_68 = arith.constant 2 : i32
      %add3A_69 = arith.addi %mul3A_42, %add3A_68 : i32
      %lt3A = arith.constant 16 : i32
      %lt3A_70 = arith.cmpi slt, %add3A_69, %lt3A : i32
      %convert_element_type3A = arith.extui %lt3A_70 : i1 to i32
      %cond3A = arith.constant 0 : i32
      %cond3A_71 = arith.cmpi ne, %convert_element_type3A, %cond3A : i32
      scf.if %cond3A_71 {
        %add3A_102 = arith.constant 2 : i32
        %add3A_103 = arith.addi %mul3A_42, %add3A_102 : i32
        %mul3A_104 = arith.constant 16 : i32
        %mul3A_105 = arith.muli %add3A_103, %mul3A_104 : i32
        %add3A_106 = arith.addi %mul3A_2, %mul3A_105 : i32
        %dma_start3A_107 = arith.constant 0 : i32
        %dma_start3A_108 = arith.constant 0 : i32
        %dma_start3A_109 = arith.constant 0 : i32
        %dma_start3A_110 = tpu.memref_slice %arg4[%dma_start3A_107, %dma_start3A_108, %dma_start3A_109] : memref<2x16x2048xi32, #tpu.memory_space<vmem>> -> memref<1x16x2048xi32, #tpu.memory_space<vmem>>
        %dma_start3A_111 = tpu.memref_squeeze %dma_start3A_110 : memref<1x16x2048xi32, #tpu.memory_space<vmem>> -> memref<16x2048xi32, #tpu.memory_space<vmem>>
        %dma_start3A_112 = arith.constant 0 : i32
        %dma_start3A_113 = tpu.memref_slice %arg2[%add3A_106, %dma_start3A_112] : memref<8192x2048xi32, #tpu.memory_space<hbm>> -> memref<16x2048xi32, #tpu.memory_space<hbm>>
        %dma_start3A_114 = arith.constant 0 : i32
        %dma_start3A_115 = arith.constant 0 : i32
        %dma_start3A_116 = tpu.memref_slice %arg4[%dma_start3A_107, %dma_start3A_114, %dma_start3A_115] : memref<2x16x2048xi32, #tpu.memory_space<vmem>> -> memref<1x16x2048xi32, #tpu.memory_space<vmem>>
        %dma_start3A_117 = tpu.memref_squeeze %dma_start3A_116 : memref<1x16x2048xi32, #tpu.memory_space<vmem>> -> memref<16x2048xi32, #tpu.memory_space<vmem>>
        %dma_start3A_118 = arith.constant 0 : i32
        %dma_start3A_119 = tpu.memref_slice %arg2[%add3A_106, %dma_start3A_118] : memref<8192x2048xi32, #tpu.memory_space<hbm>> -> memref<16x2048xi32, #tpu.memory_space<hbm>>
        tpu.enqueue_dma source(%dma_start3A_119 : memref<16x2048xi32, #tpu.memory_space<hbm>>) target(%dma_start3A_117 : memref<16x2048xi32, #tpu.memory_space<vmem>>) target_semaphore(%arg7 : memref<!tpu.dma_semaphore, #tpu.memory_space<semaphore_mem>>)
      } else {
      }
      %dma_wait3A_72 = arith.constant 1 : i32
      %dma_wait3A_73 = arith.constant 0 : i32
      %dma_wait3A_74 = arith.constant 0 : i32
      %dma_wait3A_75 = tpu.memref_slice %arg4[%dma_wait3A_72, %dma_wait3A_73, %dma_wait3A_74] : memref<2x16x2048xi32, #tpu.memory_space<vmem>> -> memref<1x16x2048xi32, #tpu.memory_space<vmem>>
      %dma_wait3A_76 = tpu.memref_squeeze %dma_wait3A_75 : memref<1x16x2048xi32, #tpu.memory_space<vmem>> -> memref<16x2048xi32, #tpu.memory_space<vmem>>
      %dma_wait3A_77 = arith.constant 0 : i32
      %dma_wait3A_78 = tpu.memref_slice %arg2[%mul3A_2, %dma_wait3A_77] : memref<8192x2048xi32, #tpu.memory_space<hbm>> -> memref<16x2048xi32, #tpu.memory_space<hbm>>
      %dma_wait3A_79 = arith.constant 0 : i32
      %dma_wait3A_80 = arith.constant 0 : i32
      %dma_wait3A_81 = tpu.memref_slice %arg4[%dma_wait3A_72, %dma_wait3A_79, %dma_wait3A_80] : memref<2x16x2048xi32, #tpu.memory_space<vmem>> -> memref<1x16x2048xi32, #tpu.memory_space<vmem>>
      %dma_wait3A_82 = tpu.memref_squeeze %dma_wait3A_81 : memref<1x16x2048xi32, #tpu.memory_space<vmem>> -> memref<16x2048xi32, #tpu.memory_space<vmem>>
      %dma_wait3A_83 = arith.constant 0 : i32
      %dma_wait3A_84 = tpu.memref_slice %arg2[%mul3A_2, %dma_wait3A_83] : memref<8192x2048xi32, #tpu.memory_space<hbm>> -> memref<16x2048xi32, #tpu.memory_space<hbm>>
      tpu.wait_dma2 semaphore(%arg8 : memref<!tpu.dma_semaphore, #tpu.memory_space<semaphore_mem>>) src(%dma_wait3A_84 : memref<16x2048xi32, #tpu.memory_space<hbm>>) dst(%dma_wait3A_82 : memref<16x2048xi32, #tpu.memory_space<vmem>>)
      %scan3A_85 = arith.constant 0 : i32
      %scan3A_86 = arith.constant 16 : i32
      %scan3A_87 = arith.addi %scan3A_85, %scan3A_86 : i32
      %scan3A_88 = arith.constant 1 : i32
      %scan3A_89 = scf.for %scan3A_102 = %scan3A_85 to %scan3A_87 step %scan3A_88 iter_args(%scan3A_103 = %broadcast_in_dim3A_5) -> (vector<16xi32>)  : i32 {
        %broadcast_in_dim3A_104 = arith.constant 512 : i32
        %broadcast_in_dim3A_105 = vector.broadcast %broadcast_in_dim3A_104 : i32 to vector<16xi32>
        %swap3A_106 = arith.constant 0 : index
        %swap3A_107 = tpu.vector_load %arg6[%swap3A_106] {strides = array<i32>} : memref<4096xi32, #tpu.memory_space<vmem>>, vector<16xi32>,
        tpu.vector_store %arg6[%swap3A_106], %broadcast_in_dim3A_5 {strides = array<i32>} : memref<4096xi32, #tpu.memory_space<vmem>>, vector<16xi32>,
        %swap3A_108 = arith.constant 16 : index
        %swap3A_109 = tpu.vector_load %arg6[%swap3A_108] {strides = array<i32>} : memref<4096xi32, #tpu.memory_space<vmem>>, vector<16xi32>,
        tpu.vector_store %arg6[%swap3A_108], %broadcast_in_dim3A_5 {strides = array<i32>} : memref<4096xi32, #tpu.memory_space<vmem>>, vector<16xi32>,
        %swap3A_110 = arith.constant 32 : index
        %swap3A_111 = tpu.vector_load %arg6[%swap3A_110] {strides = array<i32>} : memref<4096xi32, #tpu.memory_space<vmem>>, vector<16xi32>,
        tpu.vector_store %arg6[%swap3A_110], %broadcast_in_dim3A_5 {strides = array<i32>} : memref<4096xi32, #tpu.memory_space<vmem>>, vector<16xi32>,
        %swap3A_112 = arith.constant 48 : index
        %swap3A_113 = tpu.vector_load %arg6[%swap3A_112] {strides = array<i32>} : memref<4096xi32, #tpu.memory_space<vmem>>, vector<16xi32>,
        tpu.vector_store %arg6[%swap3A_112], %broadcast_in_dim3A_5 {strides = array<i32>} : memref<4096xi32, #tpu.memory_space<vmem>>, vector<16xi32>,
        %swap3A_114 = arith.constant 64 : index
        %swap3A_115 = tpu.vector_load %arg6[%swap3A_114] {strides = array<i32>} : memref<4096xi32, #tpu.memory_space<vmem>>, vector<16xi32>,
        tpu.vector_store %arg6[%swap3A_114], %broadcast_in_dim3A_5 {strides = array<i32>} : memref<4096xi32, #tpu.memory_space<vmem>>, vector<16xi32>,
        %swap3A_116 = arith.constant 80 : index
        %swap3A_117 = tpu.vector_load %arg6[%swap3A_116] {strides = array<i32>} : memref<4096xi32, #tpu.memory_space<vmem>>, vector<16xi32>,
        tpu.vector_store %arg6[%swap3A_116], %broadcast_in_dim3A_5 {strides = array<i32>} : memref<4096xi32, #tpu.memory_space<vmem>>, vector<16xi32>,
        %swap3A_118 = arith.constant 96 : index
        %swap3A_119 = tpu.vector_load %arg6[%swap3A_118] {strides = array<i32>} : memref<4096xi32, #tpu.memory_space<vmem>>, vector<16xi32>,
        tpu.vector_store %arg6[%swap3A_118], %broadcast_in_dim3A_5 {strides = array<i32>} : memref<4096xi32, #tpu.memory_space<vmem>>, vector<16xi32>,
        %swap3A_120 = arith.constant 112 : index
        %swap3A_121 = tpu.vector_load %arg6[%swap3A_120] {strides = array<i32>} : memref<4096xi32, #tpu.memory_space<vmem>>, vector<16xi32>,
        tpu.vector_store %arg6[%swap3A_120], %broadcast_in_dim3A_5 {strides = array<i32>} : memref<4096xi32, #tpu.memory_space<vmem>>, vector<16xi32>,
        %swap3A_122 = arith.constant 128 : index
        %swap3A_123 = tpu.vector_load %arg6[%swap3A_122] {strides = array<i32>} : memref<4096xi32, #tpu.memory_space<vmem>>, vector<16xi32>,
        tpu.vector_store %arg6[%swap3A_122], %broadcast_in_dim3A_5 {strides = array<i32>} : memref<4096xi32, #tpu.memory_space<vmem>>, vector<16xi32>,
        %swap3A_124 = arith.constant 144 : index
        %swap3A_125 = tpu.vector_load %arg6[%swap3A_124] {strides = array<i32>} : memref<4096xi32, #tpu.memory_space<vmem>>, vector<16xi32>,
        tpu.vector_store %arg6[%swap3A_124], %broadcast_in_dim3A_5 {strides = array<i32>} : memref<4096xi32, #tpu.memory_space<vmem>>, vector<16xi32>,
        %swap3A_126 = arith.constant 160 : index
        %swap3A_127 = tpu.vector_load %arg6[%swap3A_126] {strides = array<i32>} : memref<4096xi32, #tpu.memory_space<vmem>>, vector<16xi32>,
        tpu.vector_store %arg6[%swap3A_126], %broadcast_in_dim3A_5 {strides = array<i32>} : memref<4096xi32, #tpu.memory_space<vmem>>, vector<16xi32>,
        %swap3A_128 = arith.constant 176 : index
        %swap3A_129 = tpu.vector_load %arg6[%swap3A_128] {strides = array<i32>} : memref<4096xi32, #tpu.memory_space<vmem>>, vector<16xi32>,
        tpu.vector_store %arg6[%swap3A_128], %broadcast_in_dim3A_5 {strides = array<i32>} : memref<4096xi32, #tpu.memory_space<vmem>>, vector<16xi32>,
        %swap3A_130 = arith.constant 192 : index
        %swap3A_131 = tpu.vector_load %arg6[%swap3A_130] {strides = array<i32>} : memref<4096xi32, #tpu.memory_space<vmem>>, vector<16xi32>,
        tpu.vector_store %arg6[%swap3A_130], %broadcast_in_dim3A_5 {strides = array<i32>} : memref<4096xi32, #tpu.memory_space<vmem>>, vector<16xi32>,
        %swap3A_132 = arith.constant 208 : index
        %swap3A_133 = tpu.vector_load %arg6[%swap3A_132] {strides = array<i32>} : memref<4096xi32, #tpu.memory_space<vmem>>, vector<16xi32>,
        tpu.vector_store %arg6[%swap3A_132], %broadcast_in_dim3A_5 {strides = array<i32>} : memref<4096xi32, #tpu.memory_space<vmem>>, vector<16xi32>,
        %swap3A_134 = arith.constant 224 : index
        %swap3A_135 = tpu.vector_load %arg6[%swap3A_134] {strides = array<i32>} : memref<4096xi32, #tpu.memory_space<vmem>>, vector<16xi32>,
        tpu.vector_store %arg6[%swap3A_134], %broadcast_in_dim3A_5 {strides = array<i32>} : memref<4096xi32, #tpu.memory_space<vmem>>, vector<16xi32>,
        %swap3A_136 = arith.constant 240 : index
        %swap3A_137 = tpu.vector_load %arg6[%swap3A_136] {strides = array<i32>} : memref<4096xi32, #tpu.memory_space<vmem>>, vector<16xi32>,
        tpu.vector_store %arg6[%swap3A_136], %broadcast_in_dim3A_5 {strides = array<i32>} : memref<4096xi32, #tpu.memory_space<vmem>>, vector<16xi32>,
        %parallel_loop3A = arith.constant 0 : i32
        %parallel_loop3A_138 = arith.constant 2048 : i32
        %parallel_loop3A_139 = arith.constant 16 : i32
        scf.for %parallel_loop3A_556 = %parallel_loop3A to %parallel_loop3A_138 step %parallel_loop3A_139  : i32 {
          %parallel_loop3A_557 = arith.constant 1 : i32
          %parallel_loop3A_558 = arith.index_cast %parallel_loop3A_557 : i32 to index
          %parallel_loop3A_559 = arith.index_cast %scan3A_102 : i32 to index
          %parallel_loop3A_560 = arith.index_cast %parallel_loop3A_556 : i32 to index
          %parallel_loop3A_561 = tpu.vector_load %arg4[%parallel_loop3A_558, %parallel_loop3A_559, %parallel_loop3A_560] {strides = array<i32>} : memref<2x16x2048xi32, #tpu.memory_space<vmem>>, vector<16xi32>,
          %parallel_loop3A_562 = arith.constant 24 : i32
          %parallel_loop3A_563 = vector.broadcast %parallel_loop3A_562 : i32 to vector<16xi32>
          %parallel_loop3A_564 = arith.shrsi %parallel_loop3A_561, %parallel_loop3A_563 : vector<16xi32>
          %parallel_loop3A_565 = arith.constant 255 : i32
          %parallel_loop3A_566 = vector.broadcast %parallel_loop3A_565 : i32 to vector<16xi32>
          %parallel_loop3A_567 = arith.andi %parallel_loop3A_564, %parallel_loop3A_566 : vector<16xi32>
          %parallel_loop3A_568 = arith.constant 15 : i32
          %parallel_loop3A_569 = vector.broadcast %parallel_loop3A_568 : i32 to vector<16xi32>
          %parallel_loop3A_570 = arith.andi %parallel_loop3A_567, %parallel_loop3A_569 : vector<16xi32>
          %parallel_loop3A_571 = arith.constant 4 : i32
          %parallel_loop3A_572 = vector.broadcast %parallel_loop3A_571 : i32 to vector<16xi32>
          %parallel_loop3A_573 = arith.shli %parallel_loop3A_570, %parallel_loop3A_572 : vector<16xi32>
          %parallel_loop3A_574 = arith.constant 4 : i32
          %parallel_loop3A_575 = vector.broadcast %parallel_loop3A_574 : i32 to vector<16xi32>
          %parallel_loop3A_576 = arith.shrsi %parallel_loop3A_567, %parallel_loop3A_575 : vector<16xi32>
          %parallel_loop3A_577 = arith.ori %parallel_loop3A_573, %parallel_loop3A_576 : vector<16xi32>
          %parallel_loop3A_578 = arith.constant 0 : i32
          %parallel_loop3A_579 = vector.broadcast %parallel_loop3A_578 : i32 to vector<16xi32>
          %parallel_loop3A_580 = arith.addi %parallel_loop3A_579, %parallel_loop3A_577 : vector<16xi32>
          tpu.vector_store_idx %arg6[%parallel_loop3A_580], %broadcast_in_dim3A_3 {add = true} : memref<4096xi32, #tpu.memory_space<vmem>>[vector<16xi32>], vector<16xi32>,
        } {sc.loop_unroll_factor = 8 : i64, sc.parallel_access}
        %get3A = arith.constant 0 : index
        %get3A_140 = tpu.vector_load %arg6[%get3A] {strides = array<i32>} : memref<4096xi32, #tpu.memory_space<vmem>>, vector<16xi32>,
        %get3A_141 = arith.constant 16 : index
        %get3A_142 = tpu.vector_load %arg6[%get3A_141] {strides = array<i32>} : memref<4096xi32, #tpu.memory_space<vmem>>, vector<16xi32>,
        %add3A_143 = arith.addi %get3A_140, %get3A_142 : vector<16xi32>
        %get3A_144 = arith.constant 32 : index
        %get3A_145 = tpu.vector_load %arg6[%get3A_144] {strides = array<i32>} : memref<4096xi32, #tpu.memory_space<vmem>>, vector<16xi32>,
        %add3A_146 = arith.addi %add3A_143, %get3A_145 : vector<16xi32>
        %get3A_147 = arith.constant 48 : index
        %get3A_148 = tpu.vector_load %arg6[%get3A_147] {strides = array<i32>} : memref<4096xi32, #tpu.memory_space<vmem>>, vector<16xi32>,
        %add3A_149 = arith.addi %add3A_146, %get3A_148 : vector<16xi32>
        %get3A_150 = arith.constant 64 : index
        %get3A_151 = tpu.vector_load %arg6[%get3A_150] {strides = array<i32>} : memref<4096xi32, #tpu.memory_space<vmem>>, vector<16xi32>,
        %add3A_152 = arith.addi %add3A_149, %get3A_151 : vector<16xi32>
        %get3A_153 = arith.constant 80 : index
        %get3A_154 = tpu.vector_load %arg6[%get3A_153] {strides = array<i32>} : memref<4096xi32, #tpu.memory_space<vmem>>, vector<16xi32>,
        %add3A_155 = arith.addi %add3A_152, %get3A_154 : vector<16xi32>
        %get3A_156 = arith.constant 96 : index
        %get3A_157 = tpu.vector_load %arg6[%get3A_156] {strides = array<i32>} : memref<4096xi32, #tpu.memory_space<vmem>>, vector<16xi32>,
        %add3A_158 = arith.addi %add3A_155, %get3A_157 : vector<16xi32>
        %get3A_159 = arith.constant 112 : index
        %get3A_160 = tpu.vector_load %arg6[%get3A_159] {strides = array<i32>} : memref<4096xi32, #tpu.memory_space<vmem>>, vector<16xi32>,
        %add3A_161 = arith.addi %add3A_158, %get3A_160 : vector<16xi32>
        %get3A_162 = arith.constant 128 : index
        %get3A_163 = tpu.vector_load %arg6[%get3A_162] {strides = array<i32>} : memref<4096xi32, #tpu.memory_space<vmem>>, vector<16xi32>,
        %add3A_164 = arith.addi %add3A_161, %get3A_163 : vector<16xi32>
        %get3A_165 = arith.constant 144 : index
        %get3A_166 = tpu.vector_load %arg6[%get3A_165] {strides = array<i32>} : memref<4096xi32, #tpu.memory_space<vmem>>, vector<16xi32>,
        %add3A_167 = arith.addi %add3A_164, %get3A_166 : vector<16xi32>
        %get3A_168 = arith.constant 160 : index
        %get3A_169 = tpu.vector_load %arg6[%get3A_168] {strides = array<i32>} : memref<4096xi32, #tpu.memory_space<vmem>>, vector<16xi32>,
        %add3A_170 = arith.addi %add3A_167, %get3A_169 : vector<16xi32>
        %get3A_171 = arith.constant 176 : index
        %get3A_172 = tpu.vector_load %arg6[%get3A_171] {strides = array<i32>} : memref<4096xi32, #tpu.memory_space<vmem>>, vector<16xi32>,
        %add3A_173 = arith.addi %add3A_170, %get3A_172 : vector<16xi32>
        %get3A_174 = arith.constant 192 : index
        %get3A_175 = tpu.vector_load %arg6[%get3A_174] {strides = array<i32>} : memref<4096xi32, #tpu.memory_space<vmem>>, vector<16xi32>,
        %add3A_176 = arith.addi %add3A_173, %get3A_175 : vector<16xi32>
        %get3A_177 = arith.constant 208 : index
        %get3A_178 = tpu.vector_load %arg6[%get3A_177] {strides = array<i32>} : memref<4096xi32, #tpu.memory_space<vmem>>, vector<16xi32>,
        %add3A_179 = arith.addi %add3A_176, %get3A_178 : vector<16xi32>
        %get3A_180 = arith.constant 224 : index
        %get3A_181 = tpu.vector_load %arg6[%get3A_180] {strides = array<i32>} : memref<4096xi32, #tpu.memory_space<vmem>>, vector<16xi32>,
        %add3A_182 = arith.addi %add3A_179, %get3A_181 : vector<16xi32>
        %get3A_183 = arith.constant 240 : index
        %get3A_184 = tpu.vector_load %arg6[%get3A_183] {strides = array<i32>} : memref<4096xi32, #tpu.memory_space<vmem>>, vector<16xi32>,
        %add3A_185 = arith.addi %add3A_182, %get3A_184 : vector<16xi32>
        %rev3A = arith.constant 15 : i32
        %rev3A_186 = vector.broadcast %rev3A : i32 to vector<16xi32>
        %rev3A_187 = tpu.iota {dimensions = array<i32: 0>} : vector<16xi32>
        %rev3A_188 = arith.subi %rev3A_186, %rev3A_187 : vector<16xi32>
        %rev3A_189 = tpu.dynamic_gather %add3A_185[%rev3A_188] in [0] : vector<16xi32>, vector<16xi32> -> vector<16xi32>
        %cumsum3A = arith.constant true
        %cumsum3A_190 = vector.broadcast %cumsum3A : i1 to vector<16xi1>
        %cumsum3A_191 = tpu.scan <sum>, %rev3A_189 masked %cumsum3A_190 : vector<16xi32>, vector<16xi1> -> vector<16xi32>
        %rev3A_192 = arith.constant 15 : i32
        %rev3A_193 = vector.broadcast %rev3A_192 : i32 to vector<16xi32>
        %rev3A_194 = tpu.iota {dimensions = array<i32: 0>} : vector<16xi32>
        %rev3A_195 = arith.subi %rev3A_193, %rev3A_194 : vector<16xi32>
        %rev3A_196 = tpu.dynamic_gather %cumsum3A_191[%rev3A_195] in [0] : vector<16xi32>, vector<16xi32> -> vector<16xi32>
        %ge3A = arith.cmpi sge, %rev3A_196, %broadcast_in_dim3A_105 : vector<16xi32>
        %all_reduce_population_count3A = tpu.all_reduce %ge3A {dim = 0 : i64, kind = #tpu.reduction_kind<sum>} : vector<16xi1> -> vector<16xi32>
        %sub3A = arith.constant 1 : i32
        %sub3A_197 = vector.broadcast %sub3A : i32 to vector<16xi32>
        %sub3A_198 = arith.subi %all_reduce_population_count3A, %sub3A_197 : vector<16xi32>
        %broadcast_in_dim3A_199 = vector.shape_cast %sub3A_198 : vector<16xi32> to vector<16x1xi32>
        %gather3A = vector.shape_cast %broadcast_in_dim3A_199 : vector<16x1xi32> to vector<16xi32>
        %gather3A_200 = tpu.dynamic_gather %rev3A_196[%gather3A] in [0] : vector<16xi32>, vector<16xi32> -> vector<16xi32>
        %broadcast_in_dim3A_201 = vector.shape_cast %sub3A_198 : vector<16xi32> to vector<16x1xi32>
        %gather3A_202 = vector.shape_cast %broadcast_in_dim3A_201 : vector<16x1xi32> to vector<16xi32>
        %gather3A_203 = tpu.dynamic_gather %add3A_185[%gather3A_202] in [0] : vector<16xi32>, vector<16xi32> -> vector<16xi32>
        %sub3A_204 = arith.subi %gather3A_200, %gather3A_203 : vector<16xi32>
        %mul3A_205 = arith.constant 16 : i32
        %mul3A_206 = vector.broadcast %mul3A_205 : i32 to vector<16xi32>
        %mul3A_207 = arith.muli %iota3A, %mul3A_206 : vector<16xi32>
        %add3A_208 = arith.constant 0 : i32
        %add3A_209 = vector.broadcast %add3A_208 : i32 to vector<16xi32>
        %add3A_210 = arith.addi %add3A_209, %mul3A_207 : vector<16xi32>
        %add3A_211 = arith.addi %add3A_210, %sub3A_198 : vector<16xi32>
        %gather3A_212 = tpu.vector_load_idx %arg6[%add3A_211] : memref<4096xi32, #tpu.memory_space<vmem>>[vector<16xi32>], vector<16xi32>,
        %rev3A_213 = arith.constant 15 : i32
        %rev3A_214 = vector.broadcast %rev3A_213 : i32 to vector<16xi32>
        %rev3A_215 = tpu.iota {dimensions = array<i32: 0>} : vector<16xi32>
        %rev3A_216 = arith.subi %rev3A_214, %rev3A_215 : vector<16xi32>
        %rev3A_217 = tpu.dynamic_gather %gather3A_212[%rev3A_216] in [0] : vector<16xi32>, vector<16xi32> -> vector<16xi32>
        %cumsum3A_218 = arith.constant true
        %cumsum3A_219 = vector.broadcast %cumsum3A_218 : i1 to vector<16xi1>
        %cumsum3A_220 = tpu.scan <sum>, %rev3A_217 masked %cumsum3A_219 : vector<16xi32>, vector<16xi1> -> vector<16xi32>
        %rev3A_221 = arith.constant 15 : i32
        %rev3A_222 = vector.broadcast %rev3A_221 : i32 to vector<16xi32>
        %rev3A_223 = tpu.iota {dimensions = array<i32: 0>} : vector<16xi32>
        %rev3A_224 = arith.subi %rev3A_222, %rev3A_223 : vector<16xi32>
        %rev3A_225 = tpu.dynamic_gather %cumsum3A_220[%rev3A_224] in [0] : vector<16xi32>, vector<16xi32> -> vector<16xi32>
        %add3A_226 = arith.addi %rev3A_225, %sub3A_204 : vector<16xi32>
        %ge3A_227 = arith.cmpi sge, %add3A_226, %broadcast_in_dim3A_105 : vector<16xi32>
        %all_reduce_population_count3A_228 = tpu.all_reduce %ge3A_227 {dim = 0 : i64, kind = #tpu.reduction_kind<sum>} : vector<16xi1> -> vector<16xi32>
        %sub3A_229 = arith.constant 1 : i32
        %sub3A_230 = vector.broadcast %sub3A_229 : i32 to vector<16xi32>
        %sub3A_231 = arith.subi %all_reduce_population_count3A_228, %sub3A_230 : vector<16xi32>
        %broadcast_in_dim3A_232 = vector.shape_cast %sub3A_231 : vector<16xi32> to vector<16x1xi32>
        %gather3A_233 = vector.shape_cast %broadcast_in_dim3A_232 : vector<16x1xi32> to vector<16xi32>
        %gather3A_234 = tpu.dynamic_gather %add3A_226[%gather3A_233] in [0] : vector<16xi32>, vector<16xi32> -> vector<16xi32>
        %broadcast_in_dim3A_235 = vector.shape_cast %sub3A_231 : vector<16xi32> to vector<16x1xi32>
        %gather3A_236 = vector.shape_cast %broadcast_in_dim3A_235 : vector<16x1xi32> to vector<16xi32>
        %gather3A_237 = tpu.dynamic_gather %gather3A_212[%gather3A_236] in [0] : vector<16xi32>, vector<16xi32> -> vector<16xi32>
        %sub3A_238 = arith.subi %gather3A_234, %gather3A_237 : vector<16xi32>
        %sub3A_239 = arith.subi %broadcast_in_dim3A_105, %sub3A_238 : vector<16xi32>
        %mul3A_240 = arith.constant 256 : i32
        %mul3A_241 = vector.broadcast %mul3A_240 : i32 to vector<16xi32>
        %mul3A_242 = arith.muli %broadcast_in_dim3A_5, %mul3A_241 : vector<16xi32>
        %mul3A_243 = arith.constant 16 : i32
        %mul3A_244 = vector.broadcast %mul3A_243 : i32 to vector<16xi32>
        %mul3A_245 = arith.muli %sub3A_198, %mul3A_244 : vector<16xi32>
        %add3A_246 = arith.addi %mul3A_242, %mul3A_245 : vector<16xi32>
        %add3A_247 = arith.addi %add3A_246, %sub3A_231 : vector<16xi32>
        %swap3A_248 = arith.constant 0 : index
        %swap3A_249 = tpu.vector_load %arg6[%swap3A_248] {strides = array<i32>} : memref<4096xi32, #tpu.memory_space<vmem>>, vector<16xi32>,
        tpu.vector_store %arg6[%swap3A_248], %broadcast_in_dim3A_5 {strides = array<i32>} : memref<4096xi32, #tpu.memory_space<vmem>>, vector<16xi32>,
        %swap3A_250 = arith.constant 16 : index
        %swap3A_251 = tpu.vector_load %arg6[%swap3A_250] {strides = array<i32>} : memref<4096xi32, #tpu.memory_space<vmem>>, vector<16xi32>,
        tpu.vector_store %arg6[%swap3A_250], %broadcast_in_dim3A_5 {strides = array<i32>} : memref<4096xi32, #tpu.memory_space<vmem>>, vector<16xi32>,
        %swap3A_252 = arith.constant 32 : index
        %swap3A_253 = tpu.vector_load %arg6[%swap3A_252] {strides = array<i32>} : memref<4096xi32, #tpu.memory_space<vmem>>, vector<16xi32>,
        tpu.vector_store %arg6[%swap3A_252], %broadcast_in_dim3A_5 {strides = array<i32>} : memref<4096xi32, #tpu.memory_space<vmem>>, vector<16xi32>,
        %swap3A_254 = arith.constant 48 : index
        %swap3A_255 = tpu.vector_load %arg6[%swap3A_254] {strides = array<i32>} : memref<4096xi32, #tpu.memory_space<vmem>>, vector<16xi32>,
        tpu.vector_store %arg6[%swap3A_254], %broadcast_in_dim3A_5 {strides = array<i32>} : memref<4096xi32, #tpu.memory_space<vmem>>, vector<16xi32>,
        %swap3A_256 = arith.constant 64 : index
        %swap3A_257 = tpu.vector_load %arg6[%swap3A_256] {strides = array<i32>} : memref<4096xi32, #tpu.memory_space<vmem>>, vector<16xi32>,
        tpu.vector_store %arg6[%swap3A_256], %broadcast_in_dim3A_5 {strides = array<i32>} : memref<4096xi32, #tpu.memory_space<vmem>>, vector<16xi32>,
        %swap3A_258 = arith.constant 80 : index
        %swap3A_259 = tpu.vector_load %arg6[%swap3A_258] {strides = array<i32>} : memref<4096xi32, #tpu.memory_space<vmem>>, vector<16xi32>,
        tpu.vector_store %arg6[%swap3A_258], %broadcast_in_dim3A_5 {strides = array<i32>} : memref<4096xi32, #tpu.memory_space<vmem>>, vector<16xi32>,
        %swap3A_260 = arith.constant 96 : index
        %swap3A_261 = tpu.vector_load %arg6[%swap3A_260] {strides = array<i32>} : memref<4096xi32, #tpu.memory_space<vmem>>, vector<16xi32>,
        tpu.vector_store %arg6[%swap3A_260], %broadcast_in_dim3A_5 {strides = array<i32>} : memref<4096xi32, #tpu.memory_space<vmem>>, vector<16xi32>,
        %swap3A_262 = arith.constant 112 : index
        %swap3A_263 = tpu.vector_load %arg6[%swap3A_262] {strides = array<i32>} : memref<4096xi32, #tpu.memory_space<vmem>>, vector<16xi32>,
        tpu.vector_store %arg6[%swap3A_262], %broadcast_in_dim3A_5 {strides = array<i32>} : memref<4096xi32, #tpu.memory_space<vmem>>, vector<16xi32>,
        %swap3A_264 = arith.constant 128 : index
        %swap3A_265 = tpu.vector_load %arg6[%swap3A_264] {strides = array<i32>} : memref<4096xi32, #tpu.memory_space<vmem>>, vector<16xi32>,
        tpu.vector_store %arg6[%swap3A_264], %broadcast_in_dim3A_5 {strides = array<i32>} : memref<4096xi32, #tpu.memory_space<vmem>>, vector<16xi32>,
        %swap3A_266 = arith.constant 144 : index
        %swap3A_267 = tpu.vector_load %arg6[%swap3A_266] {strides = array<i32>} : memref<4096xi32, #tpu.memory_space<vmem>>, vector<16xi32>,
        tpu.vector_store %arg6[%swap3A_266], %broadcast_in_dim3A_5 {strides = array<i32>} : memref<4096xi32, #tpu.memory_space<vmem>>, vector<16xi32>,
        %swap3A_268 = arith.constant 160 : index
        %swap3A_269 = tpu.vector_load %arg6[%swap3A_268] {strides = array<i32>} : memref<4096xi32, #tpu.memory_space<vmem>>, vector<16xi32>,
        tpu.vector_store %arg6[%swap3A_268], %broadcast_in_dim3A_5 {strides = array<i32>} : memref<4096xi32, #tpu.memory_space<vmem>>, vector<16xi32>,
        %swap3A_270 = arith.constant 176 : index
        %swap3A_271 = tpu.vector_load %arg6[%swap3A_270] {strides = array<i32>} : memref<4096xi32, #tpu.memory_space<vmem>>, vector<16xi32>,
        tpu.vector_store %arg6[%swap3A_270], %broadcast_in_dim3A_5 {strides = array<i32>} : memref<4096xi32, #tpu.memory_space<vmem>>, vector<16xi32>,
        %swap3A_272 = arith.constant 192 : index
        %swap3A_273 = tpu.vector_load %arg6[%swap3A_272] {strides = array<i32>} : memref<4096xi32, #tpu.memory_space<vmem>>, vector<16xi32>,
        tpu.vector_store %arg6[%swap3A_272], %broadcast_in_dim3A_5 {strides = array<i32>} : memref<4096xi32, #tpu.memory_space<vmem>>, vector<16xi32>,
        %swap3A_274 = arith.constant 208 : index
        %swap3A_275 = tpu.vector_load %arg6[%swap3A_274] {strides = array<i32>} : memref<4096xi32, #tpu.memory_space<vmem>>, vector<16xi32>,
        tpu.vector_store %arg6[%swap3A_274], %broadcast_in_dim3A_5 {strides = array<i32>} : memref<4096xi32, #tpu.memory_space<vmem>>, vector<16xi32>,
        %swap3A_276 = arith.constant 224 : index
        %swap3A_277 = tpu.vector_load %arg6[%swap3A_276] {strides = array<i32>} : memref<4096xi32, #tpu.memory_space<vmem>>, vector<16xi32>,
        tpu.vector_store %arg6[%swap3A_276], %broadcast_in_dim3A_5 {strides = array<i32>} : memref<4096xi32, #tpu.memory_space<vmem>>, vector<16xi32>,
        %swap3A_278 = arith.constant 240 : index
        %swap3A_279 = tpu.vector_load %arg6[%swap3A_278] {strides = array<i32>} : memref<4096xi32, #tpu.memory_space<vmem>>, vector<16xi32>,
        tpu.vector_store %arg6[%swap3A_278], %broadcast_in_dim3A_5 {strides = array<i32>} : memref<4096xi32, #tpu.memory_space<vmem>>, vector<16xi32>,
        %parallel_loop3A_280 = arith.constant 0 : i32
        %parallel_loop3A_281 = arith.constant 2048 : i32
        %parallel_loop3A_282 = arith.constant 16 : i32
        %parallel_loop3A_283 = arith.constant 255 : i32
        scf.for %parallel_loop3A_556 = %parallel_loop3A_280 to %parallel_loop3A_281 step %parallel_loop3A_282  : i32 {
          %parallel_loop3A_557 = arith.constant 1 : i32
          %parallel_loop3A_558 = arith.index_cast %parallel_loop3A_557 : i32 to index
          %parallel_loop3A_559 = arith.index_cast %scan3A_102 : i32 to index
          %parallel_loop3A_560 = arith.index_cast %parallel_loop3A_556 : i32 to index
          %parallel_loop3A_561 = tpu.vector_load %arg4[%parallel_loop3A_558, %parallel_loop3A_559, %parallel_loop3A_560] {strides = array<i32>} : memref<2x16x2048xi32, #tpu.memory_space<vmem>>, vector<16xi32>,
          %parallel_loop3A_562 = arith.constant 16 : i32
          %parallel_loop3A_563 = vector.broadcast %parallel_loop3A_562 : i32 to vector<16xi32>
          %parallel_loop3A_564 = arith.shrsi %parallel_loop3A_561, %parallel_loop3A_563 : vector<16xi32>
          %parallel_loop3A_565 = arith.constant 255 : i32
          %parallel_loop3A_566 = vector.broadcast %parallel_loop3A_565 : i32 to vector<16xi32>
          %parallel_loop3A_567 = arith.andi %parallel_loop3A_564, %parallel_loop3A_566 : vector<16xi32>
          %parallel_loop3A_568 = arith.constant 15 : i32
          %parallel_loop3A_569 = vector.broadcast %parallel_loop3A_568 : i32 to vector<16xi32>
          %parallel_loop3A_570 = arith.andi %parallel_loop3A_567, %parallel_loop3A_569 : vector<16xi32>
          %parallel_loop3A_571 = arith.constant 4 : i32
          %parallel_loop3A_572 = vector.broadcast %parallel_loop3A_571 : i32 to vector<16xi32>
          %parallel_loop3A_573 = arith.shli %parallel_loop3A_570, %parallel_loop3A_572 : vector<16xi32>
          %parallel_loop3A_574 = arith.constant 4 : i32
          %parallel_loop3A_575 = vector.broadcast %parallel_loop3A_574 : i32 to vector<16xi32>
          %parallel_loop3A_576 = arith.shrsi %parallel_loop3A_567, %parallel_loop3A_575 : vector<16xi32>
          %parallel_loop3A_577 = arith.ori %parallel_loop3A_573, %parallel_loop3A_576 : vector<16xi32>
          %parallel_loop3A_578 = arith.constant 0 : i32
          %parallel_loop3A_579 = vector.broadcast %parallel_loop3A_578 : i32 to vector<16xi32>
          %parallel_loop3A_580 = arith.addi %parallel_loop3A_579, %parallel_loop3A_577 : vector<16xi32>
          %parallel_loop3A_581 = arith.constant 24 : i32
          %parallel_loop3A_582 = vector.broadcast %parallel_loop3A_581 : i32 to vector<16xi32>
          %parallel_loop3A_583 = arith.shrsi %parallel_loop3A_561, %parallel_loop3A_582 : vector<16xi32>
          %parallel_loop3A_584 = vector.broadcast %parallel_loop3A_283 : i32 to vector<16xi32>
          %parallel_loop3A_585 = arith.andi %parallel_loop3A_583, %parallel_loop3A_584 : vector<16xi32>
          %parallel_loop3A_586 = arith.cmpi eq, %parallel_loop3A_585, %add3A_247 : vector<16xi32>
          tpu.vector_store_idx %arg6[%parallel_loop3A_580], %broadcast_in_dim3A_3 masked %parallel_loop3A_586 {add = true} : memref<4096xi32, #tpu.memory_space<vmem>>[vector<16xi32>], vector<16xi32>, vector<16xi1>
        } {sc.loop_unroll_factor = 8 : i64, sc.parallel_access}
        %get3A_284 = arith.constant 0 : index
        %get3A_285 = tpu.vector_load %arg6[%get3A_284] {strides = array<i32>} : memref<4096xi32, #tpu.memory_space<vmem>>, vector<16xi32>,
        %get3A_286 = arith.constant 16 : index
        %get3A_287 = tpu.vector_load %arg6[%get3A_286] {strides = array<i32>} : memref<4096xi32, #tpu.memory_space<vmem>>, vector<16xi32>,
        %add3A_288 = arith.addi %get3A_285, %get3A_287 : vector<16xi32>
        %get3A_289 = arith.constant 32 : index
        %get3A_290 = tpu.vector_load %arg6[%get3A_289] {strides = array<i32>} : memref<4096xi32, #tpu.memory_space<vmem>>, vector<16xi32>,
        %add3A_291 = arith.addi %add3A_288, %get3A_290 : vector<16xi32>
        %get3A_292 = arith.constant 48 : index
        %get3A_293 = tpu.vector_load %arg6[%get3A_292] {strides = array<i32>} : memref<4096xi32, #tpu.memory_space<vmem>>, vector<16xi32>,
        %add3A_294 = arith.addi %add3A_291, %get3A_293 : vector<16xi32>
        %get3A_295 = arith.constant 64 : index
        %get3A_296 = tpu.vector_load %arg6[%get3A_295] {strides = array<i32>} : memref<4096xi32, #tpu.memory_space<vmem>>, vector<16xi32>,
        %add3A_297 = arith.addi %add3A_294, %get3A_296 : vector<16xi32>
        %get3A_298 = arith.constant 80 : index
        %get3A_299 = tpu.vector_load %arg6[%get3A_298] {strides = array<i32>} : memref<4096xi32, #tpu.memory_space<vmem>>, vector<16xi32>,
        %add3A_300 = arith.addi %add3A_297, %get3A_299 : vector<16xi32>
        %get3A_301 = arith.constant 96 : index
        %get3A_302 = tpu.vector_load %arg6[%get3A_301] {strides = array<i32>} : memref<4096xi32, #tpu.memory_space<vmem>>, vector<16xi32>,
        %add3A_303 = arith.addi %add3A_300, %get3A_302 : vector<16xi32>
        %get3A_304 = arith.constant 112 : index
        %get3A_305 = tpu.vector_load %arg6[%get3A_304] {strides = array<i32>} : memref<4096xi32, #tpu.memory_space<vmem>>, vector<16xi32>,
        %add3A_306 = arith.addi %add3A_303, %get3A_305 : vector<16xi32>
        %get3A_307 = arith.constant 128 : index
        %get3A_308 = tpu.vector_load %arg6[%get3A_307] {strides = array<i32>} : memref<4096xi32, #tpu.memory_space<vmem>>, vector<16xi32>,
        %add3A_309 = arith.addi %add3A_306, %get3A_308 : vector<16xi32>
        %get3A_310 = arith.constant 144 : index
        %get3A_311 = tpu.vector_load %arg6[%get3A_310] {strides = array<i32>} : memref<4096xi32, #tpu.memory_space<vmem>>, vector<16xi32>,
        %add3A_312 = arith.addi %add3A_309, %get3A_311 : vector<16xi32>
        %get3A_313 = arith.constant 160 : index
        %get3A_314 = tpu.vector_load %arg6[%get3A_313] {strides = array<i32>} : memref<4096xi32, #tpu.memory_space<vmem>>, vector<16xi32>,
        %add3A_315 = arith.addi %add3A_312, %get3A_314 : vector<16xi32>
        %get3A_316 = arith.constant 176 : index
        %get3A_317 = tpu.vector_load %arg6[%get3A_316] {strides = array<i32>} : memref<4096xi32, #tpu.memory_space<vmem>>, vector<16xi32>,
        %add3A_318 = arith.addi %add3A_315, %get3A_317 : vector<16xi32>
        %get3A_319 = arith.constant 192 : index
        %get3A_320 = tpu.vector_load %arg6[%get3A_319] {strides = array<i32>} : memref<4096xi32, #tpu.memory_space<vmem>>, vector<16xi32>,
        %add3A_321 = arith.addi %add3A_318, %get3A_320 : vector<16xi32>
        %get3A_322 = arith.constant 208 : index
        %get3A_323 = tpu.vector_load %arg6[%get3A_322] {strides = array<i32>} : memref<4096xi32, #tpu.memory_space<vmem>>, vector<16xi32>,
        %add3A_324 = arith.addi %add3A_321, %get3A_323 : vector<16xi32>
        %get3A_325 = arith.constant 224 : index
        %get3A_326 = tpu.vector_load %arg6[%get3A_325] {strides = array<i32>} : memref<4096xi32, #tpu.memory_space<vmem>>, vector<16xi32>,
        %add3A_327 = arith.addi %add3A_324, %get3A_326 : vector<16xi32>
        %get3A_328 = arith.constant 240 : index
        %get3A_329 = tpu.vector_load %arg6[%get3A_328] {strides = array<i32>} : memref<4096xi32, #tpu.memory_space<vmem>>, vector<16xi32>,
        %add3A_330 = arith.addi %add3A_327, %get3A_329 : vector<16xi32>
        %rev3A_331 = arith.constant 15 : i32
        %rev3A_332 = vector.broadcast %rev3A_331 : i32 to vector<16xi32>
        %rev3A_333 = tpu.iota {dimensions = array<i32: 0>} : vector<16xi32>
        %rev3A_334 = arith.subi %rev3A_332, %rev3A_333 : vector<16xi32>
        %rev3A_335 = tpu.dynamic_gather %add3A_330[%rev3A_334] in [0] : vector<16xi32>, vector<16xi32> -> vector<16xi32>
        %cumsum3A_336 = arith.constant true
        %cumsum3A_337 = vector.broadcast %cumsum3A_336 : i1 to vector<16xi1>
        %cumsum3A_338 = tpu.scan <sum>, %rev3A_335 masked %cumsum3A_337 : vector<16xi32>, vector<16xi1> -> vector<16xi32>
        %rev3A_339 = arith.constant 15 : i32
        %rev3A_340 = vector.broadcast %rev3A_339 : i32 to vector<16xi32>
        %rev3A_341 = tpu.iota {dimensions = array<i32: 0>} : vector<16xi32>
        %rev3A_342 = arith.subi %rev3A_340, %rev3A_341 : vector<16xi32>
        %rev3A_343 = tpu.dynamic_gather %cumsum3A_338[%rev3A_342] in [0] : vector<16xi32>, vector<16xi32> -> vector<16xi32>
        %ge3A_344 = arith.cmpi sge, %rev3A_343, %sub3A_239 : vector<16xi32>
        %all_reduce_population_count3A_345 = tpu.all_reduce %ge3A_344 {dim = 0 : i64, kind = #tpu.reduction_kind<sum>} : vector<16xi1> -> vector<16xi32>
        %sub3A_346 = arith.constant 1 : i32
        %sub3A_347 = vector.broadcast %sub3A_346 : i32 to vector<16xi32>
        %sub3A_348 = arith.subi %all_reduce_population_count3A_345, %sub3A_347 : vector<16xi32>
        %broadcast_in_dim3A_349 = vector.shape_cast %sub3A_348 : vector<16xi32> to vector<16x1xi32>
        %gather3A_350 = vector.shape_cast %broadcast_in_dim3A_349 : vector<16x1xi32> to vector<16xi32>
        %gather3A_351 = tpu.dynamic_gather %rev3A_343[%gather3A_350] in [0] : vector<16xi32>, vector<16xi32> -> vector<16xi32>
        %broadcast_in_dim3A_352 = vector.shape_cast %sub3A_348 : vector<16xi32> to vector<16x1xi32>
        %gather3A_353 = vector.shape_cast %broadcast_in_dim3A_352 : vector<16x1xi32> to vector<16xi32>
        %gather3A_354 = tpu.dynamic_gather %add3A_330[%gather3A_353] in [0] : vector<16xi32>, vector<16xi32> -> vector<16xi32>
        %sub3A_355 = arith.subi %gather3A_351, %gather3A_354 : vector<16xi32>
        %mul3A_356 = arith.constant 16 : i32
        %mul3A_357 = vector.broadcast %mul3A_356 : i32 to vector<16xi32>
        %mul3A_358 = arith.muli %iota3A, %mul3A_357 : vector<16xi32>
        %add3A_359 = arith.constant 0 : i32
        %add3A_360 = vector.broadcast %add3A_359 : i32 to vector<16xi32>
        %add3A_361 = arith.addi %add3A_360, %mul3A_358 : vector<16xi32>
        %add3A_362 = arith.addi %add3A_361, %sub3A_348 : vector<16xi32>
        %gather3A_363 = tpu.vector_load_idx %arg6[%add3A_362] : memref<4096xi32, #tpu.memory_space<vmem>>[vector<16xi32>], vector<16xi32>,
        %rev3A_364 = arith.constant 15 : i32
        %rev3A_365 = vector.broadcast %rev3A_364 : i32 to vector<16xi32>
        %rev3A_366 = tpu.iota {dimensions = array<i32: 0>} : vector<16xi32>
        %rev3A_367 = arith.subi %rev3A_365, %rev3A_366 : vector<16xi32>
        %rev3A_368 = tpu.dynamic_gather %gather3A_363[%rev3A_367] in [0] : vector<16xi32>, vector<16xi32> -> vector<16xi32>
        %cumsum3A_369 = arith.constant true
        %cumsum3A_370 = vector.broadcast %cumsum3A_369 : i1 to vector<16xi1>
        %cumsum3A_371 = tpu.scan <sum>, %rev3A_368 masked %cumsum3A_370 : vector<16xi32>, vector<16xi1> -> vector<16xi32>
        %rev3A_372 = arith.constant 15 : i32
        %rev3A_373 = vector.broadcast %rev3A_372 : i32 to vector<16xi32>
        %rev3A_374 = tpu.iota {dimensions = array<i32: 0>} : vector<16xi32>
        %rev3A_375 = arith.subi %rev3A_373, %rev3A_374 : vector<16xi32>
        %rev3A_376 = tpu.dynamic_gather %cumsum3A_371[%rev3A_375] in [0] : vector<16xi32>, vector<16xi32> -> vector<16xi32>
        %add3A_377 = arith.addi %rev3A_376, %sub3A_355 : vector<16xi32>
        %ge3A_378 = arith.cmpi sge, %add3A_377, %sub3A_239 : vector<16xi32>
        %all_reduce_population_count3A_379 = tpu.all_reduce %ge3A_378 {dim = 0 : i64, kind = #tpu.reduction_kind<sum>} : vector<16xi1> -> vector<16xi32>
        %sub3A_380 = arith.constant 1 : i32
        %sub3A_381 = vector.broadcast %sub3A_380 : i32 to vector<16xi32>
        %sub3A_382 = arith.subi %all_reduce_population_count3A_379, %sub3A_381 : vector<16xi32>
        %broadcast_in_dim3A_383 = vector.shape_cast %sub3A_382 : vector<16xi32> to vector<16x1xi32>
        %gather3A_384 = vector.shape_cast %broadcast_in_dim3A_383 : vector<16x1xi32> to vector<16xi32>
        %gather3A_385 = tpu.dynamic_gather %add3A_377[%gather3A_384] in [0] : vector<16xi32>, vector<16xi32> -> vector<16xi32>
        %broadcast_in_dim3A_386 = vector.shape_cast %sub3A_382 : vector<16xi32> to vector<16x1xi32>
        %gather3A_387 = vector.shape_cast %broadcast_in_dim3A_386 : vector<16x1xi32> to vector<16xi32>
        %gather3A_388 = tpu.dynamic_gather %gather3A_363[%gather3A_387] in [0] : vector<16xi32>, vector<16xi32> -> vector<16xi32>
        %sub3A_389 = arith.subi %gather3A_385, %gather3A_388 : vector<16xi32>
        %sub3A_390 = arith.subi %sub3A_239, %sub3A_389 : vector<16xi32>
        %mul3A_391 = arith.constant 256 : i32
        %mul3A_392 = vector.broadcast %mul3A_391 : i32 to vector<16xi32>
        %mul3A_393 = arith.muli %add3A_247, %mul3A_392 : vector<16xi32>
        %mul3A_394 = arith.constant 16 : i32
        %mul3A_395 = vector.broadcast %mul3A_394 : i32 to vector<16xi32>
        %mul3A_396 = arith.muli %sub3A_348, %mul3A_395 : vector<16xi32>
        %add3A_397 = arith.addi %mul3A_393, %mul3A_396 : vector<16xi32>
        %add3A_398 = arith.addi %add3A_397, %sub3A_382 : vector<16xi32>
        %swap3A_399 = arith.constant 0 : index
        %swap3A_400 = tpu.vector_load %arg6[%swap3A_399] {strides = array<i32>} : memref<4096xi32, #tpu.memory_space<vmem>>, vector<16xi32>,
        tpu.vector_store %arg6[%swap3A_399], %broadcast_in_dim3A_5 {strides = array<i32>} : memref<4096xi32, #tpu.memory_space<vmem>>, vector<16xi32>,
        %swap3A_401 = arith.constant 16 : index
        %swap3A_402 = tpu.vector_load %arg6[%swap3A_401] {strides = array<i32>} : memref<4096xi32, #tpu.memory_space<vmem>>, vector<16xi32>,
        tpu.vector_store %arg6[%swap3A_401], %broadcast_in_dim3A_5 {strides = array<i32>} : memref<4096xi32, #tpu.memory_space<vmem>>, vector<16xi32>,
        %swap3A_403 = arith.constant 32 : index
        %swap3A_404 = tpu.vector_load %arg6[%swap3A_403] {strides = array<i32>} : memref<4096xi32, #tpu.memory_space<vmem>>, vector<16xi32>,
        tpu.vector_store %arg6[%swap3A_403], %broadcast_in_dim3A_5 {strides = array<i32>} : memref<4096xi32, #tpu.memory_space<vmem>>, vector<16xi32>,
        %swap3A_405 = arith.constant 48 : index
        %swap3A_406 = tpu.vector_load %arg6[%swap3A_405] {strides = array<i32>} : memref<4096xi32, #tpu.memory_space<vmem>>, vector<16xi32>,
        tpu.vector_store %arg6[%swap3A_405], %broadcast_in_dim3A_5 {strides = array<i32>} : memref<4096xi32, #tpu.memory_space<vmem>>, vector<16xi32>,
        %swap3A_407 = arith.constant 64 : index
        %swap3A_408 = tpu.vector_load %arg6[%swap3A_407] {strides = array<i32>} : memref<4096xi32, #tpu.memory_space<vmem>>, vector<16xi32>,
        tpu.vector_store %arg6[%swap3A_407], %broadcast_in_dim3A_5 {strides = array<i32>} : memref<4096xi32, #tpu.memory_space<vmem>>, vector<16xi32>,
        %swap3A_409 = arith.constant 80 : index
        %swap3A_410 = tpu.vector_load %arg6[%swap3A_409] {strides = array<i32>} : memref<4096xi32, #tpu.memory_space<vmem>>, vector<16xi32>,
        tpu.vector_store %arg6[%swap3A_409], %broadcast_in_dim3A_5 {strides = array<i32>} : memref<4096xi32, #tpu.memory_space<vmem>>, vector<16xi32>,
        %swap3A_411 = arith.constant 96 : index
        %swap3A_412 = tpu.vector_load %arg6[%swap3A_411] {strides = array<i32>} : memref<4096xi32, #tpu.memory_space<vmem>>, vector<16xi32>,
        tpu.vector_store %arg6[%swap3A_411], %broadcast_in_dim3A_5 {strides = array<i32>} : memref<4096xi32, #tpu.memory_space<vmem>>, vector<16xi32>,
        %swap3A_413 = arith.constant 112 : index
        %swap3A_414 = tpu.vector_load %arg6[%swap3A_413] {strides = array<i32>} : memref<4096xi32, #tpu.memory_space<vmem>>, vector<16xi32>,
        tpu.vector_store %arg6[%swap3A_413], %broadcast_in_dim3A_5 {strides = array<i32>} : memref<4096xi32, #tpu.memory_space<vmem>>, vector<16xi32>,
        %swap3A_415 = arith.constant 128 : index
        %swap3A_416 = tpu.vector_load %arg6[%swap3A_415] {strides = array<i32>} : memref<4096xi32, #tpu.memory_space<vmem>>, vector<16xi32>,
        tpu.vector_store %arg6[%swap3A_415], %broadcast_in_dim3A_5 {strides = array<i32>} : memref<4096xi32, #tpu.memory_space<vmem>>, vector<16xi32>,
        %swap3A_417 = arith.constant 144 : index
        %swap3A_418 = tpu.vector_load %arg6[%swap3A_417] {strides = array<i32>} : memref<4096xi32, #tpu.memory_space<vmem>>, vector<16xi32>,
        tpu.vector_store %arg6[%swap3A_417], %broadcast_in_dim3A_5 {strides = array<i32>} : memref<4096xi32, #tpu.memory_space<vmem>>, vector<16xi32>,
        %swap3A_419 = arith.constant 160 : index
        %swap3A_420 = tpu.vector_load %arg6[%swap3A_419] {strides = array<i32>} : memref<4096xi32, #tpu.memory_space<vmem>>, vector<16xi32>,
        tpu.vector_store %arg6[%swap3A_419], %broadcast_in_dim3A_5 {strides = array<i32>} : memref<4096xi32, #tpu.memory_space<vmem>>, vector<16xi32>,
        %swap3A_421 = arith.constant 176 : index
        %swap3A_422 = tpu.vector_load %arg6[%swap3A_421] {strides = array<i32>} : memref<4096xi32, #tpu.memory_space<vmem>>, vector<16xi32>,
        tpu.vector_store %arg6[%swap3A_421], %broadcast_in_dim3A_5 {strides = array<i32>} : memref<4096xi32, #tpu.memory_space<vmem>>, vector<16xi32>,
        %swap3A_423 = arith.constant 192 : index
        %swap3A_424 = tpu.vector_load %arg6[%swap3A_423] {strides = array<i32>} : memref<4096xi32, #tpu.memory_space<vmem>>, vector<16xi32>,
        tpu.vector_store %arg6[%swap3A_423], %broadcast_in_dim3A_5 {strides = array<i32>} : memref<4096xi32, #tpu.memory_space<vmem>>, vector<16xi32>,
        %swap3A_425 = arith.constant 208 : index
        %swap3A_426 = tpu.vector_load %arg6[%swap3A_425] {strides = array<i32>} : memref<4096xi32, #tpu.memory_space<vmem>>, vector<16xi32>,
        tpu.vector_store %arg6[%swap3A_425], %broadcast_in_dim3A_5 {strides = array<i32>} : memref<4096xi32, #tpu.memory_space<vmem>>, vector<16xi32>,
        %swap3A_427 = arith.constant 224 : index
        %swap3A_428 = tpu.vector_load %arg6[%swap3A_427] {strides = array<i32>} : memref<4096xi32, #tpu.memory_space<vmem>>, vector<16xi32>,
        tpu.vector_store %arg6[%swap3A_427], %broadcast_in_dim3A_5 {strides = array<i32>} : memref<4096xi32, #tpu.memory_space<vmem>>, vector<16xi32>,
        %swap3A_429 = arith.constant 240 : index
        %swap3A_430 = tpu.vector_load %arg6[%swap3A_429] {strides = array<i32>} : memref<4096xi32, #tpu.memory_space<vmem>>, vector<16xi32>,
        tpu.vector_store %arg6[%swap3A_429], %broadcast_in_dim3A_5 {strides = array<i32>} : memref<4096xi32, #tpu.memory_space<vmem>>, vector<16xi32>,
        %parallel_loop3A_431 = arith.constant 0 : i32
        %parallel_loop3A_432 = arith.constant 2048 : i32
        %parallel_loop3A_433 = arith.constant 16 : i32
        %parallel_loop3A_434 = arith.constant 65535 : i32
        scf.for %parallel_loop3A_556 = %parallel_loop3A_431 to %parallel_loop3A_432 step %parallel_loop3A_433  : i32 {
          %parallel_loop3A_557 = arith.constant 1 : i32
          %parallel_loop3A_558 = arith.index_cast %parallel_loop3A_557 : i32 to index
          %parallel_loop3A_559 = arith.index_cast %scan3A_102 : i32 to index
          %parallel_loop3A_560 = arith.index_cast %parallel_loop3A_556 : i32 to index
          %parallel_loop3A_561 = tpu.vector_load %arg4[%parallel_loop3A_558, %parallel_loop3A_559, %parallel_loop3A_560] {strides = array<i32>} : memref<2x16x2048xi32, #tpu.memory_space<vmem>>, vector<16xi32>,
          %parallel_loop3A_562 = arith.constant 8 : i32
          %parallel_loop3A_563 = vector.broadcast %parallel_loop3A_562 : i32 to vector<16xi32>
          %parallel_loop3A_564 = arith.shrsi %parallel_loop3A_561, %parallel_loop3A_563 : vector<16xi32>
          %parallel_loop3A_565 = arith.constant 255 : i32
          %parallel_loop3A_566 = vector.broadcast %parallel_loop3A_565 : i32 to vector<16xi32>
          %parallel_loop3A_567 = arith.andi %parallel_loop3A_564, %parallel_loop3A_566 : vector<16xi32>
          %parallel_loop3A_568 = arith.constant 15 : i32
          %parallel_loop3A_569 = vector.broadcast %parallel_loop3A_568 : i32 to vector<16xi32>
          %parallel_loop3A_570 = arith.andi %parallel_loop3A_567, %parallel_loop3A_569 : vector<16xi32>
          %parallel_loop3A_571 = arith.constant 4 : i32
          %parallel_loop3A_572 = vector.broadcast %parallel_loop3A_571 : i32 to vector<16xi32>
          %parallel_loop3A_573 = arith.shli %parallel_loop3A_570, %parallel_loop3A_572 : vector<16xi32>
          %parallel_loop3A_574 = arith.constant 4 : i32
          %parallel_loop3A_575 = vector.broadcast %parallel_loop3A_574 : i32 to vector<16xi32>
          %parallel_loop3A_576 = arith.shrsi %parallel_loop3A_567, %parallel_loop3A_575 : vector<16xi32>
          %parallel_loop3A_577 = arith.ori %parallel_loop3A_573, %parallel_loop3A_576 : vector<16xi32>
          %parallel_loop3A_578 = arith.constant 0 : i32
          %parallel_loop3A_579 = vector.broadcast %parallel_loop3A_578 : i32 to vector<16xi32>
          %parallel_loop3A_580 = arith.addi %parallel_loop3A_579, %parallel_loop3A_577 : vector<16xi32>
          %parallel_loop3A_581 = arith.constant 16 : i32
          %parallel_loop3A_582 = vector.broadcast %parallel_loop3A_581 : i32 to vector<16xi32>
          %parallel_loop3A_583 = arith.shrsi %parallel_loop3A_561, %parallel_loop3A_582 : vector<16xi32>
          %parallel_loop3A_584 = vector.broadcast %parallel_loop3A_434 : i32 to vector<16xi32>
          %parallel_loop3A_585 = arith.andi %parallel_loop3A_583, %parallel_loop3A_584 : vector<16xi32>
          %parallel_loop3A_586 = arith.cmpi eq, %parallel_loop3A_585, %add3A_398 : vector<16xi32>
          tpu.vector_store_idx %arg6[%parallel_loop3A_580], %broadcast_in_dim3A_3 masked %parallel_loop3A_586 {add = true} : memref<4096xi32, #tpu.memory_space<vmem>>[vector<16xi32>], vector<16xi32>, vector<16xi1>
        } {sc.loop_unroll_factor = 8 : i64, sc.parallel_access}
        %get3A_435 = arith.constant 0 : index
        %get3A_436 = tpu.vector_load %arg6[%get3A_435] {strides = array<i32>} : memref<4096xi32, #tpu.memory_space<vmem>>, vector<16xi32>,
        %get3A_437 = arith.constant 16 : index
        %get3A_438 = tpu.vector_load %arg6[%get3A_437] {strides = array<i32>} : memref<4096xi32, #tpu.memory_space<vmem>>, vector<16xi32>,
        %add3A_439 = arith.addi %get3A_436, %get3A_438 : vector<16xi32>
        %get3A_440 = arith.constant 32 : index
        %get3A_441 = tpu.vector_load %arg6[%get3A_440] {strides = array<i32>} : memref<4096xi32, #tpu.memory_space<vmem>>, vector<16xi32>,
        %add3A_442 = arith.addi %add3A_439, %get3A_441 : vector<16xi32>
        %get3A_443 = arith.constant 48 : index
        %get3A_444 = tpu.vector_load %arg6[%get3A_443] {strides = array<i32>} : memref<4096xi32, #tpu.memory_space<vmem>>, vector<16xi32>,
        %add3A_445 = arith.addi %add3A_442, %get3A_444 : vector<16xi32>
        %get3A_446 = arith.constant 64 : index
        %get3A_447 = tpu.vector_load %arg6[%get3A_446] {strides = array<i32>} : memref<4096xi32, #tpu.memory_space<vmem>>, vector<16xi32>,
        %add3A_448 = arith.addi %add3A_445, %get3A_447 : vector<16xi32>
        %get3A_449 = arith.constant 80 : index
        %get3A_450 = tpu.vector_load %arg6[%get3A_449] {strides = array<i32>} : memref<4096xi32, #tpu.memory_space<vmem>>, vector<16xi32>,
        %add3A_451 = arith.addi %add3A_448, %get3A_450 : vector<16xi32>
        %get3A_452 = arith.constant 96 : index
        %get3A_453 = tpu.vector_load %arg6[%get3A_452] {strides = array<i32>} : memref<4096xi32, #tpu.memory_space<vmem>>, vector<16xi32>,
        %add3A_454 = arith.addi %add3A_451, %get3A_453 : vector<16xi32>
        %get3A_455 = arith.constant 112 : index
        %get3A_456 = tpu.vector_load %arg6[%get3A_455] {strides = array<i32>} : memref<4096xi32, #tpu.memory_space<vmem>>, vector<16xi32>,
        %add3A_457 = arith.addi %add3A_454, %get3A_456 : vector<16xi32>
        %get3A_458 = arith.constant 128 : index
        %get3A_459 = tpu.vector_load %arg6[%get3A_458] {strides = array<i32>} : memref<4096xi32, #tpu.memory_space<vmem>>, vector<16xi32>,
        %add3A_460 = arith.addi %add3A_457, %get3A_459 : vector<16xi32>
        %get3A_461 = arith.constant 144 : index
        %get3A_462 = tpu.vector_load %arg6[%get3A_461] {strides = array<i32>} : memref<4096xi32, #tpu.memory_space<vmem>>, vector<16xi32>,
        %add3A_463 = arith.addi %add3A_460, %get3A_462 : vector<16xi32>
        %get3A_464 = arith.constant 160 : index
        %get3A_465 = tpu.vector_load %arg6[%get3A_464] {strides = array<i32>} : memref<4096xi32, #tpu.memory_space<vmem>>, vector<16xi32>,
        %add3A_466 = arith.addi %add3A_463, %get3A_465 : vector<16xi32>
        %get3A_467 = arith.constant 176 : index
        %get3A_468 = tpu.vector_load %arg6[%get3A_467] {strides = array<i32>} : memref<4096xi32, #tpu.memory_space<vmem>>, vector<16xi32>,
        %add3A_469 = arith.addi %add3A_466, %get3A_468 : vector<16xi32>
        %get3A_470 = arith.constant 192 : index
        %get3A_471 = tpu.vector_load %arg6[%get3A_470] {strides = array<i32>} : memref<4096xi32, #tpu.memory_space<vmem>>, vector<16xi32>,
        %add3A_472 = arith.addi %add3A_469, %get3A_471 : vector<16xi32>
        %get3A_473 = arith.constant 208 : index
        %get3A_474 = tpu.vector_load %arg6[%get3A_473] {strides = array<i32>} : memref<4096xi32, #tpu.memory_space<vmem>>, vector<16xi32>,
        %add3A_475 = arith.addi %add3A_472, %get3A_474 : vector<16xi32>
        %get3A_476 = arith.constant 224 : index
        %get3A_477 = tpu.vector_load %arg6[%get3A_476] {strides = array<i32>} : memref<4096xi32, #tpu.memory_space<vmem>>, vector<16xi32>,
        %add3A_478 = arith.addi %add3A_475, %get3A_477 : vector<16xi32>
        %get3A_479 = arith.constant 240 : index
        %get3A_480 = tpu.vector_load %arg6[%get3A_479] {strides = array<i32>} : memref<4096xi32, #tpu.memory_space<vmem>>, vector<16xi32>,
        %add3A_481 = arith.addi %add3A_478, %get3A_480 : vector<16xi32>
        %rev3A_482 = arith.constant 15 : i32
        %rev3A_483 = vector.broadcast %rev3A_482 : i32 to vector<16xi32>
        %rev3A_484 = tpu.iota {dimensions = array<i32: 0>} : vector<16xi32>
        %rev3A_485 = arith.subi %rev3A_483, %rev3A_484 : vector<16xi32>
        %rev3A_486 = tpu.dynamic_gather %add3A_481[%rev3A_485] in [0] : vector<16xi32>, vector<16xi32> -> vector<16xi32>
        %cumsum3A_487 = arith.constant true
        %cumsum3A_488 = vector.broadcast %cumsum3A_487 : i1 to vector<16xi1>
        %cumsum3A_489 = tpu.scan <sum>, %rev3A_486 masked %cumsum3A_488 : vector<16xi32>, vector<16xi1> -> vector<16xi32>
        %rev3A_490 = arith.constant 15 : i32
        %rev3A_491 = vector.broadcast %rev3A_490 : i32 to vector<16xi32>
        %rev3A_492 = tpu.iota {dimensions = array<i32: 0>} : vector<16xi32>
        %rev3A_493 = arith.subi %rev3A_491, %rev3A_492 : vector<16xi32>
        %rev3A_494 = tpu.dynamic_gather %cumsum3A_489[%rev3A_493] in [0] : vector<16xi32>, vector<16xi32> -> vector<16xi32>
        %ge3A_495 = arith.cmpi sge, %rev3A_494, %sub3A_390 : vector<16xi32>
        %all_reduce_population_count3A_496 = tpu.all_reduce %ge3A_495 {dim = 0 : i64, kind = #tpu.reduction_kind<sum>} : vector<16xi1> -> vector<16xi32>
        %sub3A_497 = arith.constant 1 : i32
        %sub3A_498 = vector.broadcast %sub3A_497 : i32 to vector<16xi32>
        %sub3A_499 = arith.subi %all_reduce_population_count3A_496, %sub3A_498 : vector<16xi32>
        %broadcast_in_dim3A_500 = vector.shape_cast %sub3A_499 : vector<16xi32> to vector<16x1xi32>
        %gather3A_501 = vector.shape_cast %broadcast_in_dim3A_500 : vector<16x1xi32> to vector<16xi32>
        %gather3A_502 = tpu.dynamic_gather %rev3A_494[%gather3A_501] in [0] : vector<16xi32>, vector<16xi32> -> vector<16xi32>
        %broadcast_in_dim3A_503 = vector.shape_cast %sub3A_499 : vector<16xi32> to vector<16x1xi32>
        %gather3A_504 = vector.shape_cast %broadcast_in_dim3A_503 : vector<16x1xi32> to vector<16xi32>
        %gather3A_505 = tpu.dynamic_gather %add3A_481[%gather3A_504] in [0] : vector<16xi32>, vector<16xi32> -> vector<16xi32>
        %sub3A_506 = arith.subi %gather3A_502, %gather3A_505 : vector<16xi32>
        %mul3A_507 = arith.constant 16 : i32
        %mul3A_508 = vector.broadcast %mul3A_507 : i32 to vector<16xi32>
        %mul3A_509 = arith.muli %iota3A, %mul3A_508 : vector<16xi32>
        %add3A_510 = arith.constant 0 : i32
        %add3A_511 = vector.broadcast %add3A_510 : i32 to vector<16xi32>
        %add3A_512 = arith.addi %add3A_511, %mul3A_509 : vector<16xi32>
        %add3A_513 = arith.addi %add3A_512, %sub3A_499 : vector<16xi32>
        %gather3A_514 = tpu.vector_load_idx %arg6[%add3A_513] : memref<4096xi32, #tpu.memory_space<vmem>>[vector<16xi32>], vector<16xi32>,
        %rev3A_515 = arith.constant 15 : i32
        %rev3A_516 = vector.broadcast %rev3A_515 : i32 to vector<16xi32>
        %rev3A_517 = tpu.iota {dimensions = array<i32: 0>} : vector<16xi32>
        %rev3A_518 = arith.subi %rev3A_516, %rev3A_517 : vector<16xi32>
        %rev3A_519 = tpu.dynamic_gather %gather3A_514[%rev3A_518] in [0] : vector<16xi32>, vector<16xi32> -> vector<16xi32>
        %cumsum3A_520 = arith.constant true
        %cumsum3A_521 = vector.broadcast %cumsum3A_520 : i1 to vector<16xi1>
        %cumsum3A_522 = tpu.scan <sum>, %rev3A_519 masked %cumsum3A_521 : vector<16xi32>, vector<16xi1> -> vector<16xi32>
        %rev3A_523 = arith.constant 15 : i32
        %rev3A_524 = vector.broadcast %rev3A_523 : i32 to vector<16xi32>
        %rev3A_525 = tpu.iota {dimensions = array<i32: 0>} : vector<16xi32>
        %rev3A_526 = arith.subi %rev3A_524, %rev3A_525 : vector<16xi32>
        %rev3A_527 = tpu.dynamic_gather %cumsum3A_522[%rev3A_526] in [0] : vector<16xi32>, vector<16xi32> -> vector<16xi32>
        %add3A_528 = arith.addi %rev3A_527, %sub3A_506 : vector<16xi32>
        %ge3A_529 = arith.cmpi sge, %add3A_528, %sub3A_390 : vector<16xi32>
        %all_reduce_population_count3A_530 = tpu.all_reduce %ge3A_529 {dim = 0 : i64, kind = #tpu.reduction_kind<sum>} : vector<16xi1> -> vector<16xi32>
        %sub3A_531 = arith.constant 1 : i32
        %sub3A_532 = vector.broadcast %sub3A_531 : i32 to vector<16xi32>
        %sub3A_533 = arith.subi %all_reduce_population_count3A_530, %sub3A_532 : vector<16xi32>
        %broadcast_in_dim3A_534 = vector.shape_cast %sub3A_533 : vector<16xi32> to vector<16x1xi32>
        %gather3A_535 = vector.shape_cast %broadcast_in_dim3A_534 : vector<16x1xi32> to vector<16xi32>
        %gather3A_536 = tpu.dynamic_gather %add3A_528[%gather3A_535] in [0] : vector<16xi32>, vector<16xi32> -> vector<16xi32>
        %broadcast_in_dim3A_537 = vector.shape_cast %sub3A_533 : vector<16xi32> to vector<16x1xi32>
        %gather3A_538 = vector.shape_cast %broadcast_in_dim3A_537 : vector<16x1xi32> to vector<16xi32>
        %gather3A_539 = tpu.dynamic_gather %gather3A_514[%gather3A_538] in [0] : vector<16xi32>, vector<16xi32> -> vector<16xi32>
        %sub3A_540 = arith.subi %gather3A_536, %gather3A_539 : vector<16xi32>
        %sub3A_541 = arith.subi %sub3A_390, %sub3A_540 : vector<16xi32>
        %mul3A_542 = arith.constant 256 : i32
        %mul3A_543 = vector.broadcast %mul3A_542 : i32 to vector<16xi32>
        %mul3A_544 = arith.muli %add3A_398, %mul3A_543 : vector<16xi32>
        %mul3A_545 = arith.constant 16 : i32
        %mul3A_546 = vector.broadcast %mul3A_545 : i32 to vector<16xi32>
        %mul3A_547 = arith.muli %sub3A_499, %mul3A_546 : vector<16xi32>
        %add3A_548 = arith.addi %mul3A_544, %mul3A_547 : vector<16xi32>
        %add3A_549 = arith.addi %add3A_548, %sub3A_533 : vector<16xi32>
        %mul3A_550 = arith.constant 256 : i32
        %mul3A_551 = vector.broadcast %mul3A_550 : i32 to vector<16xi32>
        %mul3A_552 = arith.muli %add3A_549, %mul3A_551 : vector<16xi32>
        %xor3A = arith.constant -2147483648 : i32
        %xor3A_553 = vector.broadcast %xor3A : i32 to vector<16xi32>
        %xor3A_554 = arith.xori %mul3A_552, %xor3A_553 : vector<16xi32>
        %broadcast_in_dim3A_555 = vector.broadcast %scan3A_102 : i32 to vector<16xi32>
        %eq3A = arith.cmpi eq, %iota3A, %broadcast_in_dim3A_555 : vector<16xi32>
        %select_n3A = arith.select %eq3A, %xor3A_554, %scan3A_103 : vector<16xi1>, vector<16xi32>
        scf.yield %select_n3A : vector<16xi32>
      }
      %scan3A_90 = arith.constant 16 : i32
      %mul3A_91 = arith.constant 16 : i32
      %mul3A_92 = arith.muli %add3A_46, %mul3A_91 : i32
      %swap3A_93 = arith.index_cast %mul3A_92 : i32 to index
      %swap3A_94 = tpu.vector_load %arg5[%swap3A_93] {strides = array<i32>} : memref<256xi32, #tpu.memory_space<vmem>>, vector<16xi32>,
      tpu.vector_store %arg5[%swap3A_93], %scan3A_89 {strides = array<i32>} : memref<256xi32, #tpu.memory_space<vmem>>, vector<16xi32>,
      %add3A_95 = arith.constant 2 : i32
      %add3A_96 = arith.addi %add3A_46, %add3A_95 : i32
      %lt3A_97 = arith.constant 16 : i32
      %lt3A_98 = arith.cmpi slt, %add3A_96, %lt3A_97 : i32
      %convert_element_type3A_99 = arith.extui %lt3A_98 : i1 to i32
      %cond3A_100 = arith.constant 0 : i32
      %cond3A_101 = arith.cmpi ne, %convert_element_type3A_99, %cond3A_100 : i32
      scf.if %cond3A_101 {
        %add3A_102 = arith.constant 2 : i32
        %add3A_103 = arith.addi %add3A_46, %add3A_102 : i32
        %mul3A_104 = arith.constant 16 : i32
        %mul3A_105 = arith.muli %add3A_103, %mul3A_104 : i32
        %add3A_106 = arith.addi %mul3A_2, %mul3A_105 : i32
        %dma_start3A_107 = arith.constant 1 : i32
        %dma_start3A_108 = arith.constant 0 : i32
        %dma_start3A_109 = arith.constant 0 : i32
        %dma_start3A_110 = tpu.memref_slice %arg4[%dma_start3A_107, %dma_start3A_108, %dma_start3A_109] : memref<2x16x2048xi32, #tpu.memory_space<vmem>> -> memref<1x16x2048xi32, #tpu.memory_space<vmem>>
        %dma_start3A_111 = tpu.memref_squeeze %dma_start3A_110 : memref<1x16x2048xi32, #tpu.memory_space<vmem>> -> memref<16x2048xi32, #tpu.memory_space<vmem>>
        %dma_start3A_112 = arith.constant 0 : i32
        %dma_start3A_113 = tpu.memref_slice %arg2[%add3A_106, %dma_start3A_112] : memref<8192x2048xi32, #tpu.memory_space<hbm>> -> memref<16x2048xi32, #tpu.memory_space<hbm>>
        %dma_start3A_114 = arith.constant 0 : i32
        %dma_start3A_115 = arith.constant 0 : i32
        %dma_start3A_116 = tpu.memref_slice %arg4[%dma_start3A_107, %dma_start3A_114, %dma_start3A_115] : memref<2x16x2048xi32, #tpu.memory_space<vmem>> -> memref<1x16x2048xi32, #tpu.memory_space<vmem>>
        %dma_start3A_117 = tpu.memref_squeeze %dma_start3A_116 : memref<1x16x2048xi32, #tpu.memory_space<vmem>> -> memref<16x2048xi32, #tpu.memory_space<vmem>>
        %dma_start3A_118 = arith.constant 0 : i32
        %dma_start3A_119 = tpu.memref_slice %arg2[%add3A_106, %dma_start3A_118] : memref<8192x2048xi32, #tpu.memory_space<hbm>> -> memref<16x2048xi32, #tpu.memory_space<hbm>>
        tpu.enqueue_dma source(%dma_start3A_119 : memref<16x2048xi32, #tpu.memory_space<hbm>>) target(%dma_start3A_117 : memref<16x2048xi32, #tpu.memory_space<vmem>>) target_semaphore(%arg8 : memref<!tpu.dma_semaphore, #tpu.memory_space<semaphore_mem>>)
      } else {
      }
    }
    %scan3A_39 = arith.constant 8 : i32
    "tpu.region"() ({
      %run_scoped3A = tpu.sem_alloc : memref<!tpu.dma_semaphore, #tpu.memory_space<semaphore_mem>>
      %dma_start3A_40 = tpu.memref_slice %arg3[%mul3A_2] : memref<8192xi32, #tpu.memory_space<hbm>> -> memref<256xi32, #tpu.memory_space<hbm>>
      %dma_start3A_41 = tpu.memref_slice %arg3[%mul3A_2] : memref<8192xi32, #tpu.memory_space<hbm>> -> memref<256xi32, #tpu.memory_space<hbm>>
      tpu.enqueue_dma source(%arg5 : memref<256xi32, #tpu.memory_space<vmem>>) target(%dma_start3A_41 : memref<256xi32, #tpu.memory_space<hbm>>) target_semaphore(%run_scoped3A : memref<!tpu.dma_semaphore, #tpu.memory_space<semaphore_mem>>)
      %dma_wait3A = tpu.memref_slice %arg3[%mul3A_2] : memref<8192xi32, #tpu.memory_space<hbm>> -> memref<256xi32, #tpu.memory_space<hbm>>
      %dma_wait3A_42 = tpu.memref_slice %arg3[%mul3A_2] : memref<8192xi32, #tpu.memory_space<hbm>> -> memref<256xi32, #tpu.memory_space<hbm>>
      tpu.wait_dma2 semaphore(%run_scoped3A : memref<!tpu.dma_semaphore, #tpu.memory_space<semaphore_mem>>) src(%arg5 : memref<256xi32, #tpu.memory_space<vmem>>) dst(%dma_wait3A_42 : memref<256xi32, #tpu.memory_space<hbm>>)
      tpu.yield
    }) : () -> ()
    return
  }
}

module attributes {stable_mosaic.version = 14 : i64} {
  func.func @_apply_block(%arg0: i32, %arg1: memref<256x768xf32, #tpu.memory_space<vmem>>, %arg2: memref<2048x768xf32, #tpu.memory_space<vmem>>, %arg3: memref<2048x768xf32, #tpu.memory_space<vmem>>, %arg4: memref<768x2048xf32, #tpu.memory_space<vmem>>, %arg5: memref<256x1xi32, #tpu.memory_space<vmem>>, %arg6: memref<256x768xf32, #tpu.memory_space<vmem>>) attributes {dimension_semantics = [#tpu.dimension_semantics<arbitrary>], iteration_bounds = array<i64: 32>, scalar_prefetch = 0 : i64, scratch_operands = 0 : i64, tpu.core_type = #tpu.core_type<tc>, window_params = [{transform_indices = @transform_0, window_bounds = array<i64: 256, 768>}, {pipeline_mode = #tpu.pipeline_mode<synchronous>, transform_indices = @transform_1, window_bounds = array<i64: 2048, 768>}, {pipeline_mode = #tpu.pipeline_mode<synchronous>, transform_indices = @transform_2, window_bounds = array<i64: 2048, 768>}, {pipeline_mode = #tpu.pipeline_mode<synchronous>, transform_indices = @transform_3, window_bounds = array<i64: 768, 2048>}, {transform_indices = @transform_4, window_bounds = array<i64: 256, 1>}, {transform_indices = @transform_5, window_bounds = array<i64: 256, 768>}]} {
    %get3A = arith.constant 0 : index
    %get3A_0 = arith.constant 0 : index
    %get3A_1 = vector.load %arg1[%get3A, %get3A_0] : memref<256x768xf32, #tpu.memory_space<vmem>>, vector<256x768xf32>
    %get3A_2 = arith.constant 0 : index
    %get3A_3 = arith.constant 0 : index
    %get3A_4 = vector.load %arg2[%get3A_2, %get3A_3] : memref<2048x768xf32, #tpu.memory_space<vmem>>, vector<2048x768xf32>
    %dot_general3A = arith.constant dense<0.000000e+00> : vector<256x2048xf32>
    %dot_general3A_5 = tpu.matmul %get3A_1, %get3A_4, %dot_general3A {dimension_numbers = #tpu.dot_dimension_numbers<[1], [1], [0], [0], [0, 0, 1, 0], [], []>, transpose_lhs_hint = false} : vector<256x768xf32>, vector<2048x768xf32>, vector<256x2048xf32> -> vector<256x2048xf32>
    %convert_element_type3A = arith.truncf %get3A_1 : vector<256x768xf32> to vector<256x768xbf16>
    %get3A_6 = arith.constant 0 : index
    %get3A_7 = arith.constant 0 : index
    %get3A_8 = vector.load %arg3[%get3A_6, %get3A_7] : memref<2048x768xf32, #tpu.memory_space<vmem>>, vector<2048x768xf32>
    %convert_element_type3A_9 = arith.truncf %get3A_8 : vector<2048x768xf32> to vector<2048x768xbf16>
    %dot_general3A_10 = arith.constant dense<0.000000e+00> : vector<256x2048xf32>
    %dot_general3A_11 = tpu.matmul %convert_element_type3A, %convert_element_type3A_9, %dot_general3A_10 {dimension_numbers = #tpu.dot_dimension_numbers<[1], [1], [0], [0], [0, 0, 1, 0], [], []>, transpose_lhs_hint = false} : vector<256x768xbf16>, vector<2048x768xbf16>, vector<256x2048xf32> -> vector<256x2048xf32>
    %bitcast_convert_type3A = tpu.bitcast %dot_general3A_5 : vector<256x2048xf32> -> vector<256x2048xi32>
    %lt3A = arith.constant 0 : i32
    %lt3A_12 = vector.broadcast %lt3A : i32 to vector<256x2048xi32>
    %lt3A_13 = arith.cmpi slt, %bitcast_convert_type3A, %lt3A_12 : vector<256x2048xi32>
    %xor3A = arith.constant 2147483647 : i32
    %xor3A_14 = vector.broadcast %xor3A : i32 to vector<256x2048xi32>
    %xor3A_15 = arith.xori %bitcast_convert_type3A, %xor3A_14 : vector<256x2048xi32>
    %select_n3A = arith.select %lt3A_13, %xor3A_15, %bitcast_convert_type3A : vector<256x2048xi1>, vector<256x2048xi32>
    %logistic3A = arith.negf %dot_general3A_5 : vector<256x2048xf32>
    %logistic3A_16 = math.exp %logistic3A : vector<256x2048xf32>
    %logistic3A_17 = arith.constant 1.000000e+00 : f32
    %logistic3A_18 = vector.broadcast %logistic3A_17 : f32 to vector<256x2048xf32>
    %logistic3A_19 = arith.addf %logistic3A_18, %logistic3A_16 : vector<256x2048xf32>
    %logistic3A_20 = arith.divf %logistic3A_18, %logistic3A_19 : vector<256x2048xf32>
    %mul3A = arith.mulf %dot_general3A_5, %logistic3A_20 : vector<256x2048xf32>
    %mul3A_21 = arith.mulf %mul3A, %dot_general3A_11 : vector<256x2048xf32>
    %get3A_22 = arith.constant 0 : index
    %get3A_23 = arith.constant 0 : index
    %get3A_24 = vector.load %arg5[%get3A_22, %get3A_23] : memref<256x1xi32, #tpu.memory_space<vmem>>, vector<256x1xi32>
    %ge3A = vector.broadcast %get3A_24 : vector<256x1xi32> to vector<256x2048xi32>
    %ge3A_25 = arith.cmpi sge, %select_n3A, %ge3A : vector<256x2048xi32>
    %jit3A = arith.constant 0.000000e+00 : f32
    %broadcast_in_dim3A = vector.broadcast %jit3A : f32 to vector<256x2048xf32>
    %select_n3A_26 = arith.select %ge3A_25, %mul3A_21, %broadcast_in_dim3A : vector<256x2048xi1>, vector<256x2048xf32>
    %convert_element_type3A_27 = arith.truncf %select_n3A_26 : vector<256x2048xf32> to vector<256x2048xbf16>
    %get3A_28 = arith.constant 0 : index
    %get3A_29 = arith.constant 0 : index
    %get3A_30 = vector.load %arg4[%get3A_28, %get3A_29] : memref<768x2048xf32, #tpu.memory_space<vmem>>, vector<768x2048xf32>
    %convert_element_type3A_31 = arith.truncf %get3A_30 : vector<768x2048xf32> to vector<768x2048xbf16>
    %dot_general3A_32 = arith.constant dense<0.000000e+00> : vector<256x768xf32>
    %dot_general3A_33 = tpu.matmul %convert_element_type3A_27, %convert_element_type3A_31, %dot_general3A_32 {dimension_numbers = #tpu.dot_dimension_numbers<[1], [1], [0], [0], [0, 0, 1, 0], [], []>, transpose_lhs_hint = false} : vector<256x2048xbf16>, vector<768x2048xbf16>, vector<256x768xf32> -> vector<256x768xf32>
    %swap3A = arith.constant 0 : index
    %swap3A_34 = arith.constant 0 : index
    %swap3A_35 = vector.load %arg6[%swap3A, %swap3A_34] : memref<256x768xf32, #tpu.memory_space<vmem>>, vector<256x768xf32>
    tpu.vector_store %arg6[%swap3A, %swap3A_34], %dot_general3A_33 {strides = array<i32>} : memref<256x768xf32, #tpu.memory_space<vmem>>, vector<256x768xf32>,
    return
  }
  func.func @transform_0(%arg0: i32) -> (i32, i32) {
    %c0_i32 = arith.constant 0 : i32
    %c0_i32_0 = arith.constant 0 : i32
    return %arg0, %c0_i32 : i32, i32
  }
  func.func @transform_1(%arg0: i32) -> (i32, i32) {
    %c0_i32 = arith.constant 0 : i32
    %c0_i32_0 = arith.constant 0 : i32
    %c0_i32_1 = arith.constant 0 : i32
    return %c0_i32, %c0_i32_0 : i32, i32
  }
  func.func @transform_2(%arg0: i32) -> (i32, i32) {
    %c0_i32 = arith.constant 0 : i32
    %c0_i32_0 = arith.constant 0 : i32
    %c0_i32_1 = arith.constant 0 : i32
    return %c0_i32, %c0_i32_0 : i32, i32
  }
  func.func @transform_3(%arg0: i32) -> (i32, i32) {
    %c0_i32 = arith.constant 0 : i32
    %c0_i32_0 = arith.constant 0 : i32
    %c0_i32_1 = arith.constant 0 : i32
    return %c0_i32, %c0_i32_0 : i32, i32
  }
  func.func @transform_4(%arg0: i32) -> (i32, i32) {
    %c0_i32 = arith.constant 0 : i32
    %c0_i32_0 = arith.constant 0 : i32
    return %arg0, %c0_i32 : i32, i32
  }
  func.func @transform_5(%arg0: i32) -> (i32, i32) {
    %c0_i32 = arith.constant 0 : i32
    %c0_i32_0 = arith.constant 0 : i32
    return %arg0, %c0_i32 : i32, i32
  }
}

module attributes {stable_mosaic.version = 14 : i64} {
  func.func @_keys_block(%arg0: i32, %arg1: memref<256x768xf32, #tpu.memory_space<vmem>>, %arg2: memref<2048x768xf32, #tpu.memory_space<vmem>>, %arg3: memref<256x2048xi32, #tpu.memory_space<vmem>>) attributes {dimension_semantics = [#tpu.dimension_semantics<arbitrary>], iteration_bounds = array<i64: 32>, scalar_prefetch = 0 : i64, scratch_operands = 0 : i64, tpu.core_type = #tpu.core_type<tc>, window_params = [{transform_indices = @transform_0, window_bounds = array<i64: 256, 768>}, {pipeline_mode = #tpu.pipeline_mode<synchronous>, transform_indices = @transform_1, window_bounds = array<i64: 2048, 768>}, {transform_indices = @transform_2, window_bounds = array<i64: 256, 2048>}]} {
    %get3A = arith.constant 0 : index
    %get3A_0 = arith.constant 0 : index
    %get3A_1 = vector.load %arg1[%get3A, %get3A_0] : memref<256x768xf32, #tpu.memory_space<vmem>>, vector<256x768xf32>
    %get3A_2 = arith.constant 0 : index
    %get3A_3 = arith.constant 0 : index
    %get3A_4 = vector.load %arg2[%get3A_2, %get3A_3] : memref<2048x768xf32, #tpu.memory_space<vmem>>, vector<2048x768xf32>
    %dot_general3A = arith.constant dense<0.000000e+00> : vector<256x2048xf32>
    %dot_general3A_5 = tpu.matmul %get3A_1, %get3A_4, %dot_general3A {dimension_numbers = #tpu.dot_dimension_numbers<[1], [1], [0], [0], [0, 0, 1, 0], [], []>, transpose_lhs_hint = false} : vector<256x768xf32>, vector<2048x768xf32>, vector<256x2048xf32> -> vector<256x2048xf32>
    %bitcast_convert_type3A = tpu.bitcast %dot_general3A_5 : vector<256x2048xf32> -> vector<256x2048xi32>
    %lt3A = arith.constant 0 : i32
    %lt3A_6 = vector.broadcast %lt3A : i32 to vector<256x2048xi32>
    %lt3A_7 = arith.cmpi slt, %bitcast_convert_type3A, %lt3A_6 : vector<256x2048xi32>
    %xor3A = arith.constant 2147483647 : i32
    %xor3A_8 = vector.broadcast %xor3A : i32 to vector<256x2048xi32>
    %xor3A_9 = arith.xori %bitcast_convert_type3A, %xor3A_8 : vector<256x2048xi32>
    %select_n3A = arith.select %lt3A_7, %xor3A_9, %bitcast_convert_type3A : vector<256x2048xi1>, vector<256x2048xi32>
    %xor3A_10 = arith.constant -2147483648 : i32
    %xor3A_11 = vector.broadcast %xor3A_10 : i32 to vector<256x2048xi32>
    %xor3A_12 = arith.xori %select_n3A, %xor3A_11 : vector<256x2048xi32>
    %swap3A = arith.constant 0 : index
    %swap3A_13 = arith.constant 0 : index
    %swap3A_14 = vector.load %arg3[%swap3A, %swap3A_13] : memref<256x2048xi32, #tpu.memory_space<vmem>>, vector<256x2048xi32>
    tpu.vector_store %arg3[%swap3A, %swap3A_13], %xor3A_12 {strides = array<i32>} : memref<256x2048xi32, #tpu.memory_space<vmem>>, vector<256x2048xi32>,
    return
  }
  func.func @transform_0(%arg0: i32) -> (i32, i32) {
    %c0_i32 = arith.constant 0 : i32
    %c0_i32_0 = arith.constant 0 : i32
    return %arg0, %c0_i32 : i32, i32
  }
  func.func @transform_1(%arg0: i32) -> (i32, i32) {
    %c0_i32 = arith.constant 0 : i32
    %c0_i32_0 = arith.constant 0 : i32
    %c0_i32_1 = arith.constant 0 : i32
    return %c0_i32, %c0_i32_0 : i32, i32
  }
  func.func @transform_2(%arg0: i32) -> (i32, i32) {
    %c0_i32 = arith.constant 0 : i32
    %c0_i32_0 = arith.constant 0 : i32
    return %arg0, %c0_i32 : i32, i32
  }
}

</mosaic_0001>

<sc_bundles>
// kernel: kernel.5.cloned.1.call-start
scs
__scs_entry_jumppad:
0x0: {  	(pc) =	sbr.rel $0x88, $3  }
0x1: {  	(tag) =	ssettag $0x0;
	lr =	simm.s32 $0x1  }
0x2: {  	[smem:$0x3F9D] =	sst lr;
	_ =	strace $0xD0000000  }
0x3: {  	_ = 	snop  }
0x4: {  	_ = 	snop  }
0x5: {  	_ = 	snop  }
0x6: {  	_ = 	snop  }
0x7: {  	_ = 	snop  }
__scs_overlays_trampoline_lowered:
0x8: {  	[smem:$0x3FAC] =	sst s0  }
0x9: {  	[smem:$0x3FAD] =	sst s1  }
0xa: {  	[smem:$0x3FAE] =	sst s2  }
0xb: {  	[smem:$0x3FAF] =	sst s3  }
0xc: {  	[smem:$0x3FB0] =	sst s4  }
0xd: {  	[smem:$0x3FB1] =	sst s5  }
0xe: {  	[smem:$0x3FB2] =	sst s6  }
0xf: {  	[smem:$0x3FB3] =	sst s7  }
0x10: {  	[smem:$0x3FB4] =	sst s8  }
0x11: {  	[smem:$0x3FB5] =	sst s9;
	s0 =	simm.s32 @!p0 $0x0  }
0x12: {  	s1 =	sld [smem:$0x3F9B];
	s0 =	simm.s32 @p0 $0x1  }
0x13: {  	[smem:$0x3FB6] =	sst s0;
	s0 =	simm.s32 @!p1 $0x0  }
0x14: {  	s2 =	sld [smem:$0x3F9A];
	s0 =	simm.s32 @p1 $0x1  }
0x15: {  	[smem:$0x3FB7] =	sst s0;
	s0 =	simm.s32 @!p2 $0x0  }
0x16: {  	s3 =	sld [smem:$0x3FDB];
	s0 =	simm.s32 @p2 $0x1  }
0x17: {  	s4 =	simm.s32 $0x1BF5;
	[smem:$0x3FB9] =	sst s0  }
0x18: {  	s0 =	sld [smem:$0x3F9C];
	_ =	swait.ge [sflag:s4], $0x0  }
0x19: {  	s7 =	sld [smem:$0x3F9D]  }
0x1a: {  	s8 =	sadd.s32 $0xFFFFE003, lr  }
0x1b: {  	s9 =	sadd.s32 $0xFFFFFEF7, lr;
	s5 =	simm.s32 $0xFFFFFFFF;
	p2 =	slt.u32 s8, $0xFFFFF086  }
0x1c: {  	p1 =	slt.u32 s9, $0xF7A;
	s5 =	simm.s32 @!p2 $0x0  }
0x1d: {  	s5 =	simm.s32 @p1 $0x1;
	p0 =	seq.s32 s7, s2  }
0x1e: {  	s7 =	smul.u32 @!p0 $0xF7A, s2;
	p2 =	seq.s32 @!p0 s5, $0x0  }
0x1f: {  	s9 =	smul.u32 $0xF7A, s1;
	s8 =	simm.s32 @!p0 $0x1BF5;
	p2 =	por !p2, p0  }
0x20: {  	[sflag:s8] =	ssyncset.s32 @!p0 $0xFFFFF086;
	s6 =	sadd.s32 @!p0 s3, s7;
	s7 =	simm.s32 @!p0 $0x108  }
0x21: {  	s3 =	sadd.s32 s3, s9;
	s6 =	sadd.s32 @!p0 $0x88, s6;
	s7 =	simm.s32 @p2 $0x1082  }
0x22: {  	[simem:s7], [sflag:s8] =	dma.local @!p0 [hbm:s6], $0xF7A  }
0x23: {  	s9 =	sor.u32 $0xD0000000, s2;
	s6 =	simm.s32 $0x108;
	_ =	swait.ge @!p0 [sflag:s8], $0x0  }
0x24: {  	s3 =	sadd.s32 $0x88, s3;
	s6 =	simm.s32 @!p1 $0x1082;
	[sflag:s4] =	ssyncset.s32 $0xFFFFF086  }
0x25: {  	[simem:s6], [sflag:s4] =	dma.local [hbm:s3], $0xF7A  }
0x26: {  	[smem:$0x3F9D] =	sst s1;
	(tag) =	ssettag s2;
	_ =	strace s9  }
0x27: {  	s1 =	sld [smem:$0x3FAD]  }
0x28: {  	s2 =	sld [smem:$0x3FAE]  }
0x29: {  	s4 =	sld [smem:$0x3FB0]  }
0x2a: {  	p0 =	seq.s32 s5, $0x0;
	s5 =	sld [smem:$0x3FB1]  }
0x2b: {  	s6 =	sld [smem:$0x3FB2]  }
0x2c: {  	s7 =	sld [smem:$0x3FB3]  }
0x2d: {  	s3 =	simm.s32 $0x108;
	s8 =	sld [smem:$0x3FB4]  }
0x2e: {  	s3 =	simm.s32 @!p0 $0x1082;
	s9 =	sld [smem:$0x3FB5]  }
0x2f: {  	lr =	sadd.s32 s0, s3;
	s0 =	sld [smem:$0x3FAC]  }
0x30: {  	s3 =	sld [smem:$0x3FAF]  }
0x31: {  	[smem:$0x3FB8] =	sst s10  }
0x32: {  	s10 =	sld [smem:$0x3FB6];
	_ =	sdelay $0x3  }
0x33: {  	p0 =	seq.s32 s10, $0x1;
	s10 =	sld [smem:$0x3FB8];
	_ =	sdelay $0x3  }
0x34: {  	[smem:$0x3FB8] =	sst s10  }
0x35: {  	s10 =	sld [smem:$0x3FB7];
	_ =	sdelay $0x3  }
0x36: {  	p1 =	seq.s32 s10, $0x1;
	s10 =	sld [smem:$0x3FB8];
	_ =	sdelay $0x3  }
0x37: {  	[smem:$0x3FB8] =	sst s10  }
0x38: {  	s10 =	sld [smem:$0x3FB9]  }
0x39: {  	_ = 	snop;
	(pc) =	sbr.ind lr, $3  }
0x3a: {  	_ = 	snop  }
0x3b: {  	_ = 	snop  }
0x3c: {  	p2 =	seq.s32 s10, $0x1;
	s10 =	sld [smem:$0x3FB8]  }
0x3d: {  	_ =	shalt  }
0x3e: {  	_ =	shalt  }
0x3f: {  	_ =	shalt  }
0x40: {  	_ =	shalt  }
0x41: {  	_ =	shalt  }
0x42: {  	_ =	shalt  }
0x43: {  	_ =	shalt  }
0x44: {  	_ =	shalt  }
0x45: {  	_ =	shalt  }
0x46: {  	_ =	shalt  }
0x47: {  	_ =	shalt  }
0x48: {  	_ =	shalt  }
0x49: {  	_ =	shalt  }
0x4a: {  	_ =	shalt  }
0x4b: {  	_ =	shalt  }
0x4c: {  	_ =	shalt  }
0x4d: {  	_ =	shalt  }
0x4e: {  	_ =	shalt  }
0x4f: {  	_ =	shalt  }
0x50: {  	_ =	shalt  }
0x51: {  	_ =	shalt  }
0x52: {  	_ =	shalt  }
0x53: {  	_ =	shalt  }
0x54: {  	_ =	shalt  }
0x55: {  	_ =	shalt  }
0x56: {  	_ =	shalt  }
0x57: {  	_ =	shalt  }
0x58: {  	_ =	shalt  }
0x59: {  	_ =	shalt  }
0x5a: {  	_ =	shalt  }
0x5b: {  	_ =	shalt  }
0x5c: {  	_ =	shalt  }
0x5d: {  	_ =	shalt  }
0x5e: {  	_ =	shalt  }
0x5f: {  	_ =	shalt  }
0x60: {  	_ =	shalt  }
0x61: {  	_ =	shalt  }
0x62: {  	_ =	shalt  }
0x63: {  	_ =	shalt  }
0x64: {  	_ =	shalt  }
0x65: {  	_ =	shalt  }
0x66: {  	_ =	shalt  }
0x67: {  	_ =	shalt  }
0x68: {  	_ =	shalt  }
0x69: {  	_ =	shalt  }
0x6a: {  	_ =	shalt  }
0x6b: {  	_ =	shalt  }
0x6c: {  	_ =	shalt  }
0x6d: {  	_ =	shalt  }
0x6e: {  	_ =	shalt  }
0x6f: {  	_ =	shalt  }
0x70: {  	_ =	shalt  }
0x71: {  	_ =	shalt  }
0x72: {  	_ =	shalt  }
0x73: {  	_ =	shalt  }
0x74: {  	_ =	shalt  }
0x75: {  	_ =	shalt  }
0x76: {  	_ =	shalt  }
0x77: {  	_ =	shalt  }
0x78: {  	_ =	shalt  }
0x79: {  	_ =	shalt  }
0x7a: {  	_ =	shalt  }
0x7b: {  	_ =	shalt  }
0x7c: {  	_ =	shalt  }
0x7d: {  	_ =	shalt  }
0x7e: {  	_ =	shalt  }
0x7f: {  	_ =	shalt  }
0x80: {  	_ =	shalt  }
0x81: {  	_ =	shalt  }
0x82: {  	_ =	shalt  }
0x83: {  	_ =	shalt  }
0x84: {  	_ =	shalt  }
0x85: {  	_ =	shalt  }
0x86: {  	_ =	shalt  }
0x87: {  	_ =	shalt  }
.Lfunc_end0:
.L_simem_size_0:
called_computation_lowered:
.L_overlay_start_0:
0x88: {  	s2 =	sld [smem:$0x3FD9]  }
0x89: {  	s3 =	sld [smem:$0x3FFE];
	_ =	sdelay $0x1  }
0x8a: {  	s1 =	srdreg.scid  }
0x8b: {  	s0 =	sand.u32 $0x1, s1  }
0x8c: {  	s17 =	sshll.u32 s0, $0xA;
	s2 =	sadd.s32 s3, s2  }
0x8d: {  	s2 =	sadd.s32 s2, s17  }
0x8e: {  	[smem:$0x3FC4] =	sst s2  }
0x8f: {  	_ = 	snop  }
0x90: {  	s2 =	sld [smem:$0x3FD0];
	(tm) =	ssettm $0x1  }
0x91: {  	s18 =	sld [smem:$0x3FFB];
	_ =	sdelay $0x3  }
0x92: {  	_ =	strace s18  }
0x93: {  	s3 =	sld [smem:$0x3FFC];
	_ =	sdelay $0x3  }
0x94: {  	_ =	strace s3  }
0x95: {  	s3 =	sld [smem:$0x3FFD];
	_ =	sdelay $0x3  }
0x96: {  	_ =	strace s3  }
0x97: {  	_ =	strace $0x8FFFFFFF  }
0x98: {  	s19 =	sld [smem:$0x3FDB];
	_ =	sdelay $0x1  }
0x99: {  	s4 =	simm.s32 $_scs_section_size  }
0x9a: {  	s5 =	simm.s32 $_size__tile_overlayer_lowered;
	s6 =	simm.s32 $_tile_overlayer_lowered  }
0x9b: {  	s22 =	simm.s32 $0x1BFF;
	s21 =	sshll.u32 s6, $0x1;
	s3 =	sadd.s32 s4, s19  }
0x9c: {  	s7 =	simm.s32 $0x0;
	s20 =	sshll.u32 s5, $0x1;
	s5 =	sadd.s32 s21, s3  }
0x9d: {  	[timem:s7], [sflag:s22] =	dma.local [hbm:s5], s20  }
0x9e: {  	_ =	swait.ge [sflag:s22], s20  }
0x9f: {  	s4 =	ssub.s32 $0x0, s20;
	[sflag:s22] =	ssyncset.done $0x0  }
0xa0: {  	[sflag:s22] =	ssyncadd.s32 s4;
	_ =	sdelay $0x1  }
0xa1: {  	s23 =	simm.s32 $0x1B8B  }
0xa2: {  	_ =	swait.ge [sflag:s23], $0x1  }
0xa3: {  	[sflag:s23] =	ssyncset.done $0x0  }
0xa4: {  	s25 =	simm.s32 $0x1B8E;
	s24 =	sld [smem:$0x3FFE];
	[sflag:s23] =	ssyncadd.s32 $0xFFFFFFFF  }
0xa5: {  	s26 =	simm.s32 $execute0_lowered;
	[smem:$0x3FD2] =	sst s25  }
0xa6: {  	s5 =	sshll.u32 s26, $0x1;
	_ =	strace $0x80000046;
	[dreg:$0x1] =	wrdreg $0xFFFFFFFF  }
0xa7: {  	s28 =	simm.s32 $_size_execute0_lowered;
	s3 =	sadd.s32 s3, s5;
	[dreg:$0x0] =	wrdreg $0x0  }
0xa8: {  	s5 =	sshll.u32 s28, $0x1;
	[dreg:$0x2] =	wrdreg s3  }
0xa9: {  	[dreg:$0x3] =	wrdreg s5  }
0xaa: {  	[dreg:$0x4] =	wrdreg $0xC0  }
0xab: {  	_ =	task [dreg:s7], $0x5FFFF  }
0xac: {  	[dreg:$0x1] =	wrdreg $0xFFFFFFFF  }
0xad: {  	[dreg:$0x0] =	wrdreg $0x60  }
0xae: {  	[dreg:$0x2] =	wrdreg s24  }
0xaf: {  	[dreg:$0x3] =	wrdreg s2  }
0xb0: {  	[dreg:$0x4] =	wrdreg $0x9  }
0xb1: {  	_ =	task.clear_ibuf [dreg:s7], $0x5FFFF;
	_ =	strace $0x90000046  }
0xb2: {  	s29 =	simm.s32 $0x9;
	_ =	strace $0x80000048  }
0xb3: {  	_ =	swait.ge [sflag:s29], $0x1  }
0xb4: {  	[sflag:s29] =	ssyncadd.s32 $0xFFFFFFFF  }
0xb5: {  	_ =	strace $0x90000048  }
0xb6: {  	_ =	sfence  }
0xb7: {  	s30 =	sld [smem:$0x0];
	_ =	sdelay $0x2  }
0xb8: {  	s31 =	sshll.u32 s1, $0xD;
	s1 =	sshrl.u32 s1, $0x2  }
0xb9: {  	s3 =	sand.u32 $0x4000, s31;
	s1 =	sadd.s32 s1, s30  }
0xba: {  	s0 =	sor.u32 s3, s0;
	s1 =	sshll.u32 s1, $0x11  }
0xbb: {  	s0 =	sor.u32 s1, s0  }
0xbc: {  	s0 =	sadd.s32 $0x8F2B, s0  }
0xbd: {  	[sflag:s0] =	ssyncadd.remote.s32 $0x1  }
0xbe: {  	_ =	sfence.sel $0xFFFF  }
0xbf: {  	[dreg:$0x0] =	wrdreg $0xFFFFFFFF;
	(pc) =	sbr.abs _section_cstart, $3  }
0xc0: {  	[dreg:$0x1] =	wrdreg $0xFFFFFFFF  }
0xc1: {  	_ =	task.clear_ibuf [dreg:s7], $0x2FFFF;
	_ =	strace $0x9FFFFFFF  }
0xc2: {  	(tm) =	ssettm $0x7FFFFFFF  }
0xc3: {  	_ =	shalt  }
tec
execute0_lowered:
.L_overlay_start_1:
0x0: {  	(tag) =	ssettag $0x1  }
0x1: {  	s1 =	srdreg.scid;
	s3 =	rddreg [dreg:$0x0]  }
0x2: {  	s0 =	stileid.u32;
	s7 =	rddreg [dreg:$0x1];
	s2 =	simm.s32 $0x0  }
0x3: {  	s10 =	simm.s32 $0x1;
	s11 =	simm.s32 $0x10100;
	s12 =	simm.s32 $0x2  }
0x4: {  	s13 =	simm.s32 $0x10000;
	s14 =	simm.s32 $0x3;
	s15 =	simm.s32 $0x0  }
0x5: {  	s4 =	sand.u32 $0x1, s1;
	s5 =	sshll.u32 s0, $0x9;
	s1 =	rddreg [dreg:$0x2]  }
0x6: {  	[smem:$0x7FF] =	sst s2;
	s6 =	sshll.u32 s4, $0x8;
	s4 =	ssub.s32 $0x2, s4  }
.Ltmp0:
0x7: {  	_ =	strace $0x80000047;
	s8 =	sor.u32 s6, s5;
	(pc) =	sbr.rel .LBB2_1-.Ltmp0, $4  }
0x8: {  	v0 =	vlaneseq.u32;
	s31 =	sshrl.u32 s4, $0x1;
	s5 =	sshll.u32 s8, $0x8;
	s8 =	sshrl.u32 s8, $0x3  }
0x9: {  	v3 =	vmul.u32 $0xFFFFFFFF, v0;
	v4 =	vmul.u32 $0x10, v0;
	s9 =	ssub.s32 s4, s31;
	s30 =	sadd.s32 s5, s3;
	s7 =	sadd.s32 s7, s8  }
0xa: {  	v1 =	vimm.s32 $0x0;
	s8 =	smax.u32 s9, $0x1;
	s9 =	simm.s32 $0x8000;
	s3 =	sadd.s32 $0xE00, s30  }
0xb: {  	v2 =	vimm.s32 $0x1;
	v3 =	vadd.s32 $0xF, v3;
	v4 =	vadd.s32 $0xFFFFFFFF, v4;
	s4 =	sadd.s32 $0x1E00, s30;
	s5 =	sadd.s32 $0x2E00, s30;
	s6 =	sadd.s32 $0x3E00, s30  }
.LBB2_20:
0xc: {  	s15 =	sadd.s32 $0x1, s15  }
0xd: {  	p0 =	sne.s32 s15, s8  }
.Ltmp1:
0xe: {  	_ = 	snop;
	(pc) =	sbr.rel @!p0 .LBB2_21-.Ltmp1, $4  }
0xf: {  	[hbm4b:s7+s2] =	stream.linear.scatter [tilespmem:s13], [sflag:$0x3], $0x100, $0x38;
	[tilespmem:$0x11100] =	vst v63  }
0x10: {  	_ =	swait.ge [sflag:s14], $0x100  }
0x11: {  	[sflag:s14] =	ssyncset.done $0x0  }
0x12: {  	[sflag:s14] =	ssyncadd.s32 $0xFFFFFF00  }
.LBB2_1:
0x13: {  	[tilespmem:s2], [sflag:$0x1] =	stream.linear.gather [hbm4b:s3+s2], $0x8000, $0x38;
	[tilespmem:$0x11100] =	vst v63  }
0x14: {  	s16 =	simm.s32 $0x0  }
0x15: {  	[tilespmem:s9], [sflag:$0x2] =	stream.linear.gather [hbm4b:s4+s2], $0x8000, $0x38;
	[tilespmem:$0x11100] =	vst v63  }
.LBB2_2:
0x16: {  	_ =	swait.ge [sflag:s10], $0x8000  }
0x17: {  	s17 =	simm.s32 $0x0;
	[sflag:s10] =	ssyncset.done $0x0  }
0x18: {  	v5 =	vimm.s32 $0x0;
	s18 =	simm.s32 $0x0;
	s19 =	simm.s32 $0x0;
	[sflag:s10] =	ssyncadd.s32 $0xFFFF8000  }
.LBB2_3:
0x19: {  	[tilespmem:$0x10100] =	vst v1  }
0x1a: {  	[tilespmem:$0x10110] =	vst v1  }
0x1b: {  	[tilespmem:$0x10120] =	vst v1  }
0x1c: {  	[tilespmem:$0x10130] =	vst v1  }
0x1d: {  	[tilespmem:$0x10140] =	vst v1  }
0x1e: {  	[tilespmem:$0x10150] =	vst v1  }
0x1f: {  	[tilespmem:$0x10160] =	vst v1  }
0x20: {  	[tilespmem:$0x10170] =	vst v1  }
0x21: {  	[tilespmem:$0x10180] =	vst v1  }
0x22: {  	[tilespmem:$0x10190] =	vst v1  }
0x23: {  	[tilespmem:$0x101A0] =	vst v1  }
0x24: {  	s20 =	sshll.u32 s18, $0x2;
	s21 =	sand.u32 $0x7, s17;
	[tilespmem:$0x101B0] =	vst v1  }
0x25: {  	[tilespmem:$0x101C0] =	vst v1;
	s20 =	sand.u32 $0xFFFF0000, s20;
	s21 =	sshll.u32 s21, $0x9  }
0x26: {  	[tilespmem:$0x101D0] =	vst v1;
	s20 =	sor.u32 s21, s20  }
0x27: {  	[tilespmem:$0x101E0] =	vst v1;
	s20 =	sshrl.u32 s20, $0x2  }
0x28: {  	[tilespmem:$0x101F0] =	vst v1;
	s20 =	sor.u32 $0x40, s20  }
0x29: {  	v7 =	vld [tilespmem:s20+$0x20]  }
0x2a: {  	v9 =	vld [tilespmem:s20+$0xFFFFFFC0];
	_ =	sdelay $0x2  }
0x2b: {  	v6 =	vld [tilespmem:s20+$0x10]  }
0x2c: {  	v10 =	vld [tilespmem:s20+$0x30]  }
0x2d: {  	v8 =	vld [tilespmem:s20+$0xFFFFFFD0];
	v11 =	vshrl.u32 v9, $0x14;
	v13 =	vshrl.u32 v7, $0x14;
	v7 =	vshrl.u32 v7, $0x1C  }
0x2e: {  	v12 =	vld [tilespmem:s20+$0xFFFFFFE0];
	v9 =	vshrl.u32 v9, $0x1C;
	v11 =	vand.u32 $0xF0, v11;
	v13 =	vand.u32 $0xF0, v13  }
0x2f: {  	v7 =	vor.u32 v7, v13;
	v13 =	vor.u32 v9, v11;
	v11 =	vld [tilespmem:s20+$0x0];
	_ =	sdelay $0x1  }
0x30: {  	v16 =	vshrl.u32 v10, $0x14  }
0x31: {  	v15 =	vshrl.u32 v10, $0x1C;
	v10 =	vshrl.u32 v8, $0x1C;
	v14 =	vshrl.u32 v6, $0x14;
	v9 =	vld [tilespmem:s20+$0xFFFFFFF0]  }
0x32: {  	s21 =	simm.s32 $0x0;
	s22 =	sadd.s32 $0x400, s20;
	v17 =	vshrl.u32 v12, $0x14;
	v14 =	vand.u32 $0xF0, v14;
	v16 =	vand.u32 $0xF0, v16  }
.LBB2_4:
0x33: {  	v18 =	vld [tilespmem:s22+$0x20];
	s21 =	sadd.s32 $0x80, s21;
	v12 =	vshrl.u32 v12, $0x1C;
	v19 =	vshrl.u32 v11, $0x14;
	v11 =	vshrl.u32 v11, $0x1C  }
0x34: {  	v8 =	vshrl.u32 v8, $0x14;
	p0 =	slt.u32 s21, $0x780;
	[tilespmem:v13+s11+$0x0] =	vst.idx.add.s32.msk $0xffff, v2;
	v13 =	vand.u32 $0xF0, v17;
	v17 =	vand.u32 $0xF0, v19  }
0x35: {  	v8 =	vand.u32 $0xF0, v8;
	v19 =	vld [tilespmem:s22+$0x10];
	v17 =	vor.u32 v11, v17;
	v11 =	vor.u32 v15, v16  }
0x36: {  	v16 =	vor.u32 v10, v8;
	v10 =	vor.u32 v12, v13;
	v8 =	vshrl.u32 v9, $0x14;
	v15 =	vld [tilespmem:s22+$0xFFFFFFC0]  }
0x37: {  	v6 =	vshrl.u32 v6, $0x1C;
	v9 =	vshrl.u32 v9, $0x1C;
	v8 =	vand.u32 $0xF0, v8;
	[tilespmem:v7+s11+$0x0] =	vst.idx.add.s32.msk $0xffff, v2  }
0x38: {  	v21 =	vor.u32 v9, v8;
	v9 =	vor.u32 v6, v14;
	v20 =	vld [tilespmem:s22+$0x30]  }
0x39: {  	v8 =	vld [tilespmem:s22+$0xFFFFFFD0]  }
0x3a: {  	[tilespmem:v11+s11+$0x0] =	vst.idx.add.s32.msk $0xffff, v2;
	v6 =	vmov v19  }
0x3b: {  	[tilespmem:v10+s11+$0x0] =	vst.idx.add.s32.msk $0xffff, v2  }
0x3c: {  	v13 =	vshrl.u32 v18, $0x1C;
	v7 =	vshrl.u32 v15, $0x14;
	v10 =	vshrl.u32 v18, $0x14;
	v11 =	vld [tilespmem:s22+$0x0]  }
0x3d: {  	v14 =	vand.u32 $0xF0, v7;
	v7 =	vand.u32 $0xF0, v10;
	v12 =	vld [tilespmem:s22+$0xFFFFFFE0]  }
.Ltmp2:
0x3e: {  	v10 =	vshrl.u32 v15, $0x1C;
	v7 =	vor.u32 v13, v7;
	[tilespmem:v9+s11+$0x0] =	vst.idx.add.s32.msk $0xffff, v2;
	(pc) =	sbr.rel @p0 .LBB2_4-.Ltmp2, $4  }
0x3f: {  	v13 =	vor.u32 v10, v14;
	v9 =	vld [tilespmem:s22+$0xFFFFFFF0]  }
0x40: {  	v18 =	vshrl.u32 v20, $0x14;
	v15 =	vshrl.u32 v20, $0x1C;
	[tilespmem:v17+s11+$0x0] =	vst.idx.add.s32.msk $0xffff, v2  }
0x41: {  	v14 =	vshrl.u32 v6, $0x14;
	v10 =	vshrl.u32 v8, $0x1C;
	[tilespmem:v16+s11+$0x0] =	vst.idx.add.s32.msk $0xffff, v2  }
0x42: {  	v14 =	vand.u32 $0xF0, v14;
	s22 =	sadd.s32 $0x400, s22;
	v16 =	vand.u32 $0xF0, v18;
	v17 =	vshrl.u32 v12, $0x14;
	[tilespmem:v21+s11+$0x0] =	vst.idx.add.s32.msk $0xffff, v2  }
0x43: {  	v12 =	vshrl.u32 v12, $0x1C  }
0x44: {  	v18 =	vshrl.u32 v11, $0x14;
	v17 =	vand.u32 $0xF0, v17;
	v15 =	vor.u32 v15, v16  }
0x45: {  	v11 =	vshrl.u32 v11, $0x1C;
	v6 =	vshrl.u32 v6, $0x1C;
	v12 =	vor.u32 v12, v17  }
0x46: {  	v8 =	vshrl.u32 v8, $0x14;
	v16 =	vand.u32 $0xF0, v18;
	v6 =	vor.u32 v6, v14  }
0x47: {  	[tilespmem:v13+s11+$0x0] =	vst.idx.add.s32.msk $0xffff, v2;
	v8 =	vand.u32 $0xF0, v8;
	v13 =	vshrl.u32 v9, $0x14;
	v11 =	vor.u32 v11, v16  }
0x48: {  	[tilespmem:v7+s11+$0x0] =	vst.idx.add.s32.msk $0xffff, v2;
	v9 =	vshrl.u32 v9, $0x1C;
	v8 =	vor.u32 v10, v8;
	v10 =	vand.u32 $0xF0, v13  }
0x49: {  	v7 =	vor.u32 v9, v10;
	[tilespmem:v15+s11+$0x0] =	vst.idx.add.s32.msk $0xffff, v2  }
0x4a: {  	[tilespmem:v12+s11+$0x0] =	vst.idx.add.s32.msk $0xffff, v2  }
0x4b: {  	[tilespmem:v6+s11+$0x0] =	vst.idx.add.s32.msk $0xffff, v2  }
0x4c: {  	[tilespmem:v11+s11+$0x0] =	vst.idx.add.s32.msk $0xffff, v2  }
0x4d: {  	[tilespmem:v8+s11+$0x0] =	vst.idx.add.s32.msk $0xffff, v2  }
0x4e: {  	[tilespmem:v7+s11+$0x0] =	vst.idx.add.s32.msk $0xffff, v2  }
0x4f: {  	v6 =	vld [tilespmem:$0x10100]  }
0x50: {  	v7 =	vld [tilespmem:$0x10110]  }
0x51: {  	v8 =	vld [tilespmem:$0x10120]  }
0x52: {  	v9 =	vld [tilespmem:$0x10130]  }
0x53: {  	v10 =	vld [tilespmem:$0x10140]  }
0x54: {  	v11 =	vld [tilespmem:$0x10150]  }
0x55: {  	v6 =	vadd.s32 v6, v7;
	v7 =	vld [tilespmem:$0x10160]  }
0x56: {  	v6 =	vadd.s32 v8, v6;
	v8 =	vld [tilespmem:$0x10170]  }
0x57: {  	v6 =	vadd.s32 v9, v6;
	v9 =	vld [tilespmem:$0x10180]  }
0x58: {  	v6 =	vadd.s32 v10, v6;
	v10 =	vld [tilespmem:$0x10190]  }
0x59: {  	v6 =	vadd.s32 v11, v6;
	v11 =	vld [tilespmem:$0x101A0]  }
0x5a: {  	v6 =	vadd.s32 v7, v6;
	v7 =	vld [tilespmem:$0x101B0]  }
0x5b: {  	v6 =	vadd.s32 v8, v6;
	v8 =	vld [tilespmem:$0x101C0]  }
0x5c: {  	v6 =	vadd.s32 v9, v6;
	v9 =	vld [tilespmem:$0x101D0]  }
0x5d: {  	v6 =	vadd.s32 v10, v6;
	v10 =	vld [tilespmem:$0x101E0]  }
0x5e: {  	v6 =	vadd.s32 v11, v6;
	v11 =	vld [tilespmem:$0x101F0]  }
0x5f: {  	v6 =	vadd.s32 v7, v6  }
0x60: {  	v6 =	vadd.s32 v8, v6  }
0x61: {  	v6 =	vadd.s32 v9, v6  }
0x62: {  	v6 =	vadd.s32 v10, v6  }
0x63: {  	v6 =	vadd.s32 v11, v6  }
0x64: {  	v7 =	vperm.xlane v6, v3;
	_ =	sdelay $0x1  }
0x65: {  	(xrf0) =	vadd.scan.msk.s32 $0xffff, v7;
	_ =	sdelay $0x5  }
0x66: {  	v7, _, _ =	vpop (xrf0)  }
0x67: {  	v7 =	vperm.xlane v7, v3;
	_ =	sdelay $0x1  }
0x68: {  	vm0 =	vgt.s32 v7, $0x1FF  }
0x69: {  	v8 =	vmpcnt.ones.xlane vm0;
	_ =	sdelay $0x1  }
0x6a: {  	v9 =	vadd.s32 v4, v8;
	_ =	sdelay $0x4  }
0x6b: {  	v9 =	vld.idx.msk [tilespmem:v9+s11+$0x0], $0xffff;
	[tilespmem:$0x10100] =	vst v1  }
0x6c: {  	[tilespmem:$0x10110] =	vst v1  }
0x6d: {  	[tilespmem:$0x10120] =	vst v1  }
0x6e: {  	[tilespmem:$0x10130] =	vst v1  }
0x6f: {  	[tilespmem:$0x10140] =	vst v1  }
0x70: {  	[tilespmem:$0x10150] =	vst v1  }
0x71: {  	[tilespmem:$0x10160] =	vst v1  }
0x72: {  	[tilespmem:$0x10170] =	vst v1  }
0x73: {  	[tilespmem:$0x10180] =	vst v1  }
0x74: {  	[tilespmem:$0x10190] =	vst v1  }
0x75: {  	[tilespmem:$0x101A0] =	vst v1  }
0x76: {  	[tilespmem:$0x101B0] =	vst v1  }
0x77: {  	[tilespmem:$0x101C0] =	vst v1  }
0x78: {  	[tilespmem:$0x101D0] =	vst v1  }
0x79: {  	[tilespmem:$0x101E0] =	vst v1;
	v10 =	vperm.xlane v9, v3  }
0x7a: {  	[tilespmem:$0x101F0] =	vst v1  }
0x7b: {  	v11 =	vld [tilespmem:s20+$0xFFFFFFD0];
	(xrf0) =	vadd.scan.msk.s32 $0xffff, v10  }
0x7c: {  	v14 =	vld [tilespmem:s20+$0xFFFFFFE0]  }
0x7d: {  	v18 =	vld [tilespmem:s20+$0xFFFFFFF0]  }
0x7e: {  	v22 =	vld [tilespmem:s20+$0x0]  }
0x7f: {  	v8 =	vadd.s32 $0xFFFFFFFF, v8;
	v24 =	vld [tilespmem:s20+$0x10]  }
0x80: {  	v7 =	vperm.xlane v7, v8;
	v6 =	vperm.xlane v6, v8;
	v28 =	vld [tilespmem:s20+$0x20]  }
0x81: {  	v12 =	vshll.u32 v8, $0x4;
	v13 =	vld [tilespmem:s20+$0xFFFFFFC0];
	v10, _, _ =	vpop (xrf0)  }
0x82: {  	v6 =	vsub.s32 v7, v6;
	v16 =	vshrl.u32 v11, $0xC;
	v10 =	vperm.xlane v10, v3  }
0x83: {  	v17 =	vshrl.u32 v14, $0xC;
	v21 =	vshrl.u32 v18, $0xC;
	v20 =	vshrl.u32 v18, $0x14  }
0x84: {  	v23 =	vshrl.u32 v22, $0xC;
	v25 =	vshrl.u32 v22, $0x14;
	v6 =	vadd.s32 v6, v10  }
0x85: {  	v27 =	vshrl.u32 v24, $0xC;
	v26 =	vshrl.u32 v24, $0x14;
	v10 =	vld [tilespmem:s20+$0x30];
	vm14 =	vgt.s32 v6, $0x1FF  }
0x86: {  	v30 =	vshrl.u32 v28, $0xC;
	v15 =	vshrl.u32 v13, $0x14;
	v7 =	vmpcnt.ones.xlane vm14  }
0x87: {  	v31 =	vshrl.u32 v28, $0x14;
	v15 =	vand.u32 $0xF, v15;
	v17 =	vand.u32 $0xF0, v17  }
0x88: {  	v21 =	vand.u32 $0xF0, v21;
	v23 =	vand.u32 $0xF0, v23;
	v7 =	vadd.s32 $0xFFFFFFFF, v7  }
0x89: {  	v27 =	vand.u32 $0xF0, v27;
	v6 =	vperm.xlane v6, v7;
	v8 =	vperm.xlane v9, v7  }
0x8a: {  	v7 =	vadd.s32 v12, v7;
	v9 =	vshrl.u32 v10, $0xC;
	v12 =	vshrl.u32 v10, $0x14  }
0x8b: {  	v10 =	vshrl.u32 v10, $0x18;
	v12 =	vand.u32 $0xF, v12;
	v9 =	vand.u32 $0xF0, v9  }
0x8c: {  	vm15 =	veq.s32 v10, v7;
	v10 =	vshrl.u32 v11, $0x14;
	v29 =	vor.u32 v12, v9  }
0x8d: {  	v9 =	vand.u32 $0xF, v10;
	v10 =	vshrl.u32 v11, $0x18;
	v11 =	vshrl.u32 v13, $0xC  }
0x8e: {  	v12 =	vshrl.u32 v14, $0x14;
	v13 =	vshrl.u32 v13, $0x18;
	v19 =	vand.u32 $0xF0, v11  }
0x8f: {  	v11 =	vand.u32 $0xF0, v16;
	v12 =	vand.u32 $0xF, v12;
	v16 =	vshrl.u32 v14, $0x18  }
0x90: {  	v14 =	vand.u32 $0xF, v20;
	v20 =	vshrl.u32 v18, $0x18;
	v18 =	vand.u32 $0xF, v25  }
0x91: {  	v25 =	vshrl.u32 v22, $0x18;
	v22 =	vand.u32 $0xF, v26;
	v26 =	vshrl.u32 v24, $0x18  }
0x92: {  	s21 =	simm.s32 $0x0;
	s22 =	sadd.s32 $0x400, s20;
	v24 =	vand.u32 $0xF, v31;
	[tilespmem:v29+s11+$0x0] =	vst.idx.add.s32.msk vm15, v2;
	v29 =	vshrl.u32 v28, $0x18;
	v28 =	vand.u32 $0xF0, v30  }
.LBB2_6:
0x93: {  	v30 =	vld [tilespmem:s22+$0x30];
	s21 =	sadd.s32 $0x80, s21;
	vm6 =	veq.s32 v13, v7;
	v13 =	vor.u32 v15, v19;
	vm4 =	veq.s32 v10, v7  }
0x94: {  	v9 =	vor.u32 v9, v11;
	vm5 =	veq.s32 v16, v7;
	v11 =	vor.u32 v12, v17;
	v10 =	vld [tilespmem:s22+$0xFFFFFFD0];
	p0 =	slt.u32 s21, $0x780  }
0x95: {  	vm3 =	veq.s32 v20, v7;
	v12 =	vor.u32 v14, v21;
	vm2 =	veq.s32 v25, v7;
	v16 =	vld [tilespmem:s22+$0xFFFFFFE0]  }
0x96: {  	v14 =	vor.u32 v18, v23;
	vm1 =	veq.s32 v26, v7;
	v18 =	vor.u32 v22, v27;
	v20 =	vld [tilespmem:s22+$0xFFFFFFF0]  }
0x97: {  	vm0 =	veq.s32 v29, v7;
	v23 =	vor.u32 v24, v28;
	v22 =	vld [tilespmem:s22+$0x0]  }
0x98: {  	v24 =	vld [tilespmem:s22+$0x10];
	v15 =	vshrl.u32 v30, $0xC;
	v17 =	vshrl.u32 v30, $0x14;
	v19 =	vshrl.u32 v30, $0x18  }
0x99: {  	v28 =	vld [tilespmem:s22+$0x20];
	v17 =	vand.u32 $0xF, v17;
	vm7 =	veq.s32 v19, v7;
	v15 =	vand.u32 $0xF0, v15  }
0x9a: {  	v21 =	vshrl.u32 v10, $0xC;
	v25 =	vshrl.u32 v10, $0x14;
	v19 =	vld [tilespmem:s22+$0xFFFFFFC0];
	v15 =	vor.u32 v17, v15  }
0x9b: {  	v17 =	vshrl.u32 v16, $0xC;
	v26 =	vshrl.u32 v16, $0x14;
	v27 =	vshrl.u32 v20, $0xC;
	[tilespmem:v13+s11+$0x0] =	vst.idx.add.s32.msk vm6, v2  }
0x9c: {  	v29 =	vshrl.u32 v20, $0x14;
	v30 =	vshrl.u32 v22, $0xC;
	v31 =	vshrl.u32 v22, $0x14;
	[tilespmem:v9+s11+$0x0] =	vst.idx.add.s32.msk vm4, v2  }
0x9d: {  	v9 =	vand.u32 $0xF, v25;
	v32 =	vshrl.u32 v24, $0xC;
	v33 =	vshrl.u32 v24, $0x14;
	[tilespmem:v11+s11+$0x0] =	vst.idx.add.s32.msk vm5, v2  }
0x9e: {  	v10 =	vshrl.u32 v10, $0x18;
	v34 =	vshrl.u32 v28, $0xC;
	v35 =	vshrl.u32 v28, $0x14;
	[tilespmem:v12+s11+$0x0] =	vst.idx.add.s32.msk vm3, v2  }
0x9f: {  	v11 =	vshrl.u32 v19, $0xC;
	v12 =	vshrl.u32 v19, $0x14;
	v13 =	vshrl.u32 v19, $0x18;
	[tilespmem:v15+s11+$0x0] =	vst.idx.add.s32.msk vm7, v2  }
0xa0: {  	v15 =	vand.u32 $0xF, v12;
	v19 =	vand.u32 $0xF0, v11;
	v11 =	vand.u32 $0xF0, v21;
	[tilespmem:v14+s11+$0x0] =	vst.idx.add.s32.msk vm2, v2  }
.Ltmp3:
0xa1: {  	v16 =	vshrl.u32 v16, $0x18;
	v17 =	vand.u32 $0xF0, v17;
	v12 =	vand.u32 $0xF, v26;
	[tilespmem:v18+s11+$0x0] =	vst.idx.add.s32.msk vm1, v2;
	(pc) =	sbr.rel @p0 .LBB2_6-.Ltmp3, $4  }
0xa2: {  	v20 =	vshrl.u32 v20, $0x18;
	v14 =	vand.u32 $0xF, v29;
	v21 =	vand.u32 $0xF0, v27;
	[tilespmem:v23+s11+$0x0] =	vst.idx.add.s32.msk vm0, v2  }
0xa3: {  	v25 =	vshrl.u32 v22, $0x18;
	v18 =	vand.u32 $0xF, v31;
	v23 =	vand.u32 $0xF0, v30  }
0xa4: {  	v22 =	vand.u32 $0xF, v33;
	v26 =	vshrl.u32 v24, $0x18;
	v27 =	vand.u32 $0xF0, v32  }
0xa5: {  	s22 =	sadd.s32 $0x400, s22;
	v24 =	vand.u32 $0xF, v35;
	v29 =	vshrl.u32 v28, $0x18;
	v28 =	vand.u32 $0xF0, v34  }
0xa6: {  	vm0 =	veq.s32 v13, v7  }
0xa7: {  	v13 =	vor.u32 v15, v19;
	vm1 =	veq.s32 v10, v7  }
0xa8: {  	v9 =	vor.u32 v9, v11;
	vm2 =	veq.s32 v16, v7  }
0xa9: {  	v10 =	vor.u32 v12, v17;
	vm3 =	veq.s32 v20, v7  }
0xaa: {  	v11 =	vor.u32 v14, v21;
	vm4 =	veq.s32 v25, v7  }
0xab: {  	v12 =	vor.u32 v18, v23;
	vm5 =	veq.s32 v26, v7  }
0xac: {  	v14 =	vor.u32 v22, v27;
	vm6 =	veq.s32 v29, v7;
	[tilespmem:v13+s11+$0x0] =	vst.idx.add.s32.msk vm0, v2  }
0xad: {  	v13 =	vor.u32 v24, v28;
	[tilespmem:v9+s11+$0x0] =	vst.idx.add.s32.msk vm1, v2  }
0xae: {  	[tilespmem:v10+s11+$0x0] =	vst.idx.add.s32.msk vm2, v2  }
0xaf: {  	[tilespmem:v11+s11+$0x0] =	vst.idx.add.s32.msk vm3, v2  }
0xb0: {  	[tilespmem:v12+s11+$0x0] =	vst.idx.add.s32.msk vm4, v2  }
0xb1: {  	[tilespmem:v14+s11+$0x0] =	vst.idx.add.s32.msk vm5, v2  }
0xb2: {  	[tilespmem:v13+s11+$0x0] =	vst.idx.add.s32.msk vm6, v2  }
0xb3: {  	v9 =	vld [tilespmem:$0x10100]  }
0xb4: {  	v10 =	vld [tilespmem:$0x10110]  }
0xb5: {  	v11 =	vld [tilespmem:$0x10120]  }
0xb6: {  	v12 =	vld [tilespmem:$0x10130]  }
0xb7: {  	v13 =	vld [tilespmem:$0x10140]  }
0xb8: {  	v14 =	vld [tilespmem:$0x10150]  }
0xb9: {  	v9 =	vadd.s32 v9, v10;
	v10 =	vld [tilespmem:$0x10160]  }
0xba: {  	v9 =	vadd.s32 v11, v9;
	v11 =	vld [tilespmem:$0x10170]  }
0xbb: {  	v9 =	vadd.s32 v12, v9;
	v12 =	vld [tilespmem:$0x10180]  }
0xbc: {  	v9 =	vadd.s32 v13, v9;
	v13 =	vld [tilespmem:$0x10190]  }
0xbd: {  	v9 =	vadd.s32 v14, v9;
	v14 =	vld [tilespmem:$0x101A0]  }
0xbe: {  	v9 =	vadd.s32 v10, v9;
	v10 =	vld [tilespmem:$0x101B0]  }
0xbf: {  	v9 =	vadd.s32 v11, v9;
	v11 =	vld [tilespmem:$0x101C0]  }
0xc0: {  	v9 =	vadd.s32 v12, v9;
	v12 =	vld [tilespmem:$0x101D0]  }
0xc1: {  	v9 =	vadd.s32 v13, v9;
	v13 =	vld [tilespmem:$0x101E0]  }
0xc2: {  	v9 =	vadd.s32 v14, v9;
	v14 =	vld [tilespmem:$0x101F0]  }
0xc3: {  	v9 =	vadd.s32 v10, v9  }
0xc4: {  	v9 =	vadd.s32 v11, v9  }
0xc5: {  	v9 =	vadd.s32 v12, v9  }
0xc6: {  	v9 =	vadd.s32 v13, v9  }
0xc7: {  	v9 =	vadd.s32 v14, v9  }
0xc8: {  	v10 =	vperm.xlane v9, v3;
	_ =	sdelay $0x1  }
0xc9: {  	(xrf0) =	vadd.scan.msk.s32 $0xffff, v10;
	_ =	sdelay $0x5  }
0xca: {  	v10, _, _ =	vpop (xrf0)  }
0xcb: {  	v6 =	vsub.s32 v8, v6;
	v8 =	vperm.xlane v10, v3  }
0xcc: {  	v6 =	vadd.s32 $0x200, v6  }
0xcd: {  	vm13 =	vge.s32 v8, v6  }
0xce: {  	v10 =	vmpcnt.ones.xlane vm13;
	_ =	sdelay $0x1  }
0xcf: {  	v11 =	vadd.s32 v4, v10;
	_ =	sdelay $0x4  }
0xd0: {  	v11 =	vld.idx.msk [tilespmem:v11+s11+$0x0], $0xffff;
	[tilespmem:$0x10100] =	vst v1  }
0xd1: {  	[tilespmem:$0x10110] =	vst v1  }
0xd2: {  	[tilespmem:$0x10120] =	vst v1  }
0xd3: {  	[tilespmem:$0x10130] =	vst v1  }
0xd4: {  	[tilespmem:$0x10140] =	vst v1  }
0xd5: {  	[tilespmem:$0x10150] =	vst v1  }
0xd6: {  	[tilespmem:$0x10160] =	vst v1  }
0xd7: {  	[tilespmem:$0x10170] =	vst v1  }
0xd8: {  	[tilespmem:$0x10180] =	vst v1  }
0xd9: {  	[tilespmem:$0x10190] =	vst v1;
	v12 =	vperm.xlane v11, v3  }
0xda: {  	[tilespmem:$0x101A0] =	vst v1  }
0xdb: {  	[tilespmem:$0x101B0] =	vst v1;
	(xrf0) =	vadd.scan.msk.s32 $0xffff, v12  }
0xdc: {  	[tilespmem:$0x101C0] =	vst v1  }
0xdd: {  	[tilespmem:$0x101D0] =	vst v1  }
0xde: {  	[tilespmem:$0x101E0] =	vst v1  }
0xdf: {  	[tilespmem:$0x101F0] =	vst v1  }
0xe0: {  	v10 =	vadd.s32 $0xFFFFFFFF, v10;
	v13 =	vld [tilespmem:s20+$0xFFFFFFD0]  }
0xe1: {  	v8 =	vperm.xlane v8, v10;
	v9 =	vperm.xlane v9, v10;
	v15 =	vld [tilespmem:s20+$0xFFFFFFE0];
	v12, _, _ =	vpop (xrf0)  }
0xe2: {  	v19 =	vld [tilespmem:s20+$0xFFFFFFF0];
	v12 =	vperm.xlane v12, v3  }
0xe3: {  	v8 =	vsub.s32 v8, v9;
	v23 =	vld [tilespmem:s20+$0x0]  }
0xe4: {  	v8 =	vadd.s32 v8, v12  }
0xe5: {  	v7 =	vshll.u32 v7, $0x8;
	v10 =	vshll.u32 v10, $0x4;
	v12 =	vld [tilespmem:s20+$0x30];
	vm14 =	vge.s32 v8, v6  }
0xe6: {  	v7 =	vadd.s32 v7, v10;
	v25 =	vld [tilespmem:s20+$0x10];
	v17 =	vshrl.u32 v13, $0x4;
	v9 =	vmpcnt.ones.xlane vm14  }
0xe7: {  	v29 =	vld [tilespmem:s20+$0x20];
	v18 =	vshrl.u32 v15, $0x4;
	v21 =	vshrl.u32 v15, $0xC;
	v22 =	vshrl.u32 v19, $0x4  }
0xe8: {  	v24 =	vshrl.u32 v19, $0xC;
	v27 =	vshrl.u32 v23, $0x4;
	v14 =	vadd.s32 $0xFFFFFFFF, v9  }
0xe9: {  	v26 =	vshrl.u32 v23, $0xC;
	v9 =	vperm.xlane v11, v14;
	v7 =	vadd.s32 v14, v7  }
0xea: {  	v10 =	vshrl.u32 v12, $0x4;
	v11 =	vshrl.u32 v12, $0xC;
	v12 =	vshrl.u32 v12, $0x10  }
0xeb: {  	v28 =	vshrl.u32 v25, $0x4;
	v31 =	vshrl.u32 v25, $0xC;
	vm15 =	veq.s32 v12, v7;
	v12 =	vld [tilespmem:s20+$0xFFFFFFC0]  }
0xec: {  	v32 =	vshrl.u32 v29, $0x4;
	v33 =	vshrl.u32 v29, $0xC;
	v18 =	vand.u32 $0xF0, v18  }
0xed: {  	v22 =	vand.u32 $0xF0, v22;
	v28 =	vand.u32 $0xF0, v28;
	v8 =	vperm.xlane v8, v14  }
0xee: {  	v14 =	vshrl.u32 v13, $0xC;
	v11 =	vand.u32 $0xF, v11;
	v10 =	vand.u32 $0xF0, v10  }
0xef: {  	v30 =	vor.u32 v11, v10;
	v10 =	vand.u32 $0xF, v14;
	v11 =	vshrl.u32 v13, $0x10  }
0xf0: {  	v13 =	vshrl.u32 v12, $0x4;
	v16 =	vshrl.u32 v12, $0xC;
	v14 =	vshrl.u32 v12, $0x10  }
0xf1: {  	v12 =	vand.u32 $0xF0, v17;
	v17 =	vshrl.u32 v15, $0x10;
	v15 =	vand.u32 $0xF, v24  }
0xf2: {  	v24 =	vand.u32 $0xF0, v27;
	v27 =	vshrl.u32 v25, $0x10;
	v25 =	vand.u32 $0xF, v33  }
0xf3: {  	v16 =	vand.u32 $0xF, v16;
	v20 =	vand.u32 $0xF0, v13;
	v13 =	vand.u32 $0xF, v21  }
0xf4: {  	v21 =	vshrl.u32 v19, $0x10;
	v19 =	vand.u32 $0xF, v26;
	v26 =	vshrl.u32 v23, $0x10  }
0xf5: {  	s21 =	simm.s32 $0x0;
	s20 =	sadd.s32 $0x400, s20;
	v23 =	vand.u32 $0xF, v31;
	[tilespmem:v30+s11+$0x0] =	vst.idx.add.s32.msk vm15, v2;
	v30 =	vshrl.u32 v29, $0x10;
	v29 =	vand.u32 $0xF0, v32  }
.LBB2_8:
0xf6: {  	v31 =	vld [tilespmem:s20+$0x30];
	s21 =	sadd.s32 $0x80, s21;
	vm6 =	veq.s32 v14, v7;
	v14 =	vor.u32 v16, v20;
	vm4 =	veq.s32 v11, v7  }
0xf7: {  	v10 =	vor.u32 v10, v12;
	vm5 =	veq.s32 v17, v7;
	v12 =	vor.u32 v13, v18;
	v11 =	vld [tilespmem:s20+$0xFFFFFFD0];
	p0 =	slt.u32 s21, $0x780  }
0xf8: {  	vm3 =	veq.s32 v21, v7;
	v13 =	vor.u32 v15, v22;
	vm2 =	veq.s32 v26, v7;
	v17 =	vld [tilespmem:s20+$0xFFFFFFE0]  }
0xf9: {  	v15 =	vor.u32 v19, v24;
	vm1 =	veq.s32 v27, v7;
	v19 =	vor.u32 v23, v28;
	v21 =	vld [tilespmem:s20+$0xFFFFFFF0]  }
0xfa: {  	vm0 =	veq.s32 v30, v7;
	v24 =	vor.u32 v25, v29;
	v23 =	vld [tilespmem:s20+$0x0]  }
0xfb: {  	v25 =	vld [tilespmem:s20+$0x10];
	v16 =	vshrl.u32 v31, $0x4;
	v18 =	vshrl.u32 v31, $0xC;
	v20 =	vshrl.u32 v31, $0x10  }
0xfc: {  	v29 =	vld [tilespmem:s20+$0x20];
	v18 =	vand.u32 $0xF, v18;
	vm7 =	veq.s32 v20, v7;
	v16 =	vand.u32 $0xF0, v16  }
0xfd: {  	v22 =	vshrl.u32 v11, $0x4;
	v26 =	vshrl.u32 v11, $0xC;
	v20 =	vld [tilespmem:s20+$0xFFFFFFC0];
	v16 =	vor.u32 v18, v16  }
0xfe: {  	v18 =	vshrl.u32 v17, $0x4;
	v27 =	vshrl.u32 v17, $0xC;
	v28 =	vshrl.u32 v21, $0x4;
	[tilespmem:v14+s11+$0x0] =	vst.idx.add.s32.msk vm6, v2  }
0xff: {  	v30 =	vshrl.u32 v21, $0xC;
	v31 =	vshrl.u32 v23, $0x4;
	v32 =	vshrl.u32 v23, $0xC;
	[tilespmem:v10+s11+$0x0] =	vst.idx.add.s32.msk vm4, v2  }
0x100: {  	v10 =	vand.u32 $0xF, v26;
	v33 =	vshrl.u32 v25, $0x4;
	v34 =	vshrl.u32 v25, $0xC;
	[tilespmem:v12+s11+$0x0] =	vst.idx.add.s32.msk vm5, v2  }
0x101: {  	v11 =	vshrl.u32 v11, $0x10;
	v35 =	vshrl.u32 v29, $0x4;
	v36 =	vshrl.u32 v29, $0xC;
	[tilespmem:v13+s11+$0x0] =	vst.idx.add.s32.msk vm3, v2  }
0x102: {  	v12 =	vshrl.u32 v20, $0x4;
	v13 =	vshrl.u32 v20, $0xC;
	v14 =	vshrl.u32 v20, $0x10;
	[tilespmem:v16+s11+$0x0] =	vst.idx.add.s32.msk vm7, v2  }
0x103: {  	v16 =	vand.u32 $0xF, v13;
	v20 =	vand.u32 $0xF0, v12;
	v12 =	vand.u32 $0xF0, v22;
	[tilespmem:v15+s11+$0x0] =	vst.idx.add.s32.msk vm2, v2  }
.Ltmp4:
0x104: {  	v17 =	vshrl.u32 v17, $0x10;
	v18 =	vand.u32 $0xF0, v18;
	v13 =	vand.u32 $0xF, v27;
	[tilespmem:v19+s11+$0x0] =	vst.idx.add.s32.msk vm1, v2;
	(pc) =	sbr.rel @p0 .LBB2_8-.Ltmp4, $4  }
0x105: {  	v21 =	vshrl.u32 v21, $0x10;
	v15 =	vand.u32 $0xF, v30;
	v22 =	vand.u32 $0xF0, v28;
	[tilespmem:v24+s11+$0x0] =	vst.idx.add.s32.msk vm0, v2  }
0x106: {  	v26 =	vshrl.u32 v23, $0x10;
	v19 =	vand.u32 $0xF, v32;
	v24 =	vand.u32 $0xF0, v31  }
0x107: {  	v23 =	vand.u32 $0xF, v34;
	v27 =	vshrl.u32 v25, $0x10;
	v28 =	vand.u32 $0xF0, v33  }
0x108: {  	s20 =	sadd.s32 $0x400, s20;
	v25 =	vand.u32 $0xF, v36;
	v30 =	vshrl.u32 v29, $0x10;
	v29 =	vand.u32 $0xF0, v35  }
0x109: {  	vm0 =	veq.s32 v14, v7  }
0x10a: {  	v44 =	vor.u32 v16, v20;
	vm1 =	veq.s32 v11, v7  }
0x10b: {  	v10 =	vor.u32 v10, v12;
	vm2 =	veq.s32 v17, v7  }
0x10c: {  	v45 =	vor.u32 v13, v18;
	vm3 =	veq.s32 v21, v7  }
0x10d: {  	v46 =	vor.u32 v15, v22;
	vm4 =	veq.s32 v26, v7  }
0x10e: {  	v47 =	vor.u32 v19, v24;
	vm5 =	veq.s32 v27, v7  }
0x10f: {  	v48 =	vor.u32 v23, v28;
	vm6 =	veq.s32 v30, v7;
	[tilespmem:v44+s11+$0x0] =	vst.idx.add.s32.msk vm0, v2  }
0x110: {  	v49 =	vor.u32 v25, v29;
	[tilespmem:v10+s11+$0x0] =	vst.idx.add.s32.msk vm1, v2  }
0x111: {  	[tilespmem:v45+s11+$0x0] =	vst.idx.add.s32.msk vm2, v2  }
0x112: {  	[tilespmem:v46+s11+$0x0] =	vst.idx.add.s32.msk vm3, v2  }
0x113: {  	[tilespmem:v47+s11+$0x0] =	vst.idx.add.s32.msk vm4, v2  }
0x114: {  	[tilespmem:v48+s11+$0x0] =	vst.idx.add.s32.msk vm5, v2  }
0x115: {  	[tilespmem:v49+s11+$0x0] =	vst.idx.add.s32.msk vm6, v2  }
0x116: {  	v10 =	vld [tilespmem:$0x10100]  }
0x117: {  	v11 =	vld [tilespmem:$0x10110]  }
0x118: {  	v12 =	vld [tilespmem:$0x10120]  }
0x119: {  	v13 =	vld [tilespmem:$0x10130]  }
0x11a: {  	v14 =	vld [tilespmem:$0x10140]  }
0x11b: {  	v15 =	vld [tilespmem:$0x10150]  }
0x11c: {  	v50 =	vld [tilespmem:$0x10160];
	v10 =	vadd.s32 v10, v11  }
0x11d: {  	v51 =	vld [tilespmem:$0x10170];
	v10 =	vadd.s32 v12, v10  }
0x11e: {  	v52 =	vld [tilespmem:$0x10180];
	v10 =	vadd.s32 v13, v10  }
0x11f: {  	v53 =	vld [tilespmem:$0x10190];
	v10 =	vadd.s32 v14, v10  }
0x120: {  	v54 =	vld [tilespmem:$0x101A0];
	v10 =	vadd.s32 v15, v10  }
0x121: {  	v55 =	vld [tilespmem:$0x101B0];
	v10 =	vadd.s32 v50, v10  }
0x122: {  	v56 =	vld [tilespmem:$0x101C0];
	v10 =	vadd.s32 v51, v10  }
0x123: {  	v57 =	vld [tilespmem:$0x101D0];
	v10 =	vadd.s32 v52, v10  }
0x124: {  	v58 =	vld [tilespmem:$0x101E0];
	v10 =	vadd.s32 v53, v10  }
0x125: {  	v59 =	vld [tilespmem:$0x101F0];
	v10 =	vadd.s32 v54, v10  }
0x126: {  	v10 =	vadd.s32 v55, v10  }
0x127: {  	v10 =	vadd.s32 v56, v10  }
0x128: {  	v10 =	vadd.s32 v57, v10  }
0x129: {  	v10 =	vadd.s32 v58, v10  }
0x12a: {  	v10 =	vadd.s32 v59, v10  }
0x12b: {  	v60 =	vperm.xlane v10, v3;
	_ =	sdelay $0x1  }
0x12c: {  	(xrf0) =	vadd.scan.msk.s32 $0xffff, v60;
	_ =	sdelay $0x5  }
0x12d: {  	v11, _, _ =	vpop (xrf0)  }
0x12e: {  	v8 =	vsub.s32 v9, v8;
	v61 =	vperm.xlane v11, v3  }
0x12f: {  	v6 =	vadd.s32 v6, v8  }
0x130: {  	vm13 =	vge.s32 v61, v6  }
0x131: {  	v62 =	vmpcnt.ones.xlane vm13;
	_ =	sdelay $0x1  }
0x132: {  	v63 =	vadd.s32 v4, v62;
	_ =	sdelay $0x4  }
0x133: {  	v11 =	vld.idx.msk [tilespmem:v63+s11+$0x0], $0xffff;
	_ =	sdelay $0x4  }
0x134: {  	v11 =	vperm.xlane v11, v3;
	_ =	sdelay $0x1  }
0x135: {  	(xrf0) =	vadd.scan.msk.s32 $0xffff, v11;
	_ =	sdelay $0x4  }
0x136: {  	v8 =	vadd.s32 $0xFFFFFFFF, v62  }
0x137: {  	v9 =	vperm.xlane v61, v8;
	v10 =	vperm.xlane v10, v8;
	v11, _, _ =	vpop (xrf0)  }
0x138: {  	v11 =	vperm.xlane v11, v3  }
0x139: {  	v9 =	vsub.s32 v9, v10  }
0x13a: {  	v9 =	vadd.s32 v11, v9  }
0x13b: {  	vm14 =	vge.s32 v9, v6  }
0x13c: {  	v7 =	vshll.u32 v7, $0x8;
	v8 =	vshll.u32 v8, $0x4;
	v6 =	vmpcnt.ones.xlane vm14  }
0x13d: {  	v7 =	vadd.s32 v8, v7  }
0x13e: {  	v6 =	vadd.s32 v6, v7;
	v7 =	vmov s19;
	s19 =	sadd.s32 $0x1, s19  }
0x13f: {  	p0 =	sne.s32 s19, $0x10  }
.Ltmp5:
0x140: {  	_ = 	snop;
	(pc) =	sbr.rel @p0 .LBB2_3-.Ltmp5, $4  }
0x141: {  	v6 =	vshll.u32 v6, $0x8  }
0x142: {  	v6 =	vadd.s32 $0xFFFFFF00, v6  }
0x143: {  	vm15 =	veq.s32 v7, v0;
	v6 =	vxor.u32 $0x80000000, v6  }
0x144: {  	s18 =	sadd.s32 $0x800, s18;
	s17 =	sadd.s32 $0x1, s17;
	v5 =	vsel vm15, v6, v5  }
0x145: {  	s18 =	sshll.u32 s16, $0x5  }
0x146: {  	s17 =	sshll.u32 s16, $0xD;
	p0 =	seq.s32 s16, $0x7;
	s18 =	sand.u32 $0x3FFFFFE0, s18  }
0x147: {  	s19 =	sadd.s32 @!p0 s17, s5;
	s20 =	simm.s32 @!p0 $0x0;
	[tilespmem:s18+$0x10000] =	vst v5  }
0x148: {  	[tilespmem:s20], [sflag:$0x1] =	stream.linear.gather @!p0 [hbm4b:s19+s20], $0x8000, $0x38;
	[tilespmem:$0x11100] =	vst v63  }
0x149: {  	_ =	swait.ge [sflag:s12], $0x8000  }
0x14a: {  	s21 =	simm.s32 $0x0;
	[sflag:s12] =	ssyncset.done $0x0  }
0x14b: {  	v5 =	vimm.s32 $0x0;
	s19 =	simm.s32 $0x0;
	s20 =	simm.s32 $0x0;
	[sflag:s12] =	ssyncadd.s32 $0xFFFF8000  }
.LBB2_11:
0x14c: {  	[tilespmem:$0x10100] =	vst v1  }
0x14d: {  	[tilespmem:$0x10110] =	vst v1  }
0x14e: {  	[tilespmem:$0x10120] =	vst v1  }
0x14f: {  	[tilespmem:$0x10130] =	vst v1  }
0x150: {  	[tilespmem:$0x10140] =	vst v1  }
0x151: {  	[tilespmem:$0x10150] =	vst v1  }
0x152: {  	[tilespmem:$0x10160] =	vst v1  }
0x153: {  	[tilespmem:$0x10170] =	vst v1  }
0x154: {  	[tilespmem:$0x10180] =	vst v1  }
0x155: {  	[tilespmem:$0x10190] =	vst v1  }
0x156: {  	[tilespmem:$0x101A0] =	vst v1  }
0x157: {  	s22 =	sshll.u32 s20, $0x2;
	s23 =	sand.u32 $0x7, s19;
	[tilespmem:$0x101B0] =	vst v1  }
0x158: {  	[tilespmem:$0x101C0] =	vst v1;
	s22 =	sand.u32 $0xFFFF0000, s22;
	s23 =	sshll.u32 s23, $0x9  }
0x159: {  	[tilespmem:$0x101D0] =	vst v1;
	s22 =	sor.u32 s23, s22  }
0x15a: {  	[tilespmem:$0x101E0] =	vst v1;
	s22 =	sshrl.u32 s22, $0x2  }
0x15b: {  	[tilespmem:$0x101F0] =	vst v1;
	s22 =	sadd.s32 $0x8000, s22  }
0x15c: {  	v7 =	vld [tilespmem:s22+$0x60]  }
0x15d: {  	v9 =	vld [tilespmem:s22+$0x0];
	_ =	sdelay $0x2  }
0x15e: {  	v6 =	vld [tilespmem:s22+$0x50]  }
0x15f: {  	v10 =	vld [tilespmem:s22+$0x70]  }
0x160: {  	v8 =	vld [tilespmem:s22+$0x10];
	v11 =	vshrl.u32 v9, $0x14;
	v13 =	vshrl.u32 v7, $0x14;
	v7 =	vshrl.u32 v7, $0x1C  }
0x161: {  	v12 =	vld [tilespmem:s22+$0x20];
	v9 =	vshrl.u32 v9, $0x1C;
	v11 =	vand.u32 $0xF0, v11;
	v13 =	vand.u32 $0xF0, v13  }
0x162: {  	v7 =	vor.u32 v7, v13;
	v13 =	vor.u32 v9, v11;
	v11 =	vld [tilespmem:s22+$0x40];
	_ =	sdelay $0x1  }
0x163: {  	v16 =	vshrl.u32 v10, $0x14  }
0x164: {  	v15 =	vshrl.u32 v10, $0x1C;
	v10 =	vshrl.u32 v8, $0x1C;
	v14 =	vshrl.u32 v6, $0x14;
	v9 =	vld [tilespmem:s22+$0x30]  }
0x165: {  	s23 =	simm.s32 $0x0;
	s24 =	sadd.s32 $0x400, s22;
	v17 =	vshrl.u32 v12, $0x14;
	v14 =	vand.u32 $0xF0, v14;
	v16 =	vand.u32 $0xF0, v16  }
.LBB2_12:
0x166: {  	v18 =	vld [tilespmem:s24+$0x60];
	s23 =	sadd.s32 $0x80, s23;
	v12 =	vshrl.u32 v12, $0x1C;
	v19 =	vshrl.u32 v11, $0x14;
	v11 =	vshrl.u32 v11, $0x1C  }
0x167: {  	v8 =	vshrl.u32 v8, $0x14;
	p1 =	slt.u32 s23, $0x780;
	[tilespmem:v13+s11+$0x0] =	vst.idx.add.s32.msk $0xffff, v2;
	v13 =	vand.u32 $0xF0, v17;
	v17 =	vand.u32 $0xF0, v19  }
0x168: {  	v8 =	vand.u32 $0xF0, v8;
	v19 =	vld [tilespmem:s24+$0x50];
	v17 =	vor.u32 v11, v17;
	v11 =	vor.u32 v15, v16  }
0x169: {  	v16 =	vor.u32 v10, v8;
	v10 =	vor.u32 v12, v13;
	v8 =	vshrl.u32 v9, $0x14;
	v15 =	vld [tilespmem:s24+$0x0]  }
0x16a: {  	v6 =	vshrl.u32 v6, $0x1C;
	v9 =	vshrl.u32 v9, $0x1C;
	v8 =	vand.u32 $0xF0, v8;
	[tilespmem:v7+s11+$0x0] =	vst.idx.add.s32.msk $0xffff, v2  }
0x16b: {  	v21 =	vor.u32 v9, v8;
	v9 =	vor.u32 v6, v14;
	v20 =	vld [tilespmem:s24+$0x70]  }
0x16c: {  	v8 =	vld [tilespmem:s24+$0x10]  }
0x16d: {  	[tilespmem:v11+s11+$0x0] =	vst.idx.add.s32.msk $0xffff, v2;
	v6 =	vmov v19  }
0x16e: {  	[tilespmem:v10+s11+$0x0] =	vst.idx.add.s32.msk $0xffff, v2  }
0x16f: {  	v13 =	vshrl.u32 v18, $0x1C;
	v7 =	vshrl.u32 v15, $0x14;
	v10 =	vshrl.u32 v18, $0x14;
	v11 =	vld [tilespmem:s24+$0x40]  }
0x170: {  	v14 =	vand.u32 $0xF0, v7;
	v7 =	vand.u32 $0xF0, v10;
	v12 =	vld [tilespmem:s24+$0x20]  }
.Ltmp6:
0x171: {  	v10 =	vshrl.u32 v15, $0x1C;
	v7 =	vor.u32 v13, v7;
	[tilespmem:v9+s11+$0x0] =	vst.idx.add.s32.msk $0xffff, v2;
	(pc) =	sbr.rel @p1 .LBB2_12-.Ltmp6, $4  }
0x172: {  	v13 =	vor.u32 v10, v14;
	v9 =	vld [tilespmem:s24+$0x30]  }
0x173: {  	v18 =	vshrl.u32 v20, $0x14;
	v15 =	vshrl.u32 v20, $0x1C;
	[tilespmem:v17+s11+$0x0] =	vst.idx.add.s32.msk $0xffff, v2  }
0x174: {  	v14 =	vshrl.u32 v6, $0x14;
	v10 =	vshrl.u32 v8, $0x1C;
	[tilespmem:v16+s11+$0x0] =	vst.idx.add.s32.msk $0xffff, v2  }
0x175: {  	v14 =	vand.u32 $0xF0, v14;
	s24 =	sadd.s32 $0x400, s24;
	v16 =	vand.u32 $0xF0, v18;
	v17 =	vshrl.u32 v12, $0x14;
	[tilespmem:v21+s11+$0x0] =	vst.idx.add.s32.msk $0xffff, v2  }
0x176: {  	v12 =	vshrl.u32 v12, $0x1C  }
0x177: {  	v18 =	vshrl.u32 v11, $0x14;
	v17 =	vand.u32 $0xF0, v17;
	v15 =	vor.u32 v15, v16  }
0x178: {  	v11 =	vshrl.u32 v11, $0x1C;
	v6 =	vshrl.u32 v6, $0x1C;
	v12 =	vor.u32 v12, v17  }
0x179: {  	v8 =	vshrl.u32 v8, $0x14;
	v16 =	vand.u32 $0xF0, v18;
	v6 =	vor.u32 v6, v14  }
0x17a: {  	[tilespmem:v13+s11+$0x0] =	vst.idx.add.s32.msk $0xffff, v2;
	v8 =	vand.u32 $0xF0, v8;
	v13 =	vshrl.u32 v9, $0x14;
	v11 =	vor.u32 v11, v16  }
0x17b: {  	[tilespmem:v7+s11+$0x0] =	vst.idx.add.s32.msk $0xffff, v2;
	v9 =	vshrl.u32 v9, $0x1C;
	v8 =	vor.u32 v10, v8;
	v10 =	vand.u32 $0xF0, v13  }
0x17c: {  	v7 =	vor.u32 v9, v10;
	[tilespmem:v15+s11+$0x0] =	vst.idx.add.s32.msk $0xffff, v2  }
0x17d: {  	[tilespmem:v12+s11+$0x0] =	vst.idx.add.s32.msk $0xffff, v2  }
0x17e: {  	[tilespmem:v6+s11+$0x0] =	vst.idx.add.s32.msk $0xffff, v2  }
0x17f: {  	[tilespmem:v11+s11+$0x0] =	vst.idx.add.s32.msk $0xffff, v2  }
0x180: {  	[tilespmem:v8+s11+$0x0] =	vst.idx.add.s32.msk $0xffff, v2  }
0x181: {  	[tilespmem:v7+s11+$0x0] =	vst.idx.add.s32.msk $0xffff, v2  }
0x182: {  	v6 =	vld [tilespmem:$0x10100]  }
0x183: {  	v7 =	vld [tilespmem:$0x10110]  }
0x184: {  	v8 =	vld [tilespmem:$0x10120]  }
0x185: {  	v9 =	vld [tilespmem:$0x10130]  }
0x186: {  	v10 =	vld [tilespmem:$0x10140]  }
0x187: {  	v11 =	vld [tilespmem:$0x10150]  }
0x188: {  	v6 =	vadd.s32 v6, v7;
	v7 =	vld [tilespmem:$0x10160]  }
0x189: {  	v6 =	vadd.s32 v8, v6;
	v8 =	vld [tilespmem:$0x10170]  }
0x18a: {  	v6 =	vadd.s32 v9, v6;
	v9 =	vld [tilespmem:$0x10180]  }
0x18b: {  	v6 =	vadd.s32 v10, v6;
	v10 =	vld [tilespmem:$0x10190]  }
0x18c: {  	v6 =	vadd.s32 v11, v6;
	v11 =	vld [tilespmem:$0x101A0]  }
0x18d: {  	v6 =	vadd.s32 v7, v6;
	v7 =	vld [tilespmem:$0x101B0]  }
0x18e: {  	v6 =	vadd.s32 v8, v6;
	v8 =	vld [tilespmem:$0x101C0]  }
0x18f: {  	v6 =	vadd.s32 v9, v6;
	v9 =	vld [tilespmem:$0x101D0]  }
0x190: {  	v6 =	vadd.s32 v10, v6;
	v10 =	vld [tilespmem:$0x101E0]  }
0x191: {  	v6 =	vadd.s32 v11, v6;
	v11 =	vld [tilespmem:$0x101F0]  }
0x192: {  	v6 =	vadd.s32 v7, v6  }
0x193: {  	v6 =	vadd.s32 v8, v6  }
0x194: {  	v6 =	vadd.s32 v9, v6  }
0x195: {  	v6 =	vadd.s32 v10, v6  }
0x196: {  	v6 =	vadd.s32 v11, v6  }
0x197: {  	v7 =	vperm.xlane v6, v3;
	_ =	sdelay $0x1  }
0x198: {  	(xrf0) =	vadd.scan.msk.s32 $0xffff, v7;
	_ =	sdelay $0x5  }
0x199: {  	v7, _, _ =	vpop (xrf0)  }
0x19a: {  	v7 =	vperm.xlane v7, v3;
	_ =	sdelay $0x1  }
0x19b: {  	vm0 =	vgt.s32 v7, $0x1FF  }
0x19c: {  	v8 =	vmpcnt.ones.xlane vm0;
	_ =	sdelay $0x1  }
0x19d: {  	v9 =	vadd.s32 v4, v8;
	_ =	sdelay $0x4  }
0x19e: {  	v9 =	vld.idx.msk [tilespmem:v9+s11+$0x0], $0xffff;
	[tilespmem:$0x10100] =	vst v1  }
0x19f: {  	[tilespmem:$0x10110] =	vst v1  }
0x1a0: {  	[tilespmem:$0x10120] =	vst v1  }
0x1a1: {  	[tilespmem:$0x10130] =	vst v1  }
0x1a2: {  	[tilespmem:$0x10140] =	vst v1  }
0x1a3: {  	[tilespmem:$0x10150] =	vst v1  }
0x1a4: {  	[tilespmem:$0x10160] =	vst v1  }
0x1a5: {  	[tilespmem:$0x10170] =	vst v1  }
0x1a6: {  	[tilespmem:$0x10180] =	vst v1  }
0x1a7: {  	[tilespmem:$0x10190] =	vst v1  }
0x1a8: {  	[tilespmem:$0x101A0] =	vst v1  }
0x1a9: {  	[tilespmem:$0x101B0] =	vst v1  }
0x1aa: {  	[tilespmem:$0x101C0] =	vst v1  }
0x1ab: {  	[tilespmem:$0x101D0] =	vst v1  }
0x1ac: {  	[tilespmem:$0x101E0] =	vst v1;
	v10 =	vperm.xlane v9, v3  }
0x1ad: {  	[tilespmem:$0x101F0] =	vst v1  }
0x1ae: {  	v11 =	vld [tilespmem:s22+$0x10];
	(xrf0) =	vadd.scan.msk.s32 $0xffff, v10  }
0x1af: {  	v14 =	vld [tilespmem:s22+$0x20]  }
0x1b0: {  	v18 =	vld [tilespmem:s22+$0x30]  }
0x1b1: {  	v22 =	vld [tilespmem:s22+$0x40]  }
0x1b2: {  	v8 =	vadd.s32 $0xFFFFFFFF, v8;
	v24 =	vld [tilespmem:s22+$0x50]  }
0x1b3: {  	v7 =	vperm.xlane v7, v8;
	v6 =	vperm.xlane v6, v8;
	v28 =	vld [tilespmem:s22+$0x60]  }
0x1b4: {  	v12 =	vshll.u32 v8, $0x4;
	v13 =	vld [tilespmem:s22+$0x0];
	v10, _, _ =	vpop (xrf0)  }
0x1b5: {  	v6 =	vsub.s32 v7, v6;
	v16 =	vshrl.u32 v11, $0xC;
	v10 =	vperm.xlane v10, v3  }
0x1b6: {  	v17 =	vshrl.u32 v14, $0xC;
	v21 =	vshrl.u32 v18, $0xC;
	v20 =	vshrl.u32 v18, $0x14  }
0x1b7: {  	v23 =	vshrl.u32 v22, $0xC;
	v25 =	vshrl.u32 v22, $0x14;
	v6 =	vadd.s32 v6, v10  }
0x1b8: {  	v27 =	vshrl.u32 v24, $0xC;
	v26 =	vshrl.u32 v24, $0x14;
	v10 =	vld [tilespmem:s22+$0x70];
	vm14 =	vgt.s32 v6, $0x1FF  }
0x1b9: {  	v30 =	vshrl.u32 v28, $0xC;
	v15 =	vshrl.u32 v13, $0x14;
	v7 =	vmpcnt.ones.xlane vm14  }
0x1ba: {  	v31 =	vshrl.u32 v28, $0x14;
	v15 =	vand.u32 $0xF, v15;
	v17 =	vand.u32 $0xF0, v17  }
0x1bb: {  	v21 =	vand.u32 $0xF0, v21;
	v23 =	vand.u32 $0xF0, v23;
	v7 =	vadd.s32 $0xFFFFFFFF, v7  }
0x1bc: {  	v27 =	vand.u32 $0xF0, v27;
	v6 =	vperm.xlane v6, v7;
	v8 =	vperm.xlane v9, v7  }
0x1bd: {  	v7 =	vadd.s32 v12, v7;
	v9 =	vshrl.u32 v10, $0xC;
	v12 =	vshrl.u32 v10, $0x14  }
0x1be: {  	v10 =	vshrl.u32 v10, $0x18;
	v12 =	vand.u32 $0xF, v12;
	v9 =	vand.u32 $0xF0, v9  }
0x1bf: {  	vm15 =	veq.s32 v10, v7;
	v10 =	vshrl.u32 v11, $0x14;
	v29 =	vor.u32 v12, v9  }
0x1c0: {  	v9 =	vand.u32 $0xF, v10;
	v10 =	vshrl.u32 v11, $0x18;
	v11 =	vshrl.u32 v13, $0xC  }
0x1c1: {  	v12 =	vshrl.u32 v14, $0x14;
	v13 =	vshrl.u32 v13, $0x18;
	v19 =	vand.u32 $0xF0, v11  }
0x1c2: {  	v11 =	vand.u32 $0xF0, v16;
	v12 =	vand.u32 $0xF, v12;
	v16 =	vshrl.u32 v14, $0x18  }
0x1c3: {  	v14 =	vand.u32 $0xF, v20;
	v20 =	vshrl.u32 v18, $0x18;
	v18 =	vand.u32 $0xF, v25  }
0x1c4: {  	v25 =	vshrl.u32 v22, $0x18;
	v22 =	vand.u32 $0xF, v26;
	v26 =	vshrl.u32 v24, $0x18  }
0x1c5: {  	s23 =	simm.s32 $0x0;
	s24 =	sadd.s32 $0x400, s22;
	v24 =	vand.u32 $0xF, v31;
	[tilespmem:v29+s11+$0x0] =	vst.idx.add.s32.msk vm15, v2;
	v29 =	vshrl.u32 v28, $0x18;
	v28 =	vand.u32 $0xF0, v30  }
.LBB2_14:
0x1c6: {  	v30 =	vld [tilespmem:s24+$0x70];
	s23 =	sadd.s32 $0x80, s23;
	vm6 =	veq.s32 v13, v7;
	v13 =	vor.u32 v15, v19;
	vm4 =	veq.s32 v10, v7  }
0x1c7: {  	v9 =	vor.u32 v9, v11;
	vm5 =	veq.s32 v16, v7;
	v11 =	vor.u32 v12, v17;
	v10 =	vld [tilespmem:s24+$0x10];
	p1 =	slt.u32 s23, $0x780  }
0x1c8: {  	vm3 =	veq.s32 v20, v7;
	v12 =	vor.u32 v14, v21;
	vm2 =	veq.s32 v25, v7;
	v16 =	vld [tilespmem:s24+$0x20]  }
0x1c9: {  	v14 =	vor.u32 v18, v23;
	vm1 =	veq.s32 v26, v7;
	v18 =	vor.u32 v22, v27;
	v20 =	vld [tilespmem:s24+$0x30]  }
0x1ca: {  	vm0 =	veq.s32 v29, v7;
	v23 =	vor.u32 v24, v28;
	v22 =	vld [tilespmem:s24+$0x40]  }
0x1cb: {  	v24 =	vld [tilespmem:s24+$0x50];
	v15 =	vshrl.u32 v30, $0xC;
	v17 =	vshrl.u32 v30, $0x14;
	v19 =	vshrl.u32 v30, $0x18  }
0x1cc: {  	v28 =	vld [tilespmem:s24+$0x60];
	v17 =	vand.u32 $0xF, v17;
	vm7 =	veq.s32 v19, v7;
	v15 =	vand.u32 $0xF0, v15  }
0x1cd: {  	v21 =	vshrl.u32 v10, $0xC;
	v25 =	vshrl.u32 v10, $0x14;
	v19 =	vld [tilespmem:s24+$0x0];
	v15 =	vor.u32 v17, v15  }
0x1ce: {  	v17 =	vshrl.u32 v16, $0xC;
	v26 =	vshrl.u32 v16, $0x14;
	v27 =	vshrl.u32 v20, $0xC;
	[tilespmem:v13+s11+$0x0] =	vst.idx.add.s32.msk vm6, v2  }
0x1cf: {  	v29 =	vshrl.u32 v20, $0x14;
	v30 =	vshrl.u32 v22, $0xC;
	v31 =	vshrl.u32 v22, $0x14;
	[tilespmem:v9+s11+$0x0] =	vst.idx.add.s32.msk vm4, v2  }
0x1d0: {  	v9 =	vand.u32 $0xF, v25;
	v32 =	vshrl.u32 v24, $0xC;
	v33 =	vshrl.u32 v24, $0x14;
	[tilespmem:v11+s11+$0x0] =	vst.idx.add.s32.msk vm5, v2  }
0x1d1: {  	v10 =	vshrl.u32 v10, $0x18;
	v34 =	vshrl.u32 v28, $0xC;
	v35 =	vshrl.u32 v28, $0x14;
	[tilespmem:v12+s11+$0x0] =	vst.idx.add.s32.msk vm3, v2  }
0x1d2: {  	v11 =	vshrl.u32 v19, $0xC;
	v12 =	vshrl.u32 v19, $0x14;
	v13 =	vshrl.u32 v19, $0x18;
	[tilespmem:v15+s11+$0x0] =	vst.idx.add.s32.msk vm7, v2  }
0x1d3: {  	v15 =	vand.u32 $0xF, v12;
	v19 =	vand.u32 $0xF0, v11;
	v11 =	vand.u32 $0xF0, v21;
	[tilespmem:v14+s11+$0x0] =	vst.idx.add.s32.msk vm2, v2  }
.Ltmp7:
0x1d4: {  	v16 =	vshrl.u32 v16, $0x18;
	v17 =	vand.u32 $0xF0, v17;
	v12 =	vand.u32 $0xF, v26;
	[tilespmem:v18+s11+$0x0] =	vst.idx.add.s32.msk vm1, v2;
	(pc) =	sbr.rel @p1 .LBB2_14-.Ltmp7, $4  }
0x1d5: {  	v20 =	vshrl.u32 v20, $0x18;
	v14 =	vand.u32 $0xF, v29;
	v21 =	vand.u32 $0xF0, v27;
	[tilespmem:v23+s11+$0x0] =	vst.idx.add.s32.msk vm0, v2  }
0x1d6: {  	v25 =	vshrl.u32 v22, $0x18;
	v18 =	vand.u32 $0xF, v31;
	v23 =	vand.u32 $0xF0, v30  }
0x1d7: {  	v22 =	vand.u32 $0xF, v33;
	v26 =	vshrl.u32 v24, $0x18;
	v27 =	vand.u32 $0xF0, v32  }
0x1d8: {  	s24 =	sadd.s32 $0x400, s24;
	v24 =	vand.u32 $0xF, v35;
	v29 =	vshrl.u32 v28, $0x18;
	v28 =	vand.u32 $0xF0, v34  }
0x1d9: {  	vm0 =	veq.s32 v13, v7  }
0x1da: {  	v13 =	vor.u32 v15, v19;
	vm1 =	veq.s32 v10, v7  }
0x1db: {  	v9 =	vor.u32 v9, v11;
	vm2 =	veq.s32 v16, v7  }
0x1dc: {  	v10 =	vor.u32 v12, v17;
	vm3 =	veq.s32 v20, v7  }
0x1dd: {  	v11 =	vor.u32 v14, v21;
	vm4 =	veq.s32 v25, v7  }
0x1de: {  	v12 =	vor.u32 v18, v23;
	vm5 =	veq.s32 v26, v7  }
0x1df: {  	v14 =	vor.u32 v22, v27;
	vm6 =	veq.s32 v29, v7;
	[tilespmem:v13+s11+$0x0] =	vst.idx.add.s32.msk vm0, v2  }
0x1e0: {  	v13 =	vor.u32 v24, v28;
	[tilespmem:v9+s11+$0x0] =	vst.idx.add.s32.msk vm1, v2  }
0x1e1: {  	[tilespmem:v10+s11+$0x0] =	vst.idx.add.s32.msk vm2, v2  }
0x1e2: {  	[tilespmem:v11+s11+$0x0] =	vst.idx.add.s32.msk vm3, v2  }
0x1e3: {  	[tilespmem:v12+s11+$0x0] =	vst.idx.add.s32.msk vm4, v2  }
0x1e4: {  	[tilespmem:v14+s11+$0x0] =	vst.idx.add.s32.msk vm5, v2  }
0x1e5: {  	[tilespmem:v13+s11+$0x0] =	vst.idx.add.s32.msk vm6, v2  }
0x1e6: {  	v9 =	vld [tilespmem:$0x10100]  }
0x1e7: {  	v10 =	vld [tilespmem:$0x10110]  }
0x1e8: {  	v11 =	vld [tilespmem:$0x10120]  }
0x1e9: {  	v12 =	vld [tilespmem:$0x10130]  }
0x1ea: {  	v13 =	vld [tilespmem:$0x10140]  }
0x1eb: {  	v14 =	vld [tilespmem:$0x10150]  }
0x1ec: {  	v9 =	vadd.s32 v9, v10;
	v10 =	vld [tilespmem:$0x10160]  }
0x1ed: {  	v9 =	vadd.s32 v11, v9;
	v11 =	vld [tilespmem:$0x10170]  }
0x1ee: {  	v9 =	vadd.s32 v12, v9;
	v12 =	vld [tilespmem:$0x10180]  }
0x1ef: {  	v9 =	vadd.s32 v13, v9;
	v13 =	vld [tilespmem:$0x10190]  }
0x1f0: {  	v9 =	vadd.s32 v14, v9;
	v14 =	vld [tilespmem:$0x101A0]  }
0x1f1: {  	v9 =	vadd.s32 v10, v9;
	v10 =	vld [tilespmem:$0x101B0]  }
0x1f2: {  	v9 =	vadd.s32 v11, v9;
	v11 =	vld [tilespmem:$0x101C0]  }
0x1f3: {  	v9 =	vadd.s32 v12, v9;
	v12 =	vld [tilespmem:$0x101D0]  }
0x1f4: {  	v9 =	vadd.s32 v13, v9;
	v13 =	vld [tilespmem:$0x101E0]  }
0x1f5: {  	v9 =	vadd.s32 v14, v9;
	v14 =	vld [tilespmem:$0x101F0]  }
0x1f6: {  	v9 =	vadd.s32 v10, v9  }
0x1f7: {  	v9 =	vadd.s32 v11, v9  }
0x1f8: {  	v9 =	vadd.s32 v12, v9  }
0x1f9: {  	v9 =	vadd.s32 v13, v9  }
0x1fa: {  	v9 =	vadd.s32 v14, v9  }
0x1fb: {  	v10 =	vperm.xlane v9, v3;
	_ =	sdelay $0x1  }
0x1fc: {  	(xrf0) =	vadd.scan.msk.s32 $0xffff, v10;
	_ =	sdelay $0x5  }
0x1fd: {  	v10, _, _ =	vpop (xrf0)  }
0x1fe: {  	v6 =	vsub.s32 v8, v6;
	v8 =	vperm.xlane v10, v3  }
0x1ff: {  	v6 =	vadd.s32 $0x200, v6  }
0x200: {  	vm13 =	vge.s32 v8, v6  }
0x201: {  	v10 =	vmpcnt.ones.xlane vm13;
	_ =	sdelay $0x1  }
0x202: {  	v11 =	vadd.s32 v4, v10;
	_ =	sdelay $0x4  }
0x203: {  	v11 =	vld.idx.msk [tilespmem:v11+s11+$0x0], $0xffff;
	[tilespmem:$0x10100] =	vst v1  }
0x204: {  	[tilespmem:$0x10110] =	vst v1  }
0x205: {  	[tilespmem:$0x10120] =	vst v1  }
0x206: {  	[tilespmem:$0x10130] =	vst v1  }
0x207: {  	[tilespmem:$0x10140] =	vst v1  }
0x208: {  	[tilespmem:$0x10150] =	vst v1  }
0x209: {  	[tilespmem:$0x10160] =	vst v1  }
0x20a: {  	[tilespmem:$0x10170] =	vst v1  }
0x20b: {  	[tilespmem:$0x10180] =	vst v1  }
0x20c: {  	[tilespmem:$0x10190] =	vst v1;
	v12 =	vperm.xlane v11, v3  }
0x20d: {  	[tilespmem:$0x101A0] =	vst v1  }
0x20e: {  	[tilespmem:$0x101B0] =	vst v1;
	(xrf0) =	vadd.scan.msk.s32 $0xffff, v12  }
0x20f: {  	[tilespmem:$0x101C0] =	vst v1  }
0x210: {  	[tilespmem:$0x101D0] =	vst v1  }
0x211: {  	[tilespmem:$0x101E0] =	vst v1  }
0x212: {  	[tilespmem:$0x101F0] =	vst v1  }
0x213: {  	v10 =	vadd.s32 $0xFFFFFFFF, v10;
	v13 =	vld [tilespmem:s22+$0x10]  }
0x214: {  	v8 =	vperm.xlane v8, v10;
	v9 =	vperm.xlane v9, v10;
	v15 =	vld [tilespmem:s22+$0x20];
	v12, _, _ =	vpop (xrf0)  }
0x215: {  	v19 =	vld [tilespmem:s22+$0x30];
	v12 =	vperm.xlane v12, v3  }
0x216: {  	v8 =	vsub.s32 v8, v9;
	v23 =	vld [tilespmem:s22+$0x40]  }
0x217: {  	v8 =	vadd.s32 v8, v12  }
0x218: {  	v7 =	vshll.u32 v7, $0x8;
	v10 =	vshll.u32 v10, $0x4;
	v12 =	vld [tilespmem:s22+$0x70];
	vm14 =	vge.s32 v8, v6  }
0x219: {  	v7 =	vadd.s32 v7, v10;
	v25 =	vld [tilespmem:s22+$0x50];
	v17 =	vshrl.u32 v13, $0x4;
	v9 =	vmpcnt.ones.xlane vm14  }
0x21a: {  	v29 =	vld [tilespmem:s22+$0x60];
	v18 =	vshrl.u32 v15, $0x4;
	v21 =	vshrl.u32 v15, $0xC;
	v22 =	vshrl.u32 v19, $0x4  }
0x21b: {  	v24 =	vshrl.u32 v19, $0xC;
	v27 =	vshrl.u32 v23, $0x4;
	v14 =	vadd.s32 $0xFFFFFFFF, v9  }
0x21c: {  	v26 =	vshrl.u32 v23, $0xC;
	v9 =	vperm.xlane v11, v14;
	v7 =	vadd.s32 v14, v7  }
0x21d: {  	v10 =	vshrl.u32 v12, $0x4;
	v11 =	vshrl.u32 v12, $0xC;
	v12 =	vshrl.u32 v12, $0x10  }
0x21e: {  	v28 =	vshrl.u32 v25, $0x4;
	v31 =	vshrl.u32 v25, $0xC;
	vm15 =	veq.s32 v12, v7;
	v12 =	vld [tilespmem:s22+$0x0]  }
0x21f: {  	v32 =	vshrl.u32 v29, $0x4;
	v33 =	vshrl.u32 v29, $0xC;
	v18 =	vand.u32 $0xF0, v18  }
0x220: {  	v22 =	vand.u32 $0xF0, v22;
	v28 =	vand.u32 $0xF0, v28;
	v8 =	vperm.xlane v8, v14  }
0x221: {  	v14 =	vshrl.u32 v13, $0xC;
	v11 =	vand.u32 $0xF, v11;
	v10 =	vand.u32 $0xF0, v10  }
0x222: {  	v30 =	vor.u32 v11, v10;
	v10 =	vand.u32 $0xF, v14;
	v11 =	vshrl.u32 v13, $0x10  }
0x223: {  	v13 =	vshrl.u32 v12, $0x4;
	v16 =	vshrl.u32 v12, $0xC;
	v14 =	vshrl.u32 v12, $0x10  }
0x224: {  	v12 =	vand.u32 $0xF0, v17;
	v17 =	vshrl.u32 v15, $0x10;
	v15 =	vand.u32 $0xF, v24  }
0x225: {  	v24 =	vand.u32 $0xF0, v27;
	v27 =	vshrl.u32 v25, $0x10;
	v25 =	vand.u32 $0xF, v33  }
0x226: {  	v16 =	vand.u32 $0xF, v16;
	v20 =	vand.u32 $0xF0, v13;
	v13 =	vand.u32 $0xF, v21  }
0x227: {  	v21 =	vshrl.u32 v19, $0x10;
	v19 =	vand.u32 $0xF, v26;
	v26 =	vshrl.u32 v23, $0x10  }
0x228: {  	s23 =	simm.s32 $0x0;
	s22 =	sadd.s32 $0x400, s22;
	v23 =	vand.u32 $0xF, v31;
	[tilespmem:v30+s11+$0x0] =	vst.idx.add.s32.msk vm15, v2;
	v30 =	vshrl.u32 v29, $0x10;
	v29 =	vand.u32 $0xF0, v32  }
.LBB2_16:
0x229: {  	v31 =	vld [tilespmem:s22+$0x70];
	s23 =	sadd.s32 $0x80, s23;
	vm6 =	veq.s32 v14, v7;
	v14 =	vor.u32 v16, v20;
	vm4 =	veq.s32 v11, v7  }
0x22a: {  	v10 =	vor.u32 v10, v12;
	vm5 =	veq.s32 v17, v7;
	v12 =	vor.u32 v13, v18;
	v11 =	vld [tilespmem:s22+$0x10];
	p1 =	slt.u32 s23, $0x780  }
0x22b: {  	vm3 =	veq.s32 v21, v7;
	v13 =	vor.u32 v15, v22;
	vm2 =	veq.s32 v26, v7;
	v17 =	vld [tilespmem:s22+$0x20]  }
0x22c: {  	v15 =	vor.u32 v19, v24;
	vm1 =	veq.s32 v27, v7;
	v19 =	vor.u32 v23, v28;
	v21 =	vld [tilespmem:s22+$0x30]  }
0x22d: {  	vm0 =	veq.s32 v30, v7;
	v24 =	vor.u32 v25, v29;
	v23 =	vld [tilespmem:s22+$0x40]  }
0x22e: {  	v25 =	vld [tilespmem:s22+$0x50];
	v16 =	vshrl.u32 v31, $0x4;
	v18 =	vshrl.u32 v31, $0xC;
	v20 =	vshrl.u32 v31, $0x10  }
0x22f: {  	v29 =	vld [tilespmem:s22+$0x60];
	v18 =	vand.u32 $0xF, v18;
	vm7 =	veq.s32 v20, v7;
	v16 =	vand.u32 $0xF0, v16  }
0x230: {  	v22 =	vshrl.u32 v11, $0x4;
	v26 =	vshrl.u32 v11, $0xC;
	v20 =	vld [tilespmem:s22+$0x0];
	v16 =	vor.u32 v18, v16  }
0x231: {  	v18 =	vshrl.u32 v17, $0x4;
	v27 =	vshrl.u32 v17, $0xC;
	v28 =	vshrl.u32 v21, $0x4;
	[tilespmem:v14+s11+$0x0] =	vst.idx.add.s32.msk vm6, v2  }
0x232: {  	v30 =	vshrl.u32 v21, $0xC;
	v31 =	vshrl.u32 v23, $0x4;
	v32 =	vshrl.u32 v23, $0xC;
	[tilespmem:v10+s11+$0x0] =	vst.idx.add.s32.msk vm4, v2  }
0x233: {  	v10 =	vand.u32 $0xF, v26;
	v33 =	vshrl.u32 v25, $0x4;
	v34 =	vshrl.u32 v25, $0xC;
	[tilespmem:v12+s11+$0x0] =	vst.idx.add.s32.msk vm5, v2  }
0x234: {  	v11 =	vshrl.u32 v11, $0x10;
	v35 =	vshrl.u32 v29, $0x4;
	v36 =	vshrl.u32 v29, $0xC;
	[tilespmem:v13+s11+$0x0] =	vst.idx.add.s32.msk vm3, v2  }
0x235: {  	v12 =	vshrl.u32 v20, $0x4;
	v13 =	vshrl.u32 v20, $0xC;
	v14 =	vshrl.u32 v20, $0x10;
	[tilespmem:v16+s11+$0x0] =	vst.idx.add.s32.msk vm7, v2  }
0x236: {  	v16 =	vand.u32 $0xF, v13;
	v20 =	vand.u32 $0xF0, v12;
	v12 =	vand.u32 $0xF0, v22;
	[tilespmem:v15+s11+$0x0] =	vst.idx.add.s32.msk vm2, v2  }
.Ltmp8:
0x237: {  	v17 =	vshrl.u32 v17, $0x10;
	v18 =	vand.u32 $0xF0, v18;
	v13 =	vand.u32 $0xF, v27;
	[tilespmem:v19+s11+$0x0] =	vst.idx.add.s32.msk vm1, v2;
	(pc) =	sbr.rel @p1 .LBB2_16-.Ltmp8, $4  }
0x238: {  	v21 =	vshrl.u32 v21, $0x10;
	v15 =	vand.u32 $0xF, v30;
	v22 =	vand.u32 $0xF0, v28;
	[tilespmem:v24+s11+$0x0] =	vst.idx.add.s32.msk vm0, v2  }
0x239: {  	v26 =	vshrl.u32 v23, $0x10;
	v19 =	vand.u32 $0xF, v32;
	v24 =	vand.u32 $0xF0, v31  }
0x23a: {  	v23 =	vand.u32 $0xF, v34;
	v27 =	vshrl.u32 v25, $0x10;
	v28 =	vand.u32 $0xF0, v33  }
0x23b: {  	s22 =	sadd.s32 $0x400, s22;
	v25 =	vand.u32 $0xF, v36;
	v30 =	vshrl.u32 v29, $0x10;
	v29 =	vand.u32 $0xF0, v35  }
0x23c: {  	vm0 =	veq.s32 v14, v7  }
0x23d: {  	v44 =	vor.u32 v16, v20;
	vm1 =	veq.s32 v11, v7  }
0x23e: {  	v10 =	vor.u32 v10, v12;
	vm2 =	veq.s32 v17, v7  }
0x23f: {  	v45 =	vor.u32 v13, v18;
	vm3 =	veq.s32 v21, v7  }
0x240: {  	v46 =	vor.u32 v15, v22;
	vm4 =	veq.s32 v26, v7  }
0x241: {  	v47 =	vor.u32 v19, v24;
	vm5 =	veq.s32 v27, v7  }
0x242: {  	v48 =	vor.u32 v23, v28;
	vm6 =	veq.s32 v30, v7;
	[tilespmem:v44+s11+$0x0] =	vst.idx.add.s32.msk vm0, v2  }
0x243: {  	v49 =	vor.u32 v25, v29;
	[tilespmem:v10+s11+$0x0] =	vst.idx.add.s32.msk vm1, v2  }
0x244: {  	[tilespmem:v45+s11+$0x0] =	vst.idx.add.s32.msk vm2, v2  }
0x245: {  	[tilespmem:v46+s11+$0x0] =	vst.idx.add.s32.msk vm3, v2  }
0x246: {  	[tilespmem:v47+s11+$0x0] =	vst.idx.add.s32.msk vm4, v2  }
0x247: {  	[tilespmem:v48+s11+$0x0] =	vst.idx.add.s32.msk vm5, v2  }
0x248: {  	[tilespmem:v49+s11+$0x0] =	vst.idx.add.s32.msk vm6, v2  }
0x249: {  	v10 =	vld [tilespmem:$0x10100]  }
0x24a: {  	v11 =	vld [tilespmem:$0x10110]  }
0x24b: {  	v12 =	vld [tilespmem:$0x10120]  }
0x24c: {  	v13 =	vld [tilespmem:$0x10130]  }
0x24d: {  	v14 =	vld [tilespmem:$0x10140]  }
0x24e: {  	v15 =	vld [tilespmem:$0x10150]  }
0x24f: {  	v50 =	vld [tilespmem:$0x10160];
	v10 =	vadd.s32 v10, v11  }
0x250: {  	v51 =	vld [tilespmem:$0x10170];
	v10 =	vadd.s32 v12, v10  }
0x251: {  	v52 =	vld [tilespmem:$0x10180];
	v10 =	vadd.s32 v13, v10  }
0x252: {  	v53 =	vld [tilespmem:$0x10190];
	v10 =	vadd.s32 v14, v10  }
0x253: {  	v54 =	vld [tilespmem:$0x101A0];
	v10 =	vadd.s32 v15, v10  }
0x254: {  	v55 =	vld [tilespmem:$0x101B0];
	v10 =	vadd.s32 v50, v10  }
0x255: {  	v56 =	vld [tilespmem:$0x101C0];
	v10 =	vadd.s32 v51, v10  }
0x256: {  	v57 =	vld [tilespmem:$0x101D0];
	v10 =	vadd.s32 v52, v10  }
0x257: {  	v58 =	vld [tilespmem:$0x101E0];
	v10 =	vadd.s32 v53, v10  }
0x258: {  	v59 =	vld [tilespmem:$0x101F0];
	v10 =	vadd.s32 v54, v10  }
0x259: {  	v10 =	vadd.s32 v55, v10  }
0x25a: {  	v10 =	vadd.s32 v56, v10  }
0x25b: {  	v10 =	vadd.s32 v57, v10  }
0x25c: {  	v10 =	vadd.s32 v58, v10  }
0x25d: {  	v10 =	vadd.s32 v59, v10  }
0x25e: {  	v60 =	vperm.xlane v10, v3;
	_ =	sdelay $0x1  }
0x25f: {  	(xrf0) =	vadd.scan.msk.s32 $0xffff, v60;
	_ =	sdelay $0x5  }
0x260: {  	v11, _, _ =	vpop (xrf0)  }
0x261: {  	v8 =	vsub.s32 v9, v8;
	v61 =	vperm.xlane v11, v3  }
0x262: {  	v6 =	vadd.s32 v6, v8  }
0x263: {  	vm13 =	vge.s32 v61, v6  }
0x264: {  	v62 =	vmpcnt.ones.xlane vm13;
	_ =	sdelay $0x1  }
0x265: {  	v63 =	vadd.s32 v4, v62;
	_ =	sdelay $0x4  }
0x266: {  	v11 =	vld.idx.msk [tilespmem:v63+s11+$0x0], $0xffff;
	_ =	sdelay $0x4  }
0x267: {  	v11 =	vperm.xlane v11, v3;
	_ =	sdelay $0x1  }
0x268: {  	(xrf0) =	vadd.scan.msk.s32 $0xffff, v11;
	_ =	sdelay $0x4  }
0x269: {  	v8 =	vadd.s32 $0xFFFFFFFF, v62  }
0x26a: {  	v9 =	vperm.xlane v61, v8;
	v10 =	vperm.xlane v10, v8;
	v11, _, _ =	vpop (xrf0)  }
0x26b: {  	v11 =	vperm.xlane v11, v3  }
0x26c: {  	v9 =	vsub.s32 v9, v10  }
0x26d: {  	v9 =	vadd.s32 v11, v9  }
0x26e: {  	vm14 =	vge.s32 v9, v6  }
0x26f: {  	v7 =	vshll.u32 v7, $0x8;
	v8 =	vshll.u32 v8, $0x4;
	v6 =	vmpcnt.ones.xlane vm14  }
0x270: {  	v7 =	vadd.s32 v8, v7  }
0x271: {  	v6 =	vadd.s32 v6, v7;
	v7 =	vmov s21;
	s21 =	sadd.s32 $0x1, s21  }
0x272: {  	p1 =	sne.s32 s21, $0x10  }
.Ltmp9:
0x273: {  	_ = 	snop;
	(pc) =	sbr.rel @p1 .LBB2_11-.Ltmp9, $4  }
0x274: {  	v6 =	vshll.u32 v6, $0x8  }
0x275: {  	v6 =	vadd.s32 $0xFFFFFF00, v6  }
0x276: {  	vm15 =	veq.s32 v7, v0;
	v6 =	vxor.u32 $0x80000000, v6  }
0x277: {  	s20 =	sadd.s32 $0x800, s20;
	s19 =	sadd.s32 $0x1, s19;
	v5 =	vsel vm15, v6, v5  }
.Ltmp10:
0x278: {  	(pc) =	sbr.rel @p0 .LBB2_20-.Ltmp10, $2  }
0x279: {  	_ =	sdelay $0x2  }
0x27a: {  	[tilespmem:s18+$0x10010] =	vst v5  }
.Ltmp11:
0x27b: {  	(pc) =	sbr.rel .LBB2_2-.Ltmp11, $3  }
0x27c: {  	_ =	sdelay $0x1  }
0x27d: {  	s17 =	sadd.s32 s17, s6;
	s16 =	sadd.s32 $0x1, s16  }
0x27e: {  	[tilespmem:s9], [sflag:$0x2] =	stream.linear.gather [hbm4b:s17+s2], $0x8000, $0x38;
	[tilespmem:$0x11100] =	vst v63  }
.LBB2_21:
0x27f: {  	_ =	sfence.sel $0x180000  }
0x280: {  	[bflag:$0x0] =	sbarrier.arrive $0xFFFF  }
0x281: {  	p0 =	sne.s32 s0, $0x0;
	_ =	strace $0x90000047  }
0x282: {  	s0 =	sadd.s32 @!p0 $0x100000, s1;
	[bflag:$0x2] =	sbarrier.arrive $0xFFFF  }
0x283: {  	[sflag:s0] =	ssyncadd.tile.s32 @!p0 $0x1;
	_ =	shalt  }
.Lfunc_end2:
_tile_overlayer_lowered:
.L_overlay_start_2:
0x284: {  	(tag) =	ssettag $0x2  }
0x285: {  	s0 =	rddreg [dreg:$0x0];
	s2 =	stileid.u32  }
0x286: {  	s1 =	rddreg [dreg:$0x1];
	p0 =	sne.s32 s2, $0x0  }
0x287: {  	s3 =	rddreg [dreg:$0x2];
	[bflag:$0x3] =	sbarrier.arrive $0xFFFF;
	s2 =	simm.s32 @!p0 $0x1C03  }
0x288: {  	[timem:s3], [sflag:s2] =	dma.local @!p0 [hbm:s0], s1  }
0x289: {  	s0 =	simm.s32 @!p0 $0x3  }
0x28a: {  	_ =	swait.ge @!p0 [sflag:s0], s1  }
0x28b: {  	s1 =	ssub.s32 @!p0 $0x0, s1;
	[sflag:s0] =	ssyncset.done @!p0 $0x0  }
0x28c: {  	[sflag:s0] =	ssyncadd.s32 @!p0 s1  }
0x28d: {  	[bflag:$0x3] =	sbarrier.arrive $0xFFFF  }
0x28e: {  	_ =	shalt  }

</sc_bundles>
